<compile_context>
chip_gen: v7x
topology: tpu7x:2x2x1
jax: 0.10.2.dev20260603
libtpu: 0.0.44.dev20260713+nightly
codegen_flags: <defaults>
</compile_context>

<pallas_src>
import functools

import jax
import jax.numpy as jnp
from jax import lax
from jax.experimental import pallas as pl
from jax.experimental.pallas import tpu as pltpu
from jax.experimental.pallas import tpu_sc as plsc

N = 10000
E = 160000
D = 256

NC = 2
NS = 16
NW = NC * NS
L = 16

CHUNK = 128
E_PAD = 163840
ROWS_ALL = E_PAD // CHUNK
RPW = ROWS_ALL // NW
BIGB = 8


def _mesh():
    return plsc.VectorSubcoreMesh(core_axis_name="c", subcore_axis_name="s")


HALF = N // NC
TRASH = HALF
RPT_A = ROWS_ALL // NS
NBLK_A = RPT_A // BIGB
HBINS = 10240
HSLICE = HBINS // NS


def _hist_phase(dst2d):
    @functools.partial(
        pl.kernel,
        out_type=jax.ShapeDtypeStruct((2 * N,), jnp.float32),
        mesh=_mesh(),
        compiler_params=pltpu.CompilerParams(use_tc_tiling_on_sc=False,
                                             needs_layout_passes=False),
        scratch_types=[
            pltpu.VMEM((BIGB, CHUNK), jnp.int32),
            pltpu.VMEM((HBINS,), jnp.float32),
            pltpu.VMEM((NS, HSLICE), jnp.float32),
            pltpu.VMEM_SHARED((NS, HBINS), jnp.float32),
        ],
    )
    def k(dst_hbm, deg_hbm, slab, hist, red, hists_sh):
        c = lax.axis_index("c")
        s = lax.axis_index("s")
        ones = jnp.full((L,), 1.0, jnp.float32)

        def zb(i, _):
            hist[pl.ds(i * L, L)] = jnp.full((L,), 0.0, jnp.float32)
            return 0
        lax.fori_loop(0, HBINS // L, zb, 0)

        def blk(b, _):
            row0 = c * (ROWS_ALL // NC) + s * (RPT_A // NC) + b * BIGB
            pltpu.sync_copy(dst_hbm.at[pl.ds(row0, BIGB)], slab)

            def win(w, _):
                r = w // (CHUNK // L)
                col = (w % (CHUNK // L)) * L
                v = slab[r, pl.ds(col, L)]
                plsc.addupdate_scatter(hist, [v], ones)
                return 0
            lax.fori_loop(0, BIGB * (CHUNK // L), win, 0)
            return 0
        lax.fori_loop(0, NBLK_A // NC, blk, 0)

        pltpu.sync_copy(hist, hists_sh.at[s])
        plsc.subcore_barrier()

        for t in range(NS):
            pltpu.sync_copy(hists_sh.at[t, pl.ds(s * HSLICE, HSLICE)],
                            red.at[t])

        def rw(w, _):
            acc = red[0, pl.ds(w * L, L)]
            for t in range(1, NS):
                acc = acc + red[t, pl.ds(w * L, L)]
            hist[pl.ds(w * L, L)] = acc
            return 0
        lax.fori_loop(0, HSLICE // L, rw, 0)

        @pl.when(s < 15)
        def _():
            pltpu.sync_copy(hist.at[pl.ds(0, HSLICE)],
                            deg_hbm.at[pl.ds(c * N + s * HSLICE, HSLICE)])

        @pl.when(s == 15)
        def _():
            pltpu.sync_copy(hist.at[pl.ds(0, 400)],
                            deg_hbm.at[pl.ds(c * N + 9600, 400)])

    return k(dst2d)


ACC_ROWS = HALF + 8
HROWS = RPT_A // 2
SELSZ = HROWS * CHUNK + 2 * CHUNK + L
DUMP0 = SELSZ - L


def _scatter_phase(src2d, dst2d, y):
    @functools.partial(
        pl.kernel,
        out_type=jax.ShapeDtypeStruct((N, D), jnp.float32),
        mesh=_mesh(),
        compiler_params=pltpu.CompilerParams(use_tc_tiling_on_sc=False,
                                             needs_layout_passes=False),
        scratch_types=[
            pltpu.VMEM((BIGB, CHUNK), jnp.int32),
            pltpu.VMEM((BIGB, CHUNK), jnp.int32),
            pltpu.VMEM((SELSZ,), jnp.int32),
            pltpu.VMEM((SELSZ,), jnp.int32),
            pltpu.VMEM((CHUNK, D), jnp.float32),
            pltpu.VMEM_SHARED((ACC_ROWS, D), jnp.float32),
            pltpu.SemaphoreType.DMA,
        ],
    )
    def k(src_hbm, dst_hbm, y_hbm, acc_hbm,
          sslab, dslab, sel_s, sel_d, rb0, acc_sh, semg0):
        c = lax.axis_index("c")
        s = lax.axis_index("s")
        lo = c * HALF
        hi = lo + HALF
        trash16 = jnp.full((L,), TRASH, jnp.int32)
        zero16 = jnp.full((L,), 0, jnp.int32)

        def zb(i, _):
            r = i // (D // L)
            col = (i % (D // L)) * L
            rb0[r, pl.ds(col, L)] = jnp.full((L,), 0.0, jnp.float32)
            return 0
        lax.fori_loop(0, L * (D // L), zb, 0)
        for k2 in range(19):
            pltpu.sync_copy(rb0.at[pl.ds(0, L)],
                            acc_sh.at[pl.ds(s * 313 + k2 * L, L)])
        pltpu.sync_copy(rb0.at[pl.ds(0, 9)],
                        acc_sh.at[pl.ds(s * 313 + 304, 9)])

        plsc.subcore_barrier()

        for half in range(2):
            def blk(b, cnt):
                row0 = s * RPT_A + half * HROWS + b * BIGB
                pltpu.sync_copy(src_hbm.at[pl.ds(row0, BIGB)], sslab)
                pltpu.sync_copy(dst_hbm.at[pl.ds(row0, BIGB)], dslab)

                def win(w, cnt):
                    r = w // (CHUNK // L)
                    col = (w % (CHUNK // L)) * L
                    vd = dslab[r, pl.ds(col, L)]
                    vs = sslab[r, pl.ds(col, L)]
                    ok = (vd >= lo) & (vd < hi)
                    oki = jnp.where(ok, jnp.int32(1), jnp.int32(0))
                    cum = plsc.cumsum(oki)
                    lane = lax.iota(jnp.int32, L)
                    pos = jnp.where(ok, cnt + cum - 1, DUMP0 + lane)
                    plsc.store_scatter(sel_s, [pos], vs)
                    plsc.store_scatter(sel_d, [pos], vd - lo)
                    return cnt + jnp.sum(oki)
                return lax.fori_loop(0, BIGB * (CHUNK // L), win, cnt)
            cnt = lax.fori_loop(0, HROWS // BIGB, blk, jnp.int32(0))

            for k2 in range(CHUNK // L):
                sel_s[pl.ds(cnt + k2 * L, L)] = zero16
                sel_d[pl.ds(cnt + k2 * L, L)] = trash16

            nchunks = (cnt + CHUNK - 1) // CHUNK

            def chunk(j, _):
                j0 = j * CHUNK
                g0 = pltpu.async_copy(
                    y_hbm.at[sel_s.at[pl.ds(j0, CHUNK)]], rb0, semg0)
                g0.wait()
                pltpu.sync_copy(rb0, acc_sh.at[sel_d.at[pl.ds(j0, CHUNK)]],
                                add=True)
                return 0
            lax.fori_loop(0, nchunks, chunk, 0)

        plsc.subcore_barrier()

        off = jnp.where(s < 15, s * 312, 4680)

        @pl.when(s < 15)
        def _():
            for k2 in range(2):
                pltpu.sync_copy(acc_sh.at[pl.ds(off + k2 * CHUNK, CHUNK)],
                                rb0)
                pltpu.sync_copy(
                    rb0, acc_hbm.at[pl.ds(lo + off + k2 * CHUNK, CHUNK)])
            pltpu.sync_copy(acc_sh.at[pl.ds(off + 256, 56)],
                            rb0.at[pl.ds(0, 56)])
            pltpu.sync_copy(rb0.at[pl.ds(0, 56)],
                            acc_hbm.at[pl.ds(lo + off + 256, 56)])

        @pl.when(s == 15)
        def _():
            for k2 in range(2):
                pltpu.sync_copy(acc_sh.at[pl.ds(off + k2 * CHUNK, CHUNK)],
                                rb0)
                pltpu.sync_copy(
                    rb0, acc_hbm.at[pl.ds(lo + off + k2 * CHUNK, CHUNK)])
            pltpu.sync_copy(acc_sh.at[pl.ds(off + 256, 64)],
                            rb0.at[pl.ds(0, 64)])
            pltpu.sync_copy(rb0.at[pl.ds(0, 64)],
                            acc_hbm.at[pl.ds(lo + off + 256, 64)])

    return k(src2d, dst2d, y)


_ROWS_B = 1000


def _dense_phase(x, W, degf2d):
    def body(x_ref, w_ref, d0_ref, d1_ref, y_ref, dinv_ref):
        xw = jnp.dot(x_ref[...], w_ref[...],
                     preferred_element_type=jnp.float32)
        dv = lax.rsqrt(d0_ref[...] + d1_ref[...] + 1.0)
        y_ref[...] = xw * dv
        dinv_ref[...] = dv

    nblk = N // _ROWS_B
    return pl.pallas_call(
        body,
        grid=(nblk,),
        in_specs=[
            pl.BlockSpec((_ROWS_B, D), lambda i: (i, 0)),
            pl.BlockSpec((D, D), lambda i: (0, 0)),
            pl.BlockSpec((_ROWS_B, 1), lambda i: (i, 0)),
            pl.BlockSpec((_ROWS_B, 1), lambda i: (i + nblk, 0)),
        ],
        out_specs=[
            pl.BlockSpec((_ROWS_B, D), lambda i: (i, 0)),
            pl.BlockSpec((_ROWS_B, 1), lambda i: (i, 0)),
        ],
        out_shape=[
            jax.ShapeDtypeStruct((N, D), jnp.float32),
            jax.ShapeDtypeStruct((N, 1), jnp.float32),
        ],
    )(x, W, degf2d, degf2d)


def _finish_phase(acc, y, dinv, b2d):
    def body(acc_ref, y_ref, dinv_ref, b_ref, out_ref):
        out_ref[...] = (dinv_ref[...] * (acc_ref[...] + y_ref[...])
                        + b_ref[...])

    return pl.pallas_call(
        body,
        grid=(N // _ROWS_B,),
        in_specs=[
            pl.BlockSpec((_ROWS_B, D), lambda i: (i, 0)),
            pl.BlockSpec((_ROWS_B, D), lambda i: (i, 0)),
            pl.BlockSpec((_ROWS_B, 1), lambda i: (i, 0)),
            pl.BlockSpec((1, D), lambda i: (0, 0)),
        ],
        out_specs=pl.BlockSpec((_ROWS_B, D), lambda i: (i, 0)),
        out_shape=jax.ShapeDtypeStruct((N, D), jnp.float32),
    )(acc, y, dinv, b2d)


def kernel(x, edge_index, W, b):
    src = edge_index[0]
    dst = edge_index[1]
    src2d = jnp.pad(src, (0, E_PAD - E)).reshape(ROWS_ALL, CHUNK)
    dst2d = jnp.pad(dst, (0, E_PAD - E),
                    constant_values=N).reshape(ROWS_ALL, CHUNK)

    degf = _hist_phase(dst2d)

    y, dinv = _dense_phase(x, W, degf.reshape(2 * N, 1))

    acc = _scatter_phase(src2d, dst2d, y)

    return _finish_phase(acc, y, dinv, b.reshape(1, D))

# --- scband reference (transcript-rebuilt; emitter-appended) ---
"""Pipeline reference for scband-my-graph-layer-75187697483853 (READ-ONLY COPY).

The authoritative reference and input builder live on the scoring server;
editing this copy changes nothing except your own understanding.
"""

import jax, jax.numpy as jnp
import numpy as np

N = 10000
E = 160000
D = 256

def setup_inputs(seed: int = 0) -> dict:
    key = jax.random.key(seed)
    k1, k2, k3 = jax.random.split(key, 3)
    x = jax.random.normal(k1, (N, D), dtype=jnp.float32)
    edge_index = jax.random.randint(k2, (2, E), 0, N, dtype=jnp.int32)
    # GCNConv learned parameters: weight (glorot) and bias (zeros), as in PyG defaults
    s = float(np.sqrt(6.0 / (D + D)))
    W = jax.random.uniform(k3, (D, D), minval=-s, maxval=s, dtype=jnp.float32)
    b = jnp.zeros((D,), dtype=jnp.float32)
    return {"x": x, "edge_index": edge_index, "W": W, "b": b}

def reference(x, edge_index, W, b):
    # Faithful GCNConv (PyG semantics): add self-loops, symmetric normalization,
    # message = norm * (x W)[src], scatter-add at dst, then add bias.
    src = edge_index[0]
    dst = edge_index[1]
    loop = jnp.arange(N, dtype=edge_index.dtype)
    src = jnp.concatenate([src, loop], axis=0)
    dst = jnp.concatenate([dst, loop], axis=0)
    xw = x @ W
    ones = jnp.ones((src.shape[0],), dtype=jnp.float32)
    deg = jnp.zeros((N,), dtype=jnp.float32).at[dst].add(ones)
    dinv = jnp.where(deg > 0, jax.lax.rsqrt(jnp.maximum(deg, 1e-12)), 0.0)
    norm = dinv[src] * dinv[dst]
    msg = xw[src] * norm[:, None]
    out = jnp.zeros((N, D), dtype=jnp.float32).at[dst].add(msg)
    out = out + b
    return out

if __name__ == "__main__":
    import jax
    _d = setup_inputs()
    print(jax.jit(kernel)(*tuple(_d.values())))

</pallas_src>

<mosaic_0001>
#map = affine_map<(d0, d1) -> (0, 0)>
module attributes {stable_mosaic.version = 14 : i64} {
  func.func @k(%arg0: i32, %arg1: i32, %arg2: memref<1280x128xi32, #tpu.memory_space<hbm>>, %arg3: memref<1280x128xi32, #tpu.memory_space<hbm>>, %arg4: memref<10000x256xf32, #tpu.memory_space<hbm>>, %arg5: memref<10000x256xf32, #tpu.memory_space<hbm>>, %arg6: memref<8x128xi32, #tpu.memory_space<vmem>>, %arg7: memref<8x128xi32, #tpu.memory_space<vmem>>, %arg8: memref<5392xi32, #tpu.memory_space<vmem>>, %arg9: memref<5392xi32, #tpu.memory_space<vmem>>, %arg10: memref<128x256xf32, #tpu.memory_space<vmem>>, %arg11: memref<5008x256xf32, #tpu.memory_space<vmem_shared>>, %arg12: memref<!tpu.dma_semaphore, #tpu.memory_space<semaphore_mem>>) attributes {dimension_semantics = [#tpu.dimension_semantics<core_parallel>, #tpu.dimension_semantics<subcore_parallel>], iteration_bounds = array<i64: 2, 16>, scalar_prefetch = 0 : i64, scratch_operands = 7 : i64, tpu.core_type = #tpu.core_type<sc_vector_subcore>, window_params = [{transform_indices = #map}, {transform_indices = #map}, {transform_indices = #map}, {transform_indices = #map}]} {
    %mul3A = arith.constant 5000 : i32
    %mul3A_0 = arith.muli %arg0, %mul3A : i32
    %add3A = arith.constant 5000 : i32
    %add3A_1 = arith.addi %mul3A_0, %add3A : i32
    %broadcast_in_dim3A = arith.constant 5000 : i32
    %broadcast_in_dim3A_2 = vector.broadcast %broadcast_in_dim3A : i32 to vector<16xi32>
    %broadcast_in_dim3A_3 = arith.constant 0 : i32
    %broadcast_in_dim3A_4 = vector.broadcast %broadcast_in_dim3A_3 : i32 to vector<16xi32>
    %scan3A = arith.constant 0 : i32
    %scan3A_5 = arith.constant 0 : i32
    %scan3A_6 = arith.constant 256 : i32
    %scan3A_7 = arith.addi %scan3A_5, %scan3A_6 : i32
    %scan3A_8 = arith.constant 1 : i32
    %scan3A_9 = scf.for %scan3A_316 = %scan3A_5 to %scan3A_7 step %scan3A_8 iter_args(%scan3A_317 = %scan3A) -> (i32)  : i32 {
      %jit3A_318 = arith.constant 16 : i32
      %div3A_319 = arith.divsi %scan3A_316, %jit3A_318 : i32
      %sign3A_320 = arith.constant 0 : i32
      %sign3A_321 = arith.cmpi sgt, %scan3A_316, %sign3A_320 : i32
      %sign3A_322 = arith.extui %sign3A_321 : i1 to i32
      %sign3A_323 = arith.constant 0 : i32
      %sign3A_324 = arith.cmpi slt, %scan3A_316, %sign3A_323 : i32
      %sign3A_325 = arith.extui %sign3A_324 : i1 to i32
      %sign3A_326 = arith.subi %sign3A_322, %sign3A_325 : i32
      %sign3A_327 = arith.constant 0 : i32
      %sign3A_328 = arith.cmpi sgt, %jit3A_318, %sign3A_327 : i32
      %sign3A_329 = arith.extui %sign3A_328 : i1 to i32
      %sign3A_330 = arith.constant 0 : i32
      %sign3A_331 = arith.cmpi slt, %jit3A_318, %sign3A_330 : i32
      %sign3A_332 = arith.extui %sign3A_331 : i1 to i32
      %sign3A_333 = arith.subi %sign3A_329, %sign3A_332 : i32
      %ne3A_334 = arith.cmpi ne, %sign3A_326, %sign3A_333 : i32
      %rem3A_335 = arith.remsi %scan3A_316, %jit3A_318 : i32
      %ne3A_336 = arith.constant 0 : i32
      %ne3A_337 = arith.cmpi ne, %rem3A_335, %ne3A_336 : i32
      %and3A_338 = arith.andi %ne3A_334, %ne3A_337 : i1
      %sub3A_339 = arith.constant 1 : i32
      %sub3A_340 = arith.subi %div3A_319, %sub3A_339 : i32
      %select_n3A_341 = arith.select %and3A_338, %sub3A_340, %div3A_319 : i32
      %jit3A_342 = arith.constant 16 : i32
      %eq3A_343 = arith.constant 0 : i32
      %eq3A_344 = arith.cmpi eq, %jit3A_342, %eq3A_343 : i32
      %jit3A_345 = arith.constant 1 : i32
      %select_n3A_346 = arith.select %eq3A_344, %jit3A_345, %jit3A_342 : i32
      %rem3A_347 = arith.remsi %scan3A_316, %select_n3A_346 : i32
      %ne3A_348 = arith.constant 0 : i32
      %ne3A_349 = arith.cmpi ne, %rem3A_347, %ne3A_348 : i32
      %lt3A_350 = arith.constant 0 : i32
      %lt3A_351 = arith.cmpi slt, %rem3A_347, %lt3A_350 : i32
      %lt3A_352 = arith.constant 0 : i32
      %lt3A_353 = arith.cmpi slt, %select_n3A_346, %lt3A_352 : i32
      %ne3A_354 = arith.xori %lt3A_351, %lt3A_353 : i1
      %and3A_355 = arith.andi %ne3A_354, %ne3A_349 : i1
      %add3A_356 = arith.addi %rem3A_347, %select_n3A_346 : i32
      %select_n3A_357 = arith.select %and3A_355, %add3A_356, %rem3A_347 : i32
      %mul3A_358 = arith.constant 16 : i32
      %mul3A_359 = arith.muli %select_n3A_357, %mul3A_358 : i32
      %broadcast_in_dim3A_360 = arith.constant 0.000000e+00 : f32
      %broadcast_in_dim3A_361 = vector.broadcast %broadcast_in_dim3A_360 : f32 to vector<16xf32>
      %swap3A_362 = arith.index_cast %select_n3A_341 : i32 to index
      %swap3A_363 = arith.index_cast %mul3A_359 : i32 to index
      %swap3A_364 = tpu.vector_load %arg10[%swap3A_362, %swap3A_363] {strides = array<i32>} : memref<128x256xf32, #tpu.memory_space<vmem>>, vector<16xf32>,
      tpu.vector_store %arg10[%swap3A_362, %swap3A_363], %broadcast_in_dim3A_361 {strides = array<i32>} : memref<128x256xf32, #tpu.memory_space<vmem>>, vector<16xf32>,
      %scan3A_365 = arith.constant 0 : i32
      scf.yield %scan3A_365 : i32
    }
    %scan3A_10 = arith.constant 256 : i32
    %mul3A_11 = arith.constant 313 : i32
    %mul3A_12 = arith.muli %arg1, %mul3A_11 : i32
    %add3A_13 = arith.constant 0 : i32
    %add3A_14 = arith.addi %mul3A_12, %add3A_13 : i32
    "tpu.region"() ({
      %run_scoped3A = tpu.sem_alloc : memref<!tpu.dma_semaphore, #tpu.memory_space<semaphore_mem>>
      %dma_start3A = arith.constant 0 : i32
      %dma_start3A_316 = arith.constant 0 : i32
      %dma_start3A_317 = tpu.memref_slice %arg10[%dma_start3A, %dma_start3A_316] : memref<128x256xf32, #tpu.memory_space<vmem>> -> memref<16x256xf32, #tpu.memory_space<vmem>>
      %dma_start3A_318 = arith.constant 0 : i32
      %dma_start3A_319 = tpu.memref_slice %arg11[%add3A_14, %dma_start3A_318] : memref<5008x256xf32, #tpu.memory_space<vmem_shared>> -> memref<16x256xf32, #tpu.memory_space<vmem_shared>>
      %dma_start3A_320 = arith.constant 0 : i32
      %dma_start3A_321 = tpu.memref_slice %arg11[%add3A_14, %dma_start3A_320] : memref<5008x256xf32, #tpu.memory_space<vmem_shared>> -> memref<16x256xf32, #tpu.memory_space<vmem_shared>>
      %dma_start3A_322 = arith.constant 0 : i32
      %dma_start3A_323 = arith.constant 0 : i32
      %dma_start3A_324 = tpu.memref_slice %arg10[%dma_start3A_322, %dma_start3A_323] : memref<128x256xf32, #tpu.memory_space<vmem>> -> memref<16x256xf32, #tpu.memory_space<vmem>>
      tpu.enqueue_dma source(%dma_start3A_324 : memref<16x256xf32, #tpu.memory_space<vmem>>) target(%dma_start3A_321 : memref<16x256xf32, #tpu.memory_space<vmem_shared>>) target_semaphore(%run_scoped3A : memref<!tpu.dma_semaphore, #tpu.memory_space<semaphore_mem>>)
      %dma_wait3A = arith.constant 0 : i32
      %dma_wait3A_325 = arith.constant 0 : i32
      %dma_wait3A_326 = tpu.memref_slice %arg10[%dma_wait3A, %dma_wait3A_325] : memref<128x256xf32, #tpu.memory_space<vmem>> -> memref<16x256xf32, #tpu.memory_space<vmem>>
      %dma_wait3A_327 = arith.constant 0 : i32
      %dma_wait3A_328 = tpu.memref_slice %arg11[%add3A_14, %dma_wait3A_327] : memref<5008x256xf32, #tpu.memory_space<vmem_shared>> -> memref<16x256xf32, #tpu.memory_space<vmem_shared>>
      %dma_wait3A_329 = arith.constant 0 : i32
      %dma_wait3A_330 = tpu.memref_slice %arg11[%add3A_14, %dma_wait3A_329] : memref<5008x256xf32, #tpu.memory_space<vmem_shared>> -> memref<16x256xf32, #tpu.memory_space<vmem_shared>>
      %dma_wait3A_331 = arith.constant 0 : i32
      %dma_wait3A_332 = arith.constant 0 : i32
      %dma_wait3A_333 = tpu.memref_slice %arg10[%dma_wait3A_331, %dma_wait3A_332] : memref<128x256xf32, #tpu.memory_space<vmem>> -> memref<16x256xf32, #tpu.memory_space<vmem>>
      tpu.wait_dma2 semaphore(%run_scoped3A : memref<!tpu.dma_semaphore, #tpu.memory_space<semaphore_mem>>) src(%dma_wait3A_333 : memref<16x256xf32, #tpu.memory_space<vmem>>) dst(%dma_wait3A_330 : memref<16x256xf32, #tpu.memory_space<vmem_shared>>)
      tpu.yield
    }) : () -> ()
    %mul3A_15 = arith.constant 313 : i32
    %mul3A_16 = arith.muli %arg1, %mul3A_15 : i32
    %add3A_17 = arith.constant 16 : i32
    %add3A_18 = arith.addi %mul3A_16, %add3A_17 : i32
    "tpu.region"() ({
      %run_scoped3A = tpu.sem_alloc : memref<!tpu.dma_semaphore, #tpu.memory_space<semaphore_mem>>
      %dma_start3A = arith.constant 0 : i32
      %dma_start3A_316 = arith.constant 0 : i32
      %dma_start3A_317 = tpu.memref_slice %arg10[%dma_start3A, %dma_start3A_316] : memref<128x256xf32, #tpu.memory_space<vmem>> -> memref<16x256xf32, #tpu.memory_space<vmem>>
      %dma_start3A_318 = arith.constant 0 : i32
      %dma_start3A_319 = tpu.memref_slice %arg11[%add3A_18, %dma_start3A_318] : memref<5008x256xf32, #tpu.memory_space<vmem_shared>> -> memref<16x256xf32, #tpu.memory_space<vmem_shared>>
      %dma_start3A_320 = arith.constant 0 : i32
      %dma_start3A_321 = tpu.memref_slice %arg11[%add3A_18, %dma_start3A_320] : memref<5008x256xf32, #tpu.memory_space<vmem_shared>> -> memref<16x256xf32, #tpu.memory_space<vmem_shared>>
      %dma_start3A_322 = arith.constant 0 : i32
      %dma_start3A_323 = arith.constant 0 : i32
      %dma_start3A_324 = tpu.memref_slice %arg10[%dma_start3A_322, %dma_start3A_323] : memref<128x256xf32, #tpu.memory_space<vmem>> -> memref<16x256xf32, #tpu.memory_space<vmem>>
      tpu.enqueue_dma source(%dma_start3A_324 : memref<16x256xf32, #tpu.memory_space<vmem>>) target(%dma_start3A_321 : memref<16x256xf32, #tpu.memory_space<vmem_shared>>) target_semaphore(%run_scoped3A : memref<!tpu.dma_semaphore, #tpu.memory_space<semaphore_mem>>)
      %dma_wait3A = arith.constant 0 : i32
      %dma_wait3A_325 = arith.constant 0 : i32
      %dma_wait3A_326 = tpu.memref_slice %arg10[%dma_wait3A, %dma_wait3A_325] : memref<128x256xf32, #tpu.memory_space<vmem>> -> memref<16x256xf32, #tpu.memory_space<vmem>>
      %dma_wait3A_327 = arith.constant 0 : i32
      %dma_wait3A_328 = tpu.memref_slice %arg11[%add3A_18, %dma_wait3A_327] : memref<5008x256xf32, #tpu.memory_space<vmem_shared>> -> memref<16x256xf32, #tpu.memory_space<vmem_shared>>
      %dma_wait3A_329 = arith.constant 0 : i32
      %dma_wait3A_330 = tpu.memref_slice %arg11[%add3A_18, %dma_wait3A_329] : memref<5008x256xf32, #tpu.memory_space<vmem_shared>> -> memref<16x256xf32, #tpu.memory_space<vmem_shared>>
      %dma_wait3A_331 = arith.constant 0 : i32
      %dma_wait3A_332 = arith.constant 0 : i32
      %dma_wait3A_333 = tpu.memref_slice %arg10[%dma_wait3A_331, %dma_wait3A_332] : memref<128x256xf32, #tpu.memory_space<vmem>> -> memref<16x256xf32, #tpu.memory_space<vmem>>
      tpu.wait_dma2 semaphore(%run_scoped3A : memref<!tpu.dma_semaphore, #tpu.memory_space<semaphore_mem>>) src(%dma_wait3A_333 : memref<16x256xf32, #tpu.memory_space<vmem>>) dst(%dma_wait3A_330 : memref<16x256xf32, #tpu.memory_space<vmem_shared>>)
      tpu.yield
    }) : () -> ()
    %mul3A_19 = arith.constant 313 : i32
    %mul3A_20 = arith.muli %arg1, %mul3A_19 : i32
    %add3A_21 = arith.constant 32 : i32
    %add3A_22 = arith.addi %mul3A_20, %add3A_21 : i32
    "tpu.region"() ({
      %run_scoped3A = tpu.sem_alloc : memref<!tpu.dma_semaphore, #tpu.memory_space<semaphore_mem>>
      %dma_start3A = arith.constant 0 : i32
      %dma_start3A_316 = arith.constant 0 : i32
      %dma_start3A_317 = tpu.memref_slice %arg10[%dma_start3A, %dma_start3A_316] : memref<128x256xf32, #tpu.memory_space<vmem>> -> memref<16x256xf32, #tpu.memory_space<vmem>>
      %dma_start3A_318 = arith.constant 0 : i32
      %dma_start3A_319 = tpu.memref_slice %arg11[%add3A_22, %dma_start3A_318] : memref<5008x256xf32, #tpu.memory_space<vmem_shared>> -> memref<16x256xf32, #tpu.memory_space<vmem_shared>>
      %dma_start3A_320 = arith.constant 0 : i32
      %dma_start3A_321 = tpu.memref_slice %arg11[%add3A_22, %dma_start3A_320] : memref<5008x256xf32, #tpu.memory_space<vmem_shared>> -> memref<16x256xf32, #tpu.memory_space<vmem_shared>>
      %dma_start3A_322 = arith.constant 0 : i32
      %dma_start3A_323 = arith.constant 0 : i32
      %dma_start3A_324 = tpu.memref_slice %arg10[%dma_start3A_322, %dma_start3A_323] : memref<128x256xf32, #tpu.memory_space<vmem>> -> memref<16x256xf32, #tpu.memory_space<vmem>>
      tpu.enqueue_dma source(%dma_start3A_324 : memref<16x256xf32, #tpu.memory_space<vmem>>) target(%dma_start3A_321 : memref<16x256xf32, #tpu.memory_space<vmem_shared>>) target_semaphore(%run_scoped3A : memref<!tpu.dma_semaphore, #tpu.memory_space<semaphore_mem>>)
      %dma_wait3A = arith.constant 0 : i32
      %dma_wait3A_325 = arith.constant 0 : i32
      %dma_wait3A_326 = tpu.memref_slice %arg10[%dma_wait3A, %dma_wait3A_325] : memref<128x256xf32, #tpu.memory_space<vmem>> -> memref<16x256xf32, #tpu.memory_space<vmem>>
      %dma_wait3A_327 = arith.constant 0 : i32
      %dma_wait3A_328 = tpu.memref_slice %arg11[%add3A_22, %dma_wait3A_327] : memref<5008x256xf32, #tpu.memory_space<vmem_shared>> -> memref<16x256xf32, #tpu.memory_space<vmem_shared>>
      %dma_wait3A_329 = arith.constant 0 : i32
      %dma_wait3A_330 = tpu.memref_slice %arg11[%add3A_22, %dma_wait3A_329] : memref<5008x256xf32, #tpu.memory_space<vmem_shared>> -> memref<16x256xf32, #tpu.memory_space<vmem_shared>>
      %dma_wait3A_331 = arith.constant 0 : i32
      %dma_wait3A_332 = arith.constant 0 : i32
      %dma_wait3A_333 = tpu.memref_slice %arg10[%dma_wait3A_331, %dma_wait3A_332] : memref<128x256xf32, #tpu.memory_space<vmem>> -> memref<16x256xf32, #tpu.memory_space<vmem>>
      tpu.wait_dma2 semaphore(%run_scoped3A : memref<!tpu.dma_semaphore, #tpu.memory_space<semaphore_mem>>) src(%dma_wait3A_333 : memref<16x256xf32, #tpu.memory_space<vmem>>) dst(%dma_wait3A_330 : memref<16x256xf32, #tpu.memory_space<vmem_shared>>)
      tpu.yield
    }) : () -> ()
    %mul3A_23 = arith.constant 313 : i32
    %mul3A_24 = arith.muli %arg1, %mul3A_23 : i32
    %add3A_25 = arith.constant 48 : i32
    %add3A_26 = arith.addi %mul3A_24, %add3A_25 : i32
    "tpu.region"() ({
      %run_scoped3A = tpu.sem_alloc : memref<!tpu.dma_semaphore, #tpu.memory_space<semaphore_mem>>
      %dma_start3A = arith.constant 0 : i32
      %dma_start3A_316 = arith.constant 0 : i32
      %dma_start3A_317 = tpu.memref_slice %arg10[%dma_start3A, %dma_start3A_316] : memref<128x256xf32, #tpu.memory_space<vmem>> -> memref<16x256xf32, #tpu.memory_space<vmem>>
      %dma_start3A_318 = arith.constant 0 : i32
      %dma_start3A_319 = tpu.memref_slice %arg11[%add3A_26, %dma_start3A_318] : memref<5008x256xf32, #tpu.memory_space<vmem_shared>> -> memref<16x256xf32, #tpu.memory_space<vmem_shared>>
      %dma_start3A_320 = arith.constant 0 : i32
      %dma_start3A_321 = tpu.memref_slice %arg11[%add3A_26, %dma_start3A_320] : memref<5008x256xf32, #tpu.memory_space<vmem_shared>> -> memref<16x256xf32, #tpu.memory_space<vmem_shared>>
      %dma_start3A_322 = arith.constant 0 : i32
      %dma_start3A_323 = arith.constant 0 : i32
      %dma_start3A_324 = tpu.memref_slice %arg10[%dma_start3A_322, %dma_start3A_323] : memref<128x256xf32, #tpu.memory_space<vmem>> -> memref<16x256xf32, #tpu.memory_space<vmem>>
      tpu.enqueue_dma source(%dma_start3A_324 : memref<16x256xf32, #tpu.memory_space<vmem>>) target(%dma_start3A_321 : memref<16x256xf32, #tpu.memory_space<vmem_shared>>) target_semaphore(%run_scoped3A : memref<!tpu.dma_semaphore, #tpu.memory_space<semaphore_mem>>)
      %dma_wait3A = arith.constant 0 : i32
      %dma_wait3A_325 = arith.constant 0 : i32
      %dma_wait3A_326 = tpu.memref_slice %arg10[%dma_wait3A, %dma_wait3A_325] : memref<128x256xf32, #tpu.memory_space<vmem>> -> memref<16x256xf32, #tpu.memory_space<vmem>>
      %dma_wait3A_327 = arith.constant 0 : i32
      %dma_wait3A_328 = tpu.memref_slice %arg11[%add3A_26, %dma_wait3A_327] : memref<5008x256xf32, #tpu.memory_space<vmem_shared>> -> memref<16x256xf32, #tpu.memory_space<vmem_shared>>
      %dma_wait3A_329 = arith.constant 0 : i32
      %dma_wait3A_330 = tpu.memref_slice %arg11[%add3A_26, %dma_wait3A_329] : memref<5008x256xf32, #tpu.memory_space<vmem_shared>> -> memref<16x256xf32, #tpu.memory_space<vmem_shared>>
      %dma_wait3A_331 = arith.constant 0 : i32
      %dma_wait3A_332 = arith.constant 0 : i32
      %dma_wait3A_333 = tpu.memref_slice %arg10[%dma_wait3A_331, %dma_wait3A_332] : memref<128x256xf32, #tpu.memory_space<vmem>> -> memref<16x256xf32, #tpu.memory_space<vmem>>
      tpu.wait_dma2 semaphore(%run_scoped3A : memref<!tpu.dma_semaphore, #tpu.memory_space<semaphore_mem>>) src(%dma_wait3A_333 : memref<16x256xf32, #tpu.memory_space<vmem>>) dst(%dma_wait3A_330 : memref<16x256xf32, #tpu.memory_space<vmem_shared>>)
      tpu.yield
    }) : () -> ()
    %mul3A_27 = arith.constant 313 : i32
    %mul3A_28 = arith.muli %arg1, %mul3A_27 : i32
    %add3A_29 = arith.constant 64 : i32
    %add3A_30 = arith.addi %mul3A_28, %add3A_29 : i32
    "tpu.region"() ({
      %run_scoped3A = tpu.sem_alloc : memref<!tpu.dma_semaphore, #tpu.memory_space<semaphore_mem>>
      %dma_start3A = arith.constant 0 : i32
      %dma_start3A_316 = arith.constant 0 : i32
      %dma_start3A_317 = tpu.memref_slice %arg10[%dma_start3A, %dma_start3A_316] : memref<128x256xf32, #tpu.memory_space<vmem>> -> memref<16x256xf32, #tpu.memory_space<vmem>>
      %dma_start3A_318 = arith.constant 0 : i32
      %dma_start3A_319 = tpu.memref_slice %arg11[%add3A_30, %dma_start3A_318] : memref<5008x256xf32, #tpu.memory_space<vmem_shared>> -> memref<16x256xf32, #tpu.memory_space<vmem_shared>>
      %dma_start3A_320 = arith.constant 0 : i32
      %dma_start3A_321 = tpu.memref_slice %arg11[%add3A_30, %dma_start3A_320] : memref<5008x256xf32, #tpu.memory_space<vmem_shared>> -> memref<16x256xf32, #tpu.memory_space<vmem_shared>>
      %dma_start3A_322 = arith.constant 0 : i32
      %dma_start3A_323 = arith.constant 0 : i32
      %dma_start3A_324 = tpu.memref_slice %arg10[%dma_start3A_322, %dma_start3A_323] : memref<128x256xf32, #tpu.memory_space<vmem>> -> memref<16x256xf32, #tpu.memory_space<vmem>>
      tpu.enqueue_dma source(%dma_start3A_324 : memref<16x256xf32, #tpu.memory_space<vmem>>) target(%dma_start3A_321 : memref<16x256xf32, #tpu.memory_space<vmem_shared>>) target_semaphore(%run_scoped3A : memref<!tpu.dma_semaphore, #tpu.memory_space<semaphore_mem>>)
      %dma_wait3A = arith.constant 0 : i32
      %dma_wait3A_325 = arith.constant 0 : i32
      %dma_wait3A_326 = tpu.memref_slice %arg10[%dma_wait3A, %dma_wait3A_325] : memref<128x256xf32, #tpu.memory_space<vmem>> -> memref<16x256xf32, #tpu.memory_space<vmem>>
      %dma_wait3A_327 = arith.constant 0 : i32
      %dma_wait3A_328 = tpu.memref_slice %arg11[%add3A_30, %dma_wait3A_327] : memref<5008x256xf32, #tpu.memory_space<vmem_shared>> -> memref<16x256xf32, #tpu.memory_space<vmem_shared>>
      %dma_wait3A_329 = arith.constant 0 : i32
      %dma_wait3A_330 = tpu.memref_slice %arg11[%add3A_30, %dma_wait3A_329] : memref<5008x256xf32, #tpu.memory_space<vmem_shared>> -> memref<16x256xf32, #tpu.memory_space<vmem_shared>>
      %dma_wait3A_331 = arith.constant 0 : i32
      %dma_wait3A_332 = arith.constant 0 : i32
      %dma_wait3A_333 = tpu.memref_slice %arg10[%dma_wait3A_331, %dma_wait3A_332] : memref<128x256xf32, #tpu.memory_space<vmem>> -> memref<16x256xf32, #tpu.memory_space<vmem>>
      tpu.wait_dma2 semaphore(%run_scoped3A : memref<!tpu.dma_semaphore, #tpu.memory_space<semaphore_mem>>) src(%dma_wait3A_333 : memref<16x256xf32, #tpu.memory_space<vmem>>) dst(%dma_wait3A_330 : memref<16x256xf32, #tpu.memory_space<vmem_shared>>)
      tpu.yield
    }) : () -> ()
    %mul3A_31 = arith.constant 313 : i32
    %mul3A_32 = arith.muli %arg1, %mul3A_31 : i32
    %add3A_33 = arith.constant 80 : i32
    %add3A_34 = arith.addi %mul3A_32, %add3A_33 : i32
    "tpu.region"() ({
      %run_scoped3A = tpu.sem_alloc : memref<!tpu.dma_semaphore, #tpu.memory_space<semaphore_mem>>
      %dma_start3A = arith.constant 0 : i32
      %dma_start3A_316 = arith.constant 0 : i32
      %dma_start3A_317 = tpu.memref_slice %arg10[%dma_start3A, %dma_start3A_316] : memref<128x256xf32, #tpu.memory_space<vmem>> -> memref<16x256xf32, #tpu.memory_space<vmem>>
      %dma_start3A_318 = arith.constant 0 : i32
      %dma_start3A_319 = tpu.memref_slice %arg11[%add3A_34, %dma_start3A_318] : memref<5008x256xf32, #tpu.memory_space<vmem_shared>> -> memref<16x256xf32, #tpu.memory_space<vmem_shared>>
      %dma_start3A_320 = arith.constant 0 : i32
      %dma_start3A_321 = tpu.memref_slice %arg11[%add3A_34, %dma_start3A_320] : memref<5008x256xf32, #tpu.memory_space<vmem_shared>> -> memref<16x256xf32, #tpu.memory_space<vmem_shared>>
      %dma_start3A_322 = arith.constant 0 : i32
      %dma_start3A_323 = arith.constant 0 : i32
      %dma_start3A_324 = tpu.memref_slice %arg10[%dma_start3A_322, %dma_start3A_323] : memref<128x256xf32, #tpu.memory_space<vmem>> -> memref<16x256xf32, #tpu.memory_space<vmem>>
      tpu.enqueue_dma source(%dma_start3A_324 : memref<16x256xf32, #tpu.memory_space<vmem>>) target(%dma_start3A_321 : memref<16x256xf32, #tpu.memory_space<vmem_shared>>) target_semaphore(%run_scoped3A : memref<!tpu.dma_semaphore, #tpu.memory_space<semaphore_mem>>)
      %dma_wait3A = arith.constant 0 : i32
      %dma_wait3A_325 = arith.constant 0 : i32
      %dma_wait3A_326 = tpu.memref_slice %arg10[%dma_wait3A, %dma_wait3A_325] : memref<128x256xf32, #tpu.memory_space<vmem>> -> memref<16x256xf32, #tpu.memory_space<vmem>>
      %dma_wait3A_327 = arith.constant 0 : i32
      %dma_wait3A_328 = tpu.memref_slice %arg11[%add3A_34, %dma_wait3A_327] : memref<5008x256xf32, #tpu.memory_space<vmem_shared>> -> memref<16x256xf32, #tpu.memory_space<vmem_shared>>
      %dma_wait3A_329 = arith.constant 0 : i32
      %dma_wait3A_330 = tpu.memref_slice %arg11[%add3A_34, %dma_wait3A_329] : memref<5008x256xf32, #tpu.memory_space<vmem_shared>> -> memref<16x256xf32, #tpu.memory_space<vmem_shared>>
      %dma_wait3A_331 = arith.constant 0 : i32
      %dma_wait3A_332 = arith.constant 0 : i32
      %dma_wait3A_333 = tpu.memref_slice %arg10[%dma_wait3A_331, %dma_wait3A_332] : memref<128x256xf32, #tpu.memory_space<vmem>> -> memref<16x256xf32, #tpu.memory_space<vmem>>
      tpu.wait_dma2 semaphore(%run_scoped3A : memref<!tpu.dma_semaphore, #tpu.memory_space<semaphore_mem>>) src(%dma_wait3A_333 : memref<16x256xf32, #tpu.memory_space<vmem>>) dst(%dma_wait3A_330 : memref<16x256xf32, #tpu.memory_space<vmem_shared>>)
      tpu.yield
    }) : () -> ()
    %mul3A_35 = arith.constant 313 : i32
    %mul3A_36 = arith.muli %arg1, %mul3A_35 : i32
    %add3A_37 = arith.constant 96 : i32
    %add3A_38 = arith.addi %mul3A_36, %add3A_37 : i32
    "tpu.region"() ({
      %run_scoped3A = tpu.sem_alloc : memref<!tpu.dma_semaphore, #tpu.memory_space<semaphore_mem>>
      %dma_start3A = arith.constant 0 : i32
      %dma_start3A_316 = arith.constant 0 : i32
      %dma_start3A_317 = tpu.memref_slice %arg10[%dma_start3A, %dma_start3A_316] : memref<128x256xf32, #tpu.memory_space<vmem>> -> memref<16x256xf32, #tpu.memory_space<vmem>>
      %dma_start3A_318 = arith.constant 0 : i32
      %dma_start3A_319 = tpu.memref_slice %arg11[%add3A_38, %dma_start3A_318] : memref<5008x256xf32, #tpu.memory_space<vmem_shared>> -> memref<16x256xf32, #tpu.memory_space<vmem_shared>>
      %dma_start3A_320 = arith.constant 0 : i32
      %dma_start3A_321 = tpu.memref_slice %arg11[%add3A_38, %dma_start3A_320] : memref<5008x256xf32, #tpu.memory_space<vmem_shared>> -> memref<16x256xf32, #tpu.memory_space<vmem_shared>>
      %dma_start3A_322 = arith.constant 0 : i32
      %dma_start3A_323 = arith.constant 0 : i32
      %dma_start3A_324 = tpu.memref_slice %arg10[%dma_start3A_322, %dma_start3A_323] : memref<128x256xf32, #tpu.memory_space<vmem>> -> memref<16x256xf32, #tpu.memory_space<vmem>>
      tpu.enqueue_dma source(%dma_start3A_324 : memref<16x256xf32, #tpu.memory_space<vmem>>) target(%dma_start3A_321 : memref<16x256xf32, #tpu.memory_space<vmem_shared>>) target_semaphore(%run_scoped3A : memref<!tpu.dma_semaphore, #tpu.memory_space<semaphore_mem>>)
      %dma_wait3A = arith.constant 0 : i32
      %dma_wait3A_325 = arith.constant 0 : i32
      %dma_wait3A_326 = tpu.memref_slice %arg10[%dma_wait3A, %dma_wait3A_325] : memref<128x256xf32, #tpu.memory_space<vmem>> -> memref<16x256xf32, #tpu.memory_space<vmem>>
      %dma_wait3A_327 = arith.constant 0 : i32
      %dma_wait3A_328 = tpu.memref_slice %arg11[%add3A_38, %dma_wait3A_327] : memref<5008x256xf32, #tpu.memory_space<vmem_shared>> -> memref<16x256xf32, #tpu.memory_space<vmem_shared>>
      %dma_wait3A_329 = arith.constant 0 : i32
      %dma_wait3A_330 = tpu.memref_slice %arg11[%add3A_38, %dma_wait3A_329] : memref<5008x256xf32, #tpu.memory_space<vmem_shared>> -> memref<16x256xf32, #tpu.memory_space<vmem_shared>>
      %dma_wait3A_331 = arith.constant 0 : i32
      %dma_wait3A_332 = arith.constant 0 : i32
      %dma_wait3A_333 = tpu.memref_slice %arg10[%dma_wait3A_331, %dma_wait3A_332] : memref<128x256xf32, #tpu.memory_space<vmem>> -> memref<16x256xf32, #tpu.memory_space<vmem>>
      tpu.wait_dma2 semaphore(%run_scoped3A : memref<!tpu.dma_semaphore, #tpu.memory_space<semaphore_mem>>) src(%dma_wait3A_333 : memref<16x256xf32, #tpu.memory_space<vmem>>) dst(%dma_wait3A_330 : memref<16x256xf32, #tpu.memory_space<vmem_shared>>)
      tpu.yield
    }) : () -> ()
    %mul3A_39 = arith.constant 313 : i32
    %mul3A_40 = arith.muli %arg1, %mul3A_39 : i32
    %add3A_41 = arith.constant 112 : i32
    %add3A_42 = arith.addi %mul3A_40, %add3A_41 : i32
    "tpu.region"() ({
      %run_scoped3A = tpu.sem_alloc : memref<!tpu.dma_semaphore, #tpu.memory_space<semaphore_mem>>
      %dma_start3A = arith.constant 0 : i32
      %dma_start3A_316 = arith.constant 0 : i32
      %dma_start3A_317 = tpu.memref_slice %arg10[%dma_start3A, %dma_start3A_316] : memref<128x256xf32, #tpu.memory_space<vmem>> -> memref<16x256xf32, #tpu.memory_space<vmem>>
      %dma_start3A_318 = arith.constant 0 : i32
      %dma_start3A_319 = tpu.memref_slice %arg11[%add3A_42, %dma_start3A_318] : memref<5008x256xf32, #tpu.memory_space<vmem_shared>> -> memref<16x256xf32, #tpu.memory_space<vmem_shared>>
      %dma_start3A_320 = arith.constant 0 : i32
      %dma_start3A_321 = tpu.memref_slice %arg11[%add3A_42, %dma_start3A_320] : memref<5008x256xf32, #tpu.memory_space<vmem_shared>> -> memref<16x256xf32, #tpu.memory_space<vmem_shared>>
      %dma_start3A_322 = arith.constant 0 : i32
      %dma_start3A_323 = arith.constant 0 : i32
      %dma_start3A_324 = tpu.memref_slice %arg10[%dma_start3A_322, %dma_start3A_323] : memref<128x256xf32, #tpu.memory_space<vmem>> -> memref<16x256xf32, #tpu.memory_space<vmem>>
      tpu.enqueue_dma source(%dma_start3A_324 : memref<16x256xf32, #tpu.memory_space<vmem>>) target(%dma_start3A_321 : memref<16x256xf32, #tpu.memory_space<vmem_shared>>) target_semaphore(%run_scoped3A : memref<!tpu.dma_semaphore, #tpu.memory_space<semaphore_mem>>)
      %dma_wait3A = arith.constant 0 : i32
      %dma_wait3A_325 = arith.constant 0 : i32
      %dma_wait3A_326 = tpu.memref_slice %arg10[%dma_wait3A, %dma_wait3A_325] : memref<128x256xf32, #tpu.memory_space<vmem>> -> memref<16x256xf32, #tpu.memory_space<vmem>>
      %dma_wait3A_327 = arith.constant 0 : i32
      %dma_wait3A_328 = tpu.memref_slice %arg11[%add3A_42, %dma_wait3A_327] : memref<5008x256xf32, #tpu.memory_space<vmem_shared>> -> memref<16x256xf32, #tpu.memory_space<vmem_shared>>
      %dma_wait3A_329 = arith.constant 0 : i32
      %dma_wait3A_330 = tpu.memref_slice %arg11[%add3A_42, %dma_wait3A_329] : memref<5008x256xf32, #tpu.memory_space<vmem_shared>> -> memref<16x256xf32, #tpu.memory_space<vmem_shared>>
      %dma_wait3A_331 = arith.constant 0 : i32
      %dma_wait3A_332 = arith.constant 0 : i32
      %dma_wait3A_333 = tpu.memref_slice %arg10[%dma_wait3A_331, %dma_wait3A_332] : memref<128x256xf32, #tpu.memory_space<vmem>> -> memref<16x256xf32, #tpu.memory_space<vmem>>
      tpu.wait_dma2 semaphore(%run_scoped3A : memref<!tpu.dma_semaphore, #tpu.memory_space<semaphore_mem>>) src(%dma_wait3A_333 : memref<16x256xf32, #tpu.memory_space<vmem>>) dst(%dma_wait3A_330 : memref<16x256xf32, #tpu.memory_space<vmem_shared>>)
      tpu.yield
    }) : () -> ()
    %mul3A_43 = arith.constant 313 : i32
    %mul3A_44 = arith.muli %arg1, %mul3A_43 : i32
    %add3A_45 = arith.constant 128 : i32
    %add3A_46 = arith.addi %mul3A_44, %add3A_45 : i32
    "tpu.region"() ({
      %run_scoped3A = tpu.sem_alloc : memref<!tpu.dma_semaphore, #tpu.memory_space<semaphore_mem>>
      %dma_start3A = arith.constant 0 : i32
      %dma_start3A_316 = arith.constant 0 : i32
      %dma_start3A_317 = tpu.memref_slice %arg10[%dma_start3A, %dma_start3A_316] : memref<128x256xf32, #tpu.memory_space<vmem>> -> memref<16x256xf32, #tpu.memory_space<vmem>>
      %dma_start3A_318 = arith.constant 0 : i32
      %dma_start3A_319 = tpu.memref_slice %arg11[%add3A_46, %dma_start3A_318] : memref<5008x256xf32, #tpu.memory_space<vmem_shared>> -> memref<16x256xf32, #tpu.memory_space<vmem_shared>>
      %dma_start3A_320 = arith.constant 0 : i32
      %dma_start3A_321 = tpu.memref_slice %arg11[%add3A_46, %dma_start3A_320] : memref<5008x256xf32, #tpu.memory_space<vmem_shared>> -> memref<16x256xf32, #tpu.memory_space<vmem_shared>>
      %dma_start3A_322 = arith.constant 0 : i32
      %dma_start3A_323 = arith.constant 0 : i32
      %dma_start3A_324 = tpu.memref_slice %arg10[%dma_start3A_322, %dma_start3A_323] : memref<128x256xf32, #tpu.memory_space<vmem>> -> memref<16x256xf32, #tpu.memory_space<vmem>>
      tpu.enqueue_dma source(%dma_start3A_324 : memref<16x256xf32, #tpu.memory_space<vmem>>) target(%dma_start3A_321 : memref<16x256xf32, #tpu.memory_space<vmem_shared>>) target_semaphore(%run_scoped3A : memref<!tpu.dma_semaphore, #tpu.memory_space<semaphore_mem>>)
      %dma_wait3A = arith.constant 0 : i32
      %dma_wait3A_325 = arith.constant 0 : i32
      %dma_wait3A_326 = tpu.memref_slice %arg10[%dma_wait3A, %dma_wait3A_325] : memref<128x256xf32, #tpu.memory_space<vmem>> -> memref<16x256xf32, #tpu.memory_space<vmem>>
      %dma_wait3A_327 = arith.constant 0 : i32
      %dma_wait3A_328 = tpu.memref_slice %arg11[%add3A_46, %dma_wait3A_327] : memref<5008x256xf32, #tpu.memory_space<vmem_shared>> -> memref<16x256xf32, #tpu.memory_space<vmem_shared>>
      %dma_wait3A_329 = arith.constant 0 : i32
      %dma_wait3A_330 = tpu.memref_slice %arg11[%add3A_46, %dma_wait3A_329] : memref<5008x256xf32, #tpu.memory_space<vmem_shared>> -> memref<16x256xf32, #tpu.memory_space<vmem_shared>>
      %dma_wait3A_331 = arith.constant 0 : i32
      %dma_wait3A_332 = arith.constant 0 : i32
      %dma_wait3A_333 = tpu.memref_slice %arg10[%dma_wait3A_331, %dma_wait3A_332] : memref<128x256xf32, #tpu.memory_space<vmem>> -> memref<16x256xf32, #tpu.memory_space<vmem>>
      tpu.wait_dma2 semaphore(%run_scoped3A : memref<!tpu.dma_semaphore, #tpu.memory_space<semaphore_mem>>) src(%dma_wait3A_333 : memref<16x256xf32, #tpu.memory_space<vmem>>) dst(%dma_wait3A_330 : memref<16x256xf32, #tpu.memory_space<vmem_shared>>)
      tpu.yield
    }) : () -> ()
    %mul3A_47 = arith.constant 313 : i32
    %mul3A_48 = arith.muli %arg1, %mul3A_47 : i32
    %add3A_49 = arith.constant 144 : i32
    %add3A_50 = arith.addi %mul3A_48, %add3A_49 : i32
    "tpu.region"() ({
      %run_scoped3A = tpu.sem_alloc : memref<!tpu.dma_semaphore, #tpu.memory_space<semaphore_mem>>
      %dma_start3A = arith.constant 0 : i32
      %dma_start3A_316 = arith.constant 0 : i32
      %dma_start3A_317 = tpu.memref_slice %arg10[%dma_start3A, %dma_start3A_316] : memref<128x256xf32, #tpu.memory_space<vmem>> -> memref<16x256xf32, #tpu.memory_space<vmem>>
      %dma_start3A_318 = arith.constant 0 : i32
      %dma_start3A_319 = tpu.memref_slice %arg11[%add3A_50, %dma_start3A_318] : memref<5008x256xf32, #tpu.memory_space<vmem_shared>> -> memref<16x256xf32, #tpu.memory_space<vmem_shared>>
      %dma_start3A_320 = arith.constant 0 : i32
      %dma_start3A_321 = tpu.memref_slice %arg11[%add3A_50, %dma_start3A_320] : memref<5008x256xf32, #tpu.memory_space<vmem_shared>> -> memref<16x256xf32, #tpu.memory_space<vmem_shared>>
      %dma_start3A_322 = arith.constant 0 : i32
      %dma_start3A_323 = arith.constant 0 : i32
      %dma_start3A_324 = tpu.memref_slice %arg10[%dma_start3A_322, %dma_start3A_323] : memref<128x256xf32, #tpu.memory_space<vmem>> -> memref<16x256xf32, #tpu.memory_space<vmem>>
      tpu.enqueue_dma source(%dma_start3A_324 : memref<16x256xf32, #tpu.memory_space<vmem>>) target(%dma_start3A_321 : memref<16x256xf32, #tpu.memory_space<vmem_shared>>) target_semaphore(%run_scoped3A : memref<!tpu.dma_semaphore, #tpu.memory_space<semaphore_mem>>)
      %dma_wait3A = arith.constant 0 : i32
      %dma_wait3A_325 = arith.constant 0 : i32
      %dma_wait3A_326 = tpu.memref_slice %arg10[%dma_wait3A, %dma_wait3A_325] : memref<128x256xf32, #tpu.memory_space<vmem>> -> memref<16x256xf32, #tpu.memory_space<vmem>>
      %dma_wait3A_327 = arith.constant 0 : i32
      %dma_wait3A_328 = tpu.memref_slice %arg11[%add3A_50, %dma_wait3A_327] : memref<5008x256xf32, #tpu.memory_space<vmem_shared>> -> memref<16x256xf32, #tpu.memory_space<vmem_shared>>
      %dma_wait3A_329 = arith.constant 0 : i32
      %dma_wait3A_330 = tpu.memref_slice %arg11[%add3A_50, %dma_wait3A_329] : memref<5008x256xf32, #tpu.memory_space<vmem_shared>> -> memref<16x256xf32, #tpu.memory_space<vmem_shared>>
      %dma_wait3A_331 = arith.constant 0 : i32
      %dma_wait3A_332 = arith.constant 0 : i32
      %dma_wait3A_333 = tpu.memref_slice %arg10[%dma_wait3A_331, %dma_wait3A_332] : memref<128x256xf32, #tpu.memory_space<vmem>> -> memref<16x256xf32, #tpu.memory_space<vmem>>
      tpu.wait_dma2 semaphore(%run_scoped3A : memref<!tpu.dma_semaphore, #tpu.memory_space<semaphore_mem>>) src(%dma_wait3A_333 : memref<16x256xf32, #tpu.memory_space<vmem>>) dst(%dma_wait3A_330 : memref<16x256xf32, #tpu.memory_space<vmem_shared>>)
      tpu.yield
    }) : () -> ()
    %mul3A_51 = arith.constant 313 : i32
    %mul3A_52 = arith.muli %arg1, %mul3A_51 : i32
    %add3A_53 = arith.constant 160 : i32
    %add3A_54 = arith.addi %mul3A_52, %add3A_53 : i32
    "tpu.region"() ({
      %run_scoped3A = tpu.sem_alloc : memref<!tpu.dma_semaphore, #tpu.memory_space<semaphore_mem>>
      %dma_start3A = arith.constant 0 : i32
      %dma_start3A_316 = arith.constant 0 : i32
      %dma_start3A_317 = tpu.memref_slice %arg10[%dma_start3A, %dma_start3A_316] : memref<128x256xf32, #tpu.memory_space<vmem>> -> memref<16x256xf32, #tpu.memory_space<vmem>>
      %dma_start3A_318 = arith.constant 0 : i32
      %dma_start3A_319 = tpu.memref_slice %arg11[%add3A_54, %dma_start3A_318] : memref<5008x256xf32, #tpu.memory_space<vmem_shared>> -> memref<16x256xf32, #tpu.memory_space<vmem_shared>>
      %dma_start3A_320 = arith.constant 0 : i32
      %dma_start3A_321 = tpu.memref_slice %arg11[%add3A_54, %dma_start3A_320] : memref<5008x256xf32, #tpu.memory_space<vmem_shared>> -> memref<16x256xf32, #tpu.memory_space<vmem_shared>>
      %dma_start3A_322 = arith.constant 0 : i32
      %dma_start3A_323 = arith.constant 0 : i32
      %dma_start3A_324 = tpu.memref_slice %arg10[%dma_start3A_322, %dma_start3A_323] : memref<128x256xf32, #tpu.memory_space<vmem>> -> memref<16x256xf32, #tpu.memory_space<vmem>>
      tpu.enqueue_dma source(%dma_start3A_324 : memref<16x256xf32, #tpu.memory_space<vmem>>) target(%dma_start3A_321 : memref<16x256xf32, #tpu.memory_space<vmem_shared>>) target_semaphore(%run_scoped3A : memref<!tpu.dma_semaphore, #tpu.memory_space<semaphore_mem>>)
      %dma_wait3A = arith.constant 0 : i32
      %dma_wait3A_325 = arith.constant 0 : i32
      %dma_wait3A_326 = tpu.memref_slice %arg10[%dma_wait3A, %dma_wait3A_325] : memref<128x256xf32, #tpu.memory_space<vmem>> -> memref<16x256xf32, #tpu.memory_space<vmem>>
      %dma_wait3A_327 = arith.constant 0 : i32
      %dma_wait3A_328 = tpu.memref_slice %arg11[%add3A_54, %dma_wait3A_327] : memref<5008x256xf32, #tpu.memory_space<vmem_shared>> -> memref<16x256xf32, #tpu.memory_space<vmem_shared>>
      %dma_wait3A_329 = arith.constant 0 : i32
      %dma_wait3A_330 = tpu.memref_slice %arg11[%add3A_54, %dma_wait3A_329] : memref<5008x256xf32, #tpu.memory_space<vmem_shared>> -> memref<16x256xf32, #tpu.memory_space<vmem_shared>>
      %dma_wait3A_331 = arith.constant 0 : i32
      %dma_wait3A_332 = arith.constant 0 : i32
      %dma_wait3A_333 = tpu.memref_slice %arg10[%dma_wait3A_331, %dma_wait3A_332] : memref<128x256xf32, #tpu.memory_space<vmem>> -> memref<16x256xf32, #tpu.memory_space<vmem>>
      tpu.wait_dma2 semaphore(%run_scoped3A : memref<!tpu.dma_semaphore, #tpu.memory_space<semaphore_mem>>) src(%dma_wait3A_333 : memref<16x256xf32, #tpu.memory_space<vmem>>) dst(%dma_wait3A_330 : memref<16x256xf32, #tpu.memory_space<vmem_shared>>)
      tpu.yield
    }) : () -> ()
    %mul3A_55 = arith.constant 313 : i32
    %mul3A_56 = arith.muli %arg1, %mul3A_55 : i32
    %add3A_57 = arith.constant 176 : i32
    %add3A_58 = arith.addi %mul3A_56, %add3A_57 : i32
    "tpu.region"() ({
      %run_scoped3A = tpu.sem_alloc : memref<!tpu.dma_semaphore, #tpu.memory_space<semaphore_mem>>
      %dma_start3A = arith.constant 0 : i32
      %dma_start3A_316 = arith.constant 0 : i32
      %dma_start3A_317 = tpu.memref_slice %arg10[%dma_start3A, %dma_start3A_316] : memref<128x256xf32, #tpu.memory_space<vmem>> -> memref<16x256xf32, #tpu.memory_space<vmem>>
      %dma_start3A_318 = arith.constant 0 : i32
      %dma_start3A_319 = tpu.memref_slice %arg11[%add3A_58, %dma_start3A_318] : memref<5008x256xf32, #tpu.memory_space<vmem_shared>> -> memref<16x256xf32, #tpu.memory_space<vmem_shared>>
      %dma_start3A_320 = arith.constant 0 : i32
      %dma_start3A_321 = tpu.memref_slice %arg11[%add3A_58, %dma_start3A_320] : memref<5008x256xf32, #tpu.memory_space<vmem_shared>> -> memref<16x256xf32, #tpu.memory_space<vmem_shared>>
      %dma_start3A_322 = arith.constant 0 : i32
      %dma_start3A_323 = arith.constant 0 : i32
      %dma_start3A_324 = tpu.memref_slice %arg10[%dma_start3A_322, %dma_start3A_323] : memref<128x256xf32, #tpu.memory_space<vmem>> -> memref<16x256xf32, #tpu.memory_space<vmem>>
      tpu.enqueue_dma source(%dma_start3A_324 : memref<16x256xf32, #tpu.memory_space<vmem>>) target(%dma_start3A_321 : memref<16x256xf32, #tpu.memory_space<vmem_shared>>) target_semaphore(%run_scoped3A : memref<!tpu.dma_semaphore, #tpu.memory_space<semaphore_mem>>)
      %dma_wait3A = arith.constant 0 : i32
      %dma_wait3A_325 = arith.constant 0 : i32
      %dma_wait3A_326 = tpu.memref_slice %arg10[%dma_wait3A, %dma_wait3A_325] : memref<128x256xf32, #tpu.memory_space<vmem>> -> memref<16x256xf32, #tpu.memory_space<vmem>>
      %dma_wait3A_327 = arith.constant 0 : i32
      %dma_wait3A_328 = tpu.memref_slice %arg11[%add3A_58, %dma_wait3A_327] : memref<5008x256xf32, #tpu.memory_space<vmem_shared>> -> memref<16x256xf32, #tpu.memory_space<vmem_shared>>
      %dma_wait3A_329 = arith.constant 0 : i32
      %dma_wait3A_330 = tpu.memref_slice %arg11[%add3A_58, %dma_wait3A_329] : memref<5008x256xf32, #tpu.memory_space<vmem_shared>> -> memref<16x256xf32, #tpu.memory_space<vmem_shared>>
      %dma_wait3A_331 = arith.constant 0 : i32
      %dma_wait3A_332 = arith.constant 0 : i32
      %dma_wait3A_333 = tpu.memref_slice %arg10[%dma_wait3A_331, %dma_wait3A_332] : memref<128x256xf32, #tpu.memory_space<vmem>> -> memref<16x256xf32, #tpu.memory_space<vmem>>
      tpu.wait_dma2 semaphore(%run_scoped3A : memref<!tpu.dma_semaphore, #tpu.memory_space<semaphore_mem>>) src(%dma_wait3A_333 : memref<16x256xf32, #tpu.memory_space<vmem>>) dst(%dma_wait3A_330 : memref<16x256xf32, #tpu.memory_space<vmem_shared>>)
      tpu.yield
    }) : () -> ()
    %mul3A_59 = arith.constant 313 : i32
    %mul3A_60 = arith.muli %arg1, %mul3A_59 : i32
    %add3A_61 = arith.constant 192 : i32
    %add3A_62 = arith.addi %mul3A_60, %add3A_61 : i32
    "tpu.region"() ({
      %run_scoped3A = tpu.sem_alloc : memref<!tpu.dma_semaphore, #tpu.memory_space<semaphore_mem>>
      %dma_start3A = arith.constant 0 : i32
      %dma_start3A_316 = arith.constant 0 : i32
      %dma_start3A_317 = tpu.memref_slice %arg10[%dma_start3A, %dma_start3A_316] : memref<128x256xf32, #tpu.memory_space<vmem>> -> memref<16x256xf32, #tpu.memory_space<vmem>>
      %dma_start3A_318 = arith.constant 0 : i32
      %dma_start3A_319 = tpu.memref_slice %arg11[%add3A_62, %dma_start3A_318] : memref<5008x256xf32, #tpu.memory_space<vmem_shared>> -> memref<16x256xf32, #tpu.memory_space<vmem_shared>>
      %dma_start3A_320 = arith.constant 0 : i32
      %dma_start3A_321 = tpu.memref_slice %arg11[%add3A_62, %dma_start3A_320] : memref<5008x256xf32, #tpu.memory_space<vmem_shared>> -> memref<16x256xf32, #tpu.memory_space<vmem_shared>>
      %dma_start3A_322 = arith.constant 0 : i32
      %dma_start3A_323 = arith.constant 0 : i32
      %dma_start3A_324 = tpu.memref_slice %arg10[%dma_start3A_322, %dma_start3A_323] : memref<128x256xf32, #tpu.memory_space<vmem>> -> memref<16x256xf32, #tpu.memory_space<vmem>>
      tpu.enqueue_dma source(%dma_start3A_324 : memref<16x256xf32, #tpu.memory_space<vmem>>) target(%dma_start3A_321 : memref<16x256xf32, #tpu.memory_space<vmem_shared>>) target_semaphore(%run_scoped3A : memref<!tpu.dma_semaphore, #tpu.memory_space<semaphore_mem>>)
      %dma_wait3A = arith.constant 0 : i32
      %dma_wait3A_325 = arith.constant 0 : i32
      %dma_wait3A_326 = tpu.memref_slice %arg10[%dma_wait3A, %dma_wait3A_325] : memref<128x256xf32, #tpu.memory_space<vmem>> -> memref<16x256xf32, #tpu.memory_space<vmem>>
      %dma_wait3A_327 = arith.constant 0 : i32
      %dma_wait3A_328 = tpu.memref_slice %arg11[%add3A_62, %dma_wait3A_327] : memref<5008x256xf32, #tpu.memory_space<vmem_shared>> -> memref<16x256xf32, #tpu.memory_space<vmem_shared>>
      %dma_wait3A_329 = arith.constant 0 : i32
      %dma_wait3A_330 = tpu.memref_slice %arg11[%add3A_62, %dma_wait3A_329] : memref<5008x256xf32, #tpu.memory_space<vmem_shared>> -> memref<16x256xf32, #tpu.memory_space<vmem_shared>>
      %dma_wait3A_331 = arith.constant 0 : i32
      %dma_wait3A_332 = arith.constant 0 : i32
      %dma_wait3A_333 = tpu.memref_slice %arg10[%dma_wait3A_331, %dma_wait3A_332] : memref<128x256xf32, #tpu.memory_space<vmem>> -> memref<16x256xf32, #tpu.memory_space<vmem>>
      tpu.wait_dma2 semaphore(%run_scoped3A : memref<!tpu.dma_semaphore, #tpu.memory_space<semaphore_mem>>) src(%dma_wait3A_333 : memref<16x256xf32, #tpu.memory_space<vmem>>) dst(%dma_wait3A_330 : memref<16x256xf32, #tpu.memory_space<vmem_shared>>)
      tpu.yield
    }) : () -> ()
    %mul3A_63 = arith.constant 313 : i32
    %mul3A_64 = arith.muli %arg1, %mul3A_63 : i32
    %add3A_65 = arith.constant 208 : i32
    %add3A_66 = arith.addi %mul3A_64, %add3A_65 : i32
    "tpu.region"() ({
      %run_scoped3A = tpu.sem_alloc : memref<!tpu.dma_semaphore, #tpu.memory_space<semaphore_mem>>
      %dma_start3A = arith.constant 0 : i32
      %dma_start3A_316 = arith.constant 0 : i32
      %dma_start3A_317 = tpu.memref_slice %arg10[%dma_start3A, %dma_start3A_316] : memref<128x256xf32, #tpu.memory_space<vmem>> -> memref<16x256xf32, #tpu.memory_space<vmem>>
      %dma_start3A_318 = arith.constant 0 : i32
      %dma_start3A_319 = tpu.memref_slice %arg11[%add3A_66, %dma_start3A_318] : memref<5008x256xf32, #tpu.memory_space<vmem_shared>> -> memref<16x256xf32, #tpu.memory_space<vmem_shared>>
      %dma_start3A_320 = arith.constant 0 : i32
      %dma_start3A_321 = tpu.memref_slice %arg11[%add3A_66, %dma_start3A_320] : memref<5008x256xf32, #tpu.memory_space<vmem_shared>> -> memref<16x256xf32, #tpu.memory_space<vmem_shared>>
      %dma_start3A_322 = arith.constant 0 : i32
      %dma_start3A_323 = arith.constant 0 : i32
      %dma_start3A_324 = tpu.memref_slice %arg10[%dma_start3A_322, %dma_start3A_323] : memref<128x256xf32, #tpu.memory_space<vmem>> -> memref<16x256xf32, #tpu.memory_space<vmem>>
      tpu.enqueue_dma source(%dma_start3A_324 : memref<16x256xf32, #tpu.memory_space<vmem>>) target(%dma_start3A_321 : memref<16x256xf32, #tpu.memory_space<vmem_shared>>) target_semaphore(%run_scoped3A : memref<!tpu.dma_semaphore, #tpu.memory_space<semaphore_mem>>)
      %dma_wait3A = arith.constant 0 : i32
      %dma_wait3A_325 = arith.constant 0 : i32
      %dma_wait3A_326 = tpu.memref_slice %arg10[%dma_wait3A, %dma_wait3A_325] : memref<128x256xf32, #tpu.memory_space<vmem>> -> memref<16x256xf32, #tpu.memory_space<vmem>>
      %dma_wait3A_327 = arith.constant 0 : i32
      %dma_wait3A_328 = tpu.memref_slice %arg11[%add3A_66, %dma_wait3A_327] : memref<5008x256xf32, #tpu.memory_space<vmem_shared>> -> memref<16x256xf32, #tpu.memory_space<vmem_shared>>
      %dma_wait3A_329 = arith.constant 0 : i32
      %dma_wait3A_330 = tpu.memref_slice %arg11[%add3A_66, %dma_wait3A_329] : memref<5008x256xf32, #tpu.memory_space<vmem_shared>> -> memref<16x256xf32, #tpu.memory_space<vmem_shared>>
      %dma_wait3A_331 = arith.constant 0 : i32
      %dma_wait3A_332 = arith.constant 0 : i32
      %dma_wait3A_333 = tpu.memref_slice %arg10[%dma_wait3A_331, %dma_wait3A_332] : memref<128x256xf32, #tpu.memory_space<vmem>> -> memref<16x256xf32, #tpu.memory_space<vmem>>
      tpu.wait_dma2 semaphore(%run_scoped3A : memref<!tpu.dma_semaphore, #tpu.memory_space<semaphore_mem>>) src(%dma_wait3A_333 : memref<16x256xf32, #tpu.memory_space<vmem>>) dst(%dma_wait3A_330 : memref<16x256xf32, #tpu.memory_space<vmem_shared>>)
      tpu.yield
    }) : () -> ()
    %mul3A_67 = arith.constant 313 : i32
    %mul3A_68 = arith.muli %arg1, %mul3A_67 : i32
    %add3A_69 = arith.constant 224 : i32
    %add3A_70 = arith.addi %mul3A_68, %add3A_69 : i32
    "tpu.region"() ({
      %run_scoped3A = tpu.sem_alloc : memref<!tpu.dma_semaphore, #tpu.memory_space<semaphore_mem>>
      %dma_start3A = arith.constant 0 : i32
      %dma_start3A_316 = arith.constant 0 : i32
      %dma_start3A_317 = tpu.memref_slice %arg10[%dma_start3A, %dma_start3A_316] : memref<128x256xf32, #tpu.memory_space<vmem>> -> memref<16x256xf32, #tpu.memory_space<vmem>>
      %dma_start3A_318 = arith.constant 0 : i32
      %dma_start3A_319 = tpu.memref_slice %arg11[%add3A_70, %dma_start3A_318] : memref<5008x256xf32, #tpu.memory_space<vmem_shared>> -> memref<16x256xf32, #tpu.memory_space<vmem_shared>>
      %dma_start3A_320 = arith.constant 0 : i32
      %dma_start3A_321 = tpu.memref_slice %arg11[%add3A_70, %dma_start3A_320] : memref<5008x256xf32, #tpu.memory_space<vmem_shared>> -> memref<16x256xf32, #tpu.memory_space<vmem_shared>>
      %dma_start3A_322 = arith.constant 0 : i32
      %dma_start3A_323 = arith.constant 0 : i32
      %dma_start3A_324 = tpu.memref_slice %arg10[%dma_start3A_322, %dma_start3A_323] : memref<128x256xf32, #tpu.memory_space<vmem>> -> memref<16x256xf32, #tpu.memory_space<vmem>>
      tpu.enqueue_dma source(%dma_start3A_324 : memref<16x256xf32, #tpu.memory_space<vmem>>) target(%dma_start3A_321 : memref<16x256xf32, #tpu.memory_space<vmem_shared>>) target_semaphore(%run_scoped3A : memref<!tpu.dma_semaphore, #tpu.memory_space<semaphore_mem>>)
      %dma_wait3A = arith.constant 0 : i32
      %dma_wait3A_325 = arith.constant 0 : i32
      %dma_wait3A_326 = tpu.memref_slice %arg10[%dma_wait3A, %dma_wait3A_325] : memref<128x256xf32, #tpu.memory_space<vmem>> -> memref<16x256xf32, #tpu.memory_space<vmem>>
      %dma_wait3A_327 = arith.constant 0 : i32
      %dma_wait3A_328 = tpu.memref_slice %arg11[%add3A_70, %dma_wait3A_327] : memref<5008x256xf32, #tpu.memory_space<vmem_shared>> -> memref<16x256xf32, #tpu.memory_space<vmem_shared>>
      %dma_wait3A_329 = arith.constant 0 : i32
      %dma_wait3A_330 = tpu.memref_slice %arg11[%add3A_70, %dma_wait3A_329] : memref<5008x256xf32, #tpu.memory_space<vmem_shared>> -> memref<16x256xf32, #tpu.memory_space<vmem_shared>>
      %dma_wait3A_331 = arith.constant 0 : i32
      %dma_wait3A_332 = arith.constant 0 : i32
      %dma_wait3A_333 = tpu.memref_slice %arg10[%dma_wait3A_331, %dma_wait3A_332] : memref<128x256xf32, #tpu.memory_space<vmem>> -> memref<16x256xf32, #tpu.memory_space<vmem>>
      tpu.wait_dma2 semaphore(%run_scoped3A : memref<!tpu.dma_semaphore, #tpu.memory_space<semaphore_mem>>) src(%dma_wait3A_333 : memref<16x256xf32, #tpu.memory_space<vmem>>) dst(%dma_wait3A_330 : memref<16x256xf32, #tpu.memory_space<vmem_shared>>)
      tpu.yield
    }) : () -> ()
    %mul3A_71 = arith.constant 313 : i32
    %mul3A_72 = arith.muli %arg1, %mul3A_71 : i32
    %add3A_73 = arith.constant 240 : i32
    %add3A_74 = arith.addi %mul3A_72, %add3A_73 : i32
    "tpu.region"() ({
      %run_scoped3A = tpu.sem_alloc : memref<!tpu.dma_semaphore, #tpu.memory_space<semaphore_mem>>
      %dma_start3A = arith.constant 0 : i32
      %dma_start3A_316 = arith.constant 0 : i32
      %dma_start3A_317 = tpu.memref_slice %arg10[%dma_start3A, %dma_start3A_316] : memref<128x256xf32, #tpu.memory_space<vmem>> -> memref<16x256xf32, #tpu.memory_space<vmem>>
      %dma_start3A_318 = arith.constant 0 : i32
      %dma_start3A_319 = tpu.memref_slice %arg11[%add3A_74, %dma_start3A_318] : memref<5008x256xf32, #tpu.memory_space<vmem_shared>> -> memref<16x256xf32, #tpu.memory_space<vmem_shared>>
      %dma_start3A_320 = arith.constant 0 : i32
      %dma_start3A_321 = tpu.memref_slice %arg11[%add3A_74, %dma_start3A_320] : memref<5008x256xf32, #tpu.memory_space<vmem_shared>> -> memref<16x256xf32, #tpu.memory_space<vmem_shared>>
      %dma_start3A_322 = arith.constant 0 : i32
      %dma_start3A_323 = arith.constant 0 : i32
      %dma_start3A_324 = tpu.memref_slice %arg10[%dma_start3A_322, %dma_start3A_323] : memref<128x256xf32, #tpu.memory_space<vmem>> -> memref<16x256xf32, #tpu.memory_space<vmem>>
      tpu.enqueue_dma source(%dma_start3A_324 : memref<16x256xf32, #tpu.memory_space<vmem>>) target(%dma_start3A_321 : memref<16x256xf32, #tpu.memory_space<vmem_shared>>) target_semaphore(%run_scoped3A : memref<!tpu.dma_semaphore, #tpu.memory_space<semaphore_mem>>)
      %dma_wait3A = arith.constant 0 : i32
      %dma_wait3A_325 = arith.constant 0 : i32
      %dma_wait3A_326 = tpu.memref_slice %arg10[%dma_wait3A, %dma_wait3A_325] : memref<128x256xf32, #tpu.memory_space<vmem>> -> memref<16x256xf32, #tpu.memory_space<vmem>>
      %dma_wait3A_327 = arith.constant 0 : i32
      %dma_wait3A_328 = tpu.memref_slice %arg11[%add3A_74, %dma_wait3A_327] : memref<5008x256xf32, #tpu.memory_space<vmem_shared>> -> memref<16x256xf32, #tpu.memory_space<vmem_shared>>
      %dma_wait3A_329 = arith.constant 0 : i32
      %dma_wait3A_330 = tpu.memref_slice %arg11[%add3A_74, %dma_wait3A_329] : memref<5008x256xf32, #tpu.memory_space<vmem_shared>> -> memref<16x256xf32, #tpu.memory_space<vmem_shared>>
      %dma_wait3A_331 = arith.constant 0 : i32
      %dma_wait3A_332 = arith.constant 0 : i32
      %dma_wait3A_333 = tpu.memref_slice %arg10[%dma_wait3A_331, %dma_wait3A_332] : memref<128x256xf32, #tpu.memory_space<vmem>> -> memref<16x256xf32, #tpu.memory_space<vmem>>
      tpu.wait_dma2 semaphore(%run_scoped3A : memref<!tpu.dma_semaphore, #tpu.memory_space<semaphore_mem>>) src(%dma_wait3A_333 : memref<16x256xf32, #tpu.memory_space<vmem>>) dst(%dma_wait3A_330 : memref<16x256xf32, #tpu.memory_space<vmem_shared>>)
      tpu.yield
    }) : () -> ()
    %mul3A_75 = arith.constant 313 : i32
    %mul3A_76 = arith.muli %arg1, %mul3A_75 : i32
    %add3A_77 = arith.constant 256 : i32
    %add3A_78 = arith.addi %mul3A_76, %add3A_77 : i32
    "tpu.region"() ({
      %run_scoped3A = tpu.sem_alloc : memref<!tpu.dma_semaphore, #tpu.memory_space<semaphore_mem>>
      %dma_start3A = arith.constant 0 : i32
      %dma_start3A_316 = arith.constant 0 : i32
      %dma_start3A_317 = tpu.memref_slice %arg10[%dma_start3A, %dma_start3A_316] : memref<128x256xf32, #tpu.memory_space<vmem>> -> memref<16x256xf32, #tpu.memory_space<vmem>>
      %dma_start3A_318 = arith.constant 0 : i32
      %dma_start3A_319 = tpu.memref_slice %arg11[%add3A_78, %dma_start3A_318] : memref<5008x256xf32, #tpu.memory_space<vmem_shared>> -> memref<16x256xf32, #tpu.memory_space<vmem_shared>>
      %dma_start3A_320 = arith.constant 0 : i32
      %dma_start3A_321 = tpu.memref_slice %arg11[%add3A_78, %dma_start3A_320] : memref<5008x256xf32, #tpu.memory_space<vmem_shared>> -> memref<16x256xf32, #tpu.memory_space<vmem_shared>>
      %dma_start3A_322 = arith.constant 0 : i32
      %dma_start3A_323 = arith.constant 0 : i32
      %dma_start3A_324 = tpu.memref_slice %arg10[%dma_start3A_322, %dma_start3A_323] : memref<128x256xf32, #tpu.memory_space<vmem>> -> memref<16x256xf32, #tpu.memory_space<vmem>>
      tpu.enqueue_dma source(%dma_start3A_324 : memref<16x256xf32, #tpu.memory_space<vmem>>) target(%dma_start3A_321 : memref<16x256xf32, #tpu.memory_space<vmem_shared>>) target_semaphore(%run_scoped3A : memref<!tpu.dma_semaphore, #tpu.memory_space<semaphore_mem>>)
      %dma_wait3A = arith.constant 0 : i32
      %dma_wait3A_325 = arith.constant 0 : i32
      %dma_wait3A_326 = tpu.memref_slice %arg10[%dma_wait3A, %dma_wait3A_325] : memref<128x256xf32, #tpu.memory_space<vmem>> -> memref<16x256xf32, #tpu.memory_space<vmem>>
      %dma_wait3A_327 = arith.constant 0 : i32
      %dma_wait3A_328 = tpu.memref_slice %arg11[%add3A_78, %dma_wait3A_327] : memref<5008x256xf32, #tpu.memory_space<vmem_shared>> -> memref<16x256xf32, #tpu.memory_space<vmem_shared>>
      %dma_wait3A_329 = arith.constant 0 : i32
      %dma_wait3A_330 = tpu.memref_slice %arg11[%add3A_78, %dma_wait3A_329] : memref<5008x256xf32, #tpu.memory_space<vmem_shared>> -> memref<16x256xf32, #tpu.memory_space<vmem_shared>>
      %dma_wait3A_331 = arith.constant 0 : i32
      %dma_wait3A_332 = arith.constant 0 : i32
      %dma_wait3A_333 = tpu.memref_slice %arg10[%dma_wait3A_331, %dma_wait3A_332] : memref<128x256xf32, #tpu.memory_space<vmem>> -> memref<16x256xf32, #tpu.memory_space<vmem>>
      tpu.wait_dma2 semaphore(%run_scoped3A : memref<!tpu.dma_semaphore, #tpu.memory_space<semaphore_mem>>) src(%dma_wait3A_333 : memref<16x256xf32, #tpu.memory_space<vmem>>) dst(%dma_wait3A_330 : memref<16x256xf32, #tpu.memory_space<vmem_shared>>)
      tpu.yield
    }) : () -> ()
    %mul3A_79 = arith.constant 313 : i32
    %mul3A_80 = arith.muli %arg1, %mul3A_79 : i32
    %add3A_81 = arith.constant 272 : i32
    %add3A_82 = arith.addi %mul3A_80, %add3A_81 : i32
    "tpu.region"() ({
      %run_scoped3A = tpu.sem_alloc : memref<!tpu.dma_semaphore, #tpu.memory_space<semaphore_mem>>
      %dma_start3A = arith.constant 0 : i32
      %dma_start3A_316 = arith.constant 0 : i32
      %dma_start3A_317 = tpu.memref_slice %arg10[%dma_start3A, %dma_start3A_316] : memref<128x256xf32, #tpu.memory_space<vmem>> -> memref<16x256xf32, #tpu.memory_space<vmem>>
      %dma_start3A_318 = arith.constant 0 : i32
      %dma_start3A_319 = tpu.memref_slice %arg11[%add3A_82, %dma_start3A_318] : memref<5008x256xf32, #tpu.memory_space<vmem_shared>> -> memref<16x256xf32, #tpu.memory_space<vmem_shared>>
      %dma_start3A_320 = arith.constant 0 : i32
      %dma_start3A_321 = tpu.memref_slice %arg11[%add3A_82, %dma_start3A_320] : memref<5008x256xf32, #tpu.memory_space<vmem_shared>> -> memref<16x256xf32, #tpu.memory_space<vmem_shared>>
      %dma_start3A_322 = arith.constant 0 : i32
      %dma_start3A_323 = arith.constant 0 : i32
      %dma_start3A_324 = tpu.memref_slice %arg10[%dma_start3A_322, %dma_start3A_323] : memref<128x256xf32, #tpu.memory_space<vmem>> -> memref<16x256xf32, #tpu.memory_space<vmem>>
      tpu.enqueue_dma source(%dma_start3A_324 : memref<16x256xf32, #tpu.memory_space<vmem>>) target(%dma_start3A_321 : memref<16x256xf32, #tpu.memory_space<vmem_shared>>) target_semaphore(%run_scoped3A : memref<!tpu.dma_semaphore, #tpu.memory_space<semaphore_mem>>)
      %dma_wait3A = arith.constant 0 : i32
      %dma_wait3A_325 = arith.constant 0 : i32
      %dma_wait3A_326 = tpu.memref_slice %arg10[%dma_wait3A, %dma_wait3A_325] : memref<128x256xf32, #tpu.memory_space<vmem>> -> memref<16x256xf32, #tpu.memory_space<vmem>>
      %dma_wait3A_327 = arith.constant 0 : i32
      %dma_wait3A_328 = tpu.memref_slice %arg11[%add3A_82, %dma_wait3A_327] : memref<5008x256xf32, #tpu.memory_space<vmem_shared>> -> memref<16x256xf32, #tpu.memory_space<vmem_shared>>
      %dma_wait3A_329 = arith.constant 0 : i32
      %dma_wait3A_330 = tpu.memref_slice %arg11[%add3A_82, %dma_wait3A_329] : memref<5008x256xf32, #tpu.memory_space<vmem_shared>> -> memref<16x256xf32, #tpu.memory_space<vmem_shared>>
      %dma_wait3A_331 = arith.constant 0 : i32
      %dma_wait3A_332 = arith.constant 0 : i32
      %dma_wait3A_333 = tpu.memref_slice %arg10[%dma_wait3A_331, %dma_wait3A_332] : memref<128x256xf32, #tpu.memory_space<vmem>> -> memref<16x256xf32, #tpu.memory_space<vmem>>
      tpu.wait_dma2 semaphore(%run_scoped3A : memref<!tpu.dma_semaphore, #tpu.memory_space<semaphore_mem>>) src(%dma_wait3A_333 : memref<16x256xf32, #tpu.memory_space<vmem>>) dst(%dma_wait3A_330 : memref<16x256xf32, #tpu.memory_space<vmem_shared>>)
      tpu.yield
    }) : () -> ()
    %mul3A_83 = arith.constant 313 : i32
    %mul3A_84 = arith.muli %arg1, %mul3A_83 : i32
    %add3A_85 = arith.constant 288 : i32
    %add3A_86 = arith.addi %mul3A_84, %add3A_85 : i32
    "tpu.region"() ({
      %run_scoped3A = tpu.sem_alloc : memref<!tpu.dma_semaphore, #tpu.memory_space<semaphore_mem>>
      %dma_start3A = arith.constant 0 : i32
      %dma_start3A_316 = arith.constant 0 : i32
      %dma_start3A_317 = tpu.memref_slice %arg10[%dma_start3A, %dma_start3A_316] : memref<128x256xf32, #tpu.memory_space<vmem>> -> memref<16x256xf32, #tpu.memory_space<vmem>>
      %dma_start3A_318 = arith.constant 0 : i32
      %dma_start3A_319 = tpu.memref_slice %arg11[%add3A_86, %dma_start3A_318] : memref<5008x256xf32, #tpu.memory_space<vmem_shared>> -> memref<16x256xf32, #tpu.memory_space<vmem_shared>>
      %dma_start3A_320 = arith.constant 0 : i32
      %dma_start3A_321 = tpu.memref_slice %arg11[%add3A_86, %dma_start3A_320] : memref<5008x256xf32, #tpu.memory_space<vmem_shared>> -> memref<16x256xf32, #tpu.memory_space<vmem_shared>>
      %dma_start3A_322 = arith.constant 0 : i32
      %dma_start3A_323 = arith.constant 0 : i32
      %dma_start3A_324 = tpu.memref_slice %arg10[%dma_start3A_322, %dma_start3A_323] : memref<128x256xf32, #tpu.memory_space<vmem>> -> memref<16x256xf32, #tpu.memory_space<vmem>>
      tpu.enqueue_dma source(%dma_start3A_324 : memref<16x256xf32, #tpu.memory_space<vmem>>) target(%dma_start3A_321 : memref<16x256xf32, #tpu.memory_space<vmem_shared>>) target_semaphore(%run_scoped3A : memref<!tpu.dma_semaphore, #tpu.memory_space<semaphore_mem>>)
      %dma_wait3A = arith.constant 0 : i32
      %dma_wait3A_325 = arith.constant 0 : i32
      %dma_wait3A_326 = tpu.memref_slice %arg10[%dma_wait3A, %dma_wait3A_325] : memref<128x256xf32, #tpu.memory_space<vmem>> -> memref<16x256xf32, #tpu.memory_space<vmem>>
      %dma_wait3A_327 = arith.constant 0 : i32
      %dma_wait3A_328 = tpu.memref_slice %arg11[%add3A_86, %dma_wait3A_327] : memref<5008x256xf32, #tpu.memory_space<vmem_shared>> -> memref<16x256xf32, #tpu.memory_space<vmem_shared>>
      %dma_wait3A_329 = arith.constant 0 : i32
      %dma_wait3A_330 = tpu.memref_slice %arg11[%add3A_86, %dma_wait3A_329] : memref<5008x256xf32, #tpu.memory_space<vmem_shared>> -> memref<16x256xf32, #tpu.memory_space<vmem_shared>>
      %dma_wait3A_331 = arith.constant 0 : i32
      %dma_wait3A_332 = arith.constant 0 : i32
      %dma_wait3A_333 = tpu.memref_slice %arg10[%dma_wait3A_331, %dma_wait3A_332] : memref<128x256xf32, #tpu.memory_space<vmem>> -> memref<16x256xf32, #tpu.memory_space<vmem>>
      tpu.wait_dma2 semaphore(%run_scoped3A : memref<!tpu.dma_semaphore, #tpu.memory_space<semaphore_mem>>) src(%dma_wait3A_333 : memref<16x256xf32, #tpu.memory_space<vmem>>) dst(%dma_wait3A_330 : memref<16x256xf32, #tpu.memory_space<vmem_shared>>)
      tpu.yield
    }) : () -> ()
    %mul3A_87 = arith.constant 313 : i32
    %mul3A_88 = arith.muli %arg1, %mul3A_87 : i32
    %add3A_89 = arith.constant 304 : i32
    %add3A_90 = arith.addi %mul3A_88, %add3A_89 : i32
    "tpu.region"() ({
      %run_scoped3A = tpu.sem_alloc : memref<!tpu.dma_semaphore, #tpu.memory_space<semaphore_mem>>
      %dma_start3A = arith.constant 0 : i32
      %dma_start3A_316 = arith.constant 0 : i32
      %dma_start3A_317 = tpu.memref_slice %arg10[%dma_start3A, %dma_start3A_316] : memref<128x256xf32, #tpu.memory_space<vmem>> -> memref<9x256xf32, #tpu.memory_space<vmem>>
      %dma_start3A_318 = arith.constant 0 : i32
      %dma_start3A_319 = tpu.memref_slice %arg11[%add3A_90, %dma_start3A_318] : memref<5008x256xf32, #tpu.memory_space<vmem_shared>> -> memref<9x256xf32, #tpu.memory_space<vmem_shared>>
      %dma_start3A_320 = arith.constant 0 : i32
      %dma_start3A_321 = tpu.memref_slice %arg11[%add3A_90, %dma_start3A_320] : memref<5008x256xf32, #tpu.memory_space<vmem_shared>> -> memref<9x256xf32, #tpu.memory_space<vmem_shared>>
      %dma_start3A_322 = arith.constant 0 : i32
      %dma_start3A_323 = arith.constant 0 : i32
      %dma_start3A_324 = tpu.memref_slice %arg10[%dma_start3A_322, %dma_start3A_323] : memref<128x256xf32, #tpu.memory_space<vmem>> -> memref<9x256xf32, #tpu.memory_space<vmem>>
      tpu.enqueue_dma source(%dma_start3A_324 : memref<9x256xf32, #tpu.memory_space<vmem>>) target(%dma_start3A_321 : memref<9x256xf32, #tpu.memory_space<vmem_shared>>) target_semaphore(%run_scoped3A : memref<!tpu.dma_semaphore, #tpu.memory_space<semaphore_mem>>)
      %dma_wait3A = arith.constant 0 : i32
      %dma_wait3A_325 = arith.constant 0 : i32
      %dma_wait3A_326 = tpu.memref_slice %arg10[%dma_wait3A, %dma_wait3A_325] : memref<128x256xf32, #tpu.memory_space<vmem>> -> memref<9x256xf32, #tpu.memory_space<vmem>>
      %dma_wait3A_327 = arith.constant 0 : i32
      %dma_wait3A_328 = tpu.memref_slice %arg11[%add3A_90, %dma_wait3A_327] : memref<5008x256xf32, #tpu.memory_space<vmem_shared>> -> memref<9x256xf32, #tpu.memory_space<vmem_shared>>
      %dma_wait3A_329 = arith.constant 0 : i32
      %dma_wait3A_330 = tpu.memref_slice %arg11[%add3A_90, %dma_wait3A_329] : memref<5008x256xf32, #tpu.memory_space<vmem_shared>> -> memref<9x256xf32, #tpu.memory_space<vmem_shared>>
      %dma_wait3A_331 = arith.constant 0 : i32
      %dma_wait3A_332 = arith.constant 0 : i32
      %dma_wait3A_333 = tpu.memref_slice %arg10[%dma_wait3A_331, %dma_wait3A_332] : memref<128x256xf32, #tpu.memory_space<vmem>> -> memref<9x256xf32, #tpu.memory_space<vmem>>
      tpu.wait_dma2 semaphore(%run_scoped3A : memref<!tpu.dma_semaphore, #tpu.memory_space<semaphore_mem>>) src(%dma_wait3A_333 : memref<9x256xf32, #tpu.memory_space<vmem>>) dst(%dma_wait3A_330 : memref<9x256xf32, #tpu.memory_space<vmem_shared>>)
      tpu.yield
    }) : () -> ()
    %barrier3A = arith.constant 0 : index
    tpu.barrier barrier_id(%barrier3A)
    %scan3A_91 = arith.constant 0 : i32
    %scan3A_92 = arith.constant 0 : i32
    %scan3A_93 = arith.constant 5 : i32
    %scan3A_94 = arith.addi %scan3A_92, %scan3A_93 : i32
    %scan3A_95 = arith.constant 1 : i32
    %scan3A_96 = scf.for %scan3A_316 = %scan3A_92 to %scan3A_94 step %scan3A_95 iter_args(%scan3A_317 = %scan3A_91) -> (i32)  : i32 {
      %mul3A_318 = arith.constant 80 : i32
      %mul3A_319 = arith.muli %arg1, %mul3A_318 : i32
      %add3A_320 = arith.constant 0 : i32
      %add3A_321 = arith.addi %mul3A_319, %add3A_320 : i32
      %mul3A_322 = arith.constant 8 : i32
      %mul3A_323 = arith.muli %scan3A_316, %mul3A_322 : i32
      %add3A_324 = arith.addi %add3A_321, %mul3A_323 : i32
      "tpu.region"() ({
        %run_scoped3A = tpu.sem_alloc : memref<!tpu.dma_semaphore, #tpu.memory_space<semaphore_mem>>
        %dma_start3A = arith.constant 0 : i32
        %dma_start3A_331 = tpu.memref_slice %arg2[%add3A_324, %dma_start3A] : memref<1280x128xi32, #tpu.memory_space<hbm>> -> memref<8x128xi32, #tpu.memory_space<hbm>>
        %dma_start3A_332 = arith.constant 0 : i32
        %dma_start3A_333 = tpu.memref_slice %arg2[%add3A_324, %dma_start3A_332] : memref<1280x128xi32, #tpu.memory_space<hbm>> -> memref<8x128xi32, #tpu.memory_space<hbm>>
        tpu.enqueue_dma source(%dma_start3A_333 : memref<8x128xi32, #tpu.memory_space<hbm>>) target(%arg6 : memref<8x128xi32, #tpu.memory_space<vmem>>) target_semaphore(%run_scoped3A : memref<!tpu.dma_semaphore, #tpu.memory_space<semaphore_mem>>)
        %dma_wait3A = arith.constant 0 : i32
        %dma_wait3A_334 = tpu.memref_slice %arg2[%add3A_324, %dma_wait3A] : memref<1280x128xi32, #tpu.memory_space<hbm>> -> memref<8x128xi32, #tpu.memory_space<hbm>>
        %dma_wait3A_335 = arith.constant 0 : i32
        %dma_wait3A_336 = tpu.memref_slice %arg2[%add3A_324, %dma_wait3A_335] : memref<1280x128xi32, #tpu.memory_space<hbm>> -> memref<8x128xi32, #tpu.memory_space<hbm>>
        tpu.wait_dma2 semaphore(%run_scoped3A : memref<!tpu.dma_semaphore, #tpu.memory_space<semaphore_mem>>) src(%dma_wait3A_336 : memref<8x128xi32, #tpu.memory_space<hbm>>) dst(%arg6 : memref<8x128xi32, #tpu.memory_space<vmem>>)
        tpu.yield
      }) : () -> ()
      "tpu.region"() ({
        %run_scoped3A = tpu.sem_alloc : memref<!tpu.dma_semaphore, #tpu.memory_space<semaphore_mem>>
        %dma_start3A = arith.constant 0 : i32
        %dma_start3A_331 = tpu.memref_slice %arg3[%add3A_324, %dma_start3A] : memref<1280x128xi32, #tpu.memory_space<hbm>> -> memref<8x128xi32, #tpu.memory_space<hbm>>
        %dma_start3A_332 = arith.constant 0 : i32
        %dma_start3A_333 = tpu.memref_slice %arg3[%add3A_324, %dma_start3A_332] : memref<1280x128xi32, #tpu.memory_space<hbm>> -> memref<8x128xi32, #tpu.memory_space<hbm>>
        tpu.enqueue_dma source(%dma_start3A_333 : memref<8x128xi32, #tpu.memory_space<hbm>>) target(%arg7 : memref<8x128xi32, #tpu.memory_space<vmem>>) target_semaphore(%run_scoped3A : memref<!tpu.dma_semaphore, #tpu.memory_space<semaphore_mem>>)
        %dma_wait3A = arith.constant 0 : i32
        %dma_wait3A_334 = tpu.memref_slice %arg3[%add3A_324, %dma_wait3A] : memref<1280x128xi32, #tpu.memory_space<hbm>> -> memref<8x128xi32, #tpu.memory_space<hbm>>
        %dma_wait3A_335 = arith.constant 0 : i32
        %dma_wait3A_336 = tpu.memref_slice %arg3[%add3A_324, %dma_wait3A_335] : memref<1280x128xi32, #tpu.memory_space<hbm>> -> memref<8x128xi32, #tpu.memory_space<hbm>>
        tpu.wait_dma2 semaphore(%run_scoped3A : memref<!tpu.dma_semaphore, #tpu.memory_space<semaphore_mem>>) src(%dma_wait3A_336 : memref<8x128xi32, #tpu.memory_space<hbm>>) dst(%arg7 : memref<8x128xi32, #tpu.memory_space<vmem>>)
        tpu.yield
      }) : () -> ()
      %scan3A_325 = arith.constant 0 : i32
      %scan3A_326 = arith.constant 64 : i32
      %scan3A_327 = arith.addi %scan3A_325, %scan3A_326 : i32
      %scan3A_328 = arith.constant 1 : i32
      %scan3A_329 = scf.for %scan3A_331 = %scan3A_325 to %scan3A_327 step %scan3A_328 iter_args(%scan3A_332 = %scan3A_317) -> (i32)  : i32 {
        %jit3A_333 = arith.constant 8 : i32
        %div3A_334 = arith.divsi %scan3A_331, %jit3A_333 : i32
        %sign3A_335 = arith.constant 0 : i32
        %sign3A_336 = arith.cmpi sgt, %scan3A_331, %sign3A_335 : i32
        %sign3A_337 = arith.extui %sign3A_336 : i1 to i32
        %sign3A_338 = arith.constant 0 : i32
        %sign3A_339 = arith.cmpi slt, %scan3A_331, %sign3A_338 : i32
        %sign3A_340 = arith.extui %sign3A_339 : i1 to i32
        %sign3A_341 = arith.subi %sign3A_337, %sign3A_340 : i32
        %sign3A_342 = arith.constant 0 : i32
        %sign3A_343 = arith.cmpi sgt, %jit3A_333, %sign3A_342 : i32
        %sign3A_344 = arith.extui %sign3A_343 : i1 to i32
        %sign3A_345 = arith.constant 0 : i32
        %sign3A_346 = arith.cmpi slt, %jit3A_333, %sign3A_345 : i32
        %sign3A_347 = arith.extui %sign3A_346 : i1 to i32
        %sign3A_348 = arith.subi %sign3A_344, %sign3A_347 : i32
        %ne3A_349 = arith.cmpi ne, %sign3A_341, %sign3A_348 : i32
        %rem3A_350 = arith.remsi %scan3A_331, %jit3A_333 : i32
        %ne3A_351 = arith.constant 0 : i32
        %ne3A_352 = arith.cmpi ne, %rem3A_350, %ne3A_351 : i32
        %and3A_353 = arith.andi %ne3A_349, %ne3A_352 : i1
        %sub3A_354 = arith.constant 1 : i32
        %sub3A_355 = arith.subi %div3A_334, %sub3A_354 : i32
        %select_n3A_356 = arith.select %and3A_353, %sub3A_355, %div3A_334 : i32
        %jit3A_357 = arith.constant 8 : i32
        %eq3A_358 = arith.constant 0 : i32
        %eq3A_359 = arith.cmpi eq, %jit3A_357, %eq3A_358 : i32
        %jit3A_360 = arith.constant 1 : i32
        %select_n3A_361 = arith.select %eq3A_359, %jit3A_360, %jit3A_357 : i32
        %rem3A_362 = arith.remsi %scan3A_331, %select_n3A_361 : i32
        %ne3A_363 = arith.constant 0 : i32
        %ne3A_364 = arith.cmpi ne, %rem3A_362, %ne3A_363 : i32
        %lt3A_365 = arith.constant 0 : i32
        %lt3A_366 = arith.cmpi slt, %rem3A_362, %lt3A_365 : i32
        %lt3A_367 = arith.constant 0 : i32
        %lt3A_368 = arith.cmpi slt, %select_n3A_361, %lt3A_367 : i32
        %ne3A_369 = arith.xori %lt3A_366, %lt3A_368 : i1
        %and3A_370 = arith.andi %ne3A_369, %ne3A_364 : i1
        %add3A_371 = arith.addi %rem3A_362, %select_n3A_361 : i32
        %select_n3A_372 = arith.select %and3A_370, %add3A_371, %rem3A_362 : i32
        %mul3A_373 = arith.constant 16 : i32
        %mul3A_374 = arith.muli %select_n3A_372, %mul3A_373 : i32
        %get3A = arith.index_cast %select_n3A_356 : i32 to index
        %get3A_375 = arith.index_cast %mul3A_374 : i32 to index
        %get3A_376 = tpu.vector_load %arg7[%get3A, %get3A_375] {strides = array<i32>} : memref<8x128xi32, #tpu.memory_space<vmem>>, vector<16xi32>,
        %get3A_377 = arith.index_cast %select_n3A_356 : i32 to index
        %get3A_378 = arith.index_cast %mul3A_374 : i32 to index
        %get3A_379 = tpu.vector_load %arg6[%get3A_377, %get3A_378] {strides = array<i32>} : memref<8x128xi32, #tpu.memory_space<vmem>>, vector<16xi32>,
        %ge3A = vector.broadcast %mul3A_0 : i32 to vector<16xi32>
        %ge3A_380 = arith.cmpi sge, %get3A_376, %ge3A : vector<16xi32>
        %lt3A_381 = vector.broadcast %add3A_1 : i32 to vector<16xi32>
        %lt3A_382 = arith.cmpi slt, %get3A_376, %lt3A_381 : vector<16xi32>
        %and3A_383 = arith.andi %ge3A_380, %lt3A_382 : vector<16xi1>
        %jit3A_384 = arith.constant 1 : i32
        %jit3A_385 = arith.constant 0 : i32
        %broadcast_in_dim3A_386 = vector.broadcast %jit3A_384 : i32 to vector<16xi32>
        %broadcast_in_dim3A_387 = vector.broadcast %jit3A_385 : i32 to vector<16xi32>
        %select_n3A_388 = arith.select %and3A_383, %broadcast_in_dim3A_386, %broadcast_in_dim3A_387 : vector<16xi1>, vector<16xi32>
        %broadcast_in_dim3A_389 = arith.constant true
        %broadcast_in_dim3A_390 = vector.broadcast %broadcast_in_dim3A_389 : i1 to vector<16xi1>
        %masked_cumsum3A = tpu.scan <sum>, %select_n3A_388 masked %broadcast_in_dim3A_390 : vector<16xi32>, vector<16xi1> -> vector<16xi32>
        %iota3A = tpu.iota {dimensions = array<i32: 0>} : vector<16xi32>
        %add3A_391 = vector.broadcast %scan3A_332 : i32 to vector<16xi32>
        %add3A_392 = arith.addi %add3A_391, %masked_cumsum3A : vector<16xi32>
        %sub3A_393 = arith.constant 1 : i32
        %sub3A_394 = vector.broadcast %sub3A_393 : i32 to vector<16xi32>
        %sub3A_395 = arith.subi %add3A_392, %sub3A_394 : vector<16xi32>
        %add3A_396 = arith.constant 5376 : i32
        %add3A_397 = vector.broadcast %add3A_396 : i32 to vector<16xi32>
        %add3A_398 = arith.addi %add3A_397, %iota3A : vector<16xi32>
        %select_n3A_399 = arith.select %and3A_383, %sub3A_395, %add3A_398 : vector<16xi1>, vector<16xi32>
        tpu.vector_store_idx %arg8[%select_n3A_399], %get3A_379 : memref<5392xi32, #tpu.memory_space<vmem>>[vector<16xi32>], vector<16xi32>,
        %sub3A_400 = vector.broadcast %mul3A_0 : i32 to vector<16xi32>
        %sub3A_401 = arith.subi %get3A_376, %sub3A_400 : vector<16xi32>
        tpu.vector_store_idx %arg9[%select_n3A_399], %sub3A_401 : memref<5392xi32, #tpu.memory_space<vmem>>[vector<16xi32>], vector<16xi32>,
        %reduce_sum3A = arith.constant true
        %reduce_sum3A_402 = vector.broadcast %reduce_sum3A : i1 to vector<16xi1>
        %reduce_sum3A_403 = tpu.scan <sum>, %select_n3A_388 masked %reduce_sum3A_402 : vector<16xi32>, vector<16xi1> -> vector<16xi32>
        %reduce_sum3A_404 = vector.extract %reduce_sum3A_403[15] : i32 from vector<16xi32>
        %add3A_405 = arith.addi %scan3A_332, %reduce_sum3A_404 : i32
        scf.yield %add3A_405 : i32
      }
      %scan3A_330 = arith.constant 64 : i32
      scf.yield %scan3A_329 : i32
    }
    %scan3A_97 = arith.constant 5 : i32
    %add3A_98 = arith.constant 0 : i32
    %add3A_99 = arith.addi %scan3A_96, %add3A_98 : i32
    %swap3A = arith.index_cast %add3A_99 : i32 to index
    %swap3A_100 = tpu.vector_load %arg8[%swap3A] {strides = array<i32>} : memref<5392xi32, #tpu.memory_space<vmem>>, vector<16xi32>,
    tpu.vector_store %arg8[%swap3A], %broadcast_in_dim3A_4 {strides = array<i32>} : memref<5392xi32, #tpu.memory_space<vmem>>, vector<16xi32>,
    %add3A_101 = arith.constant 0 : i32
    %add3A_102 = arith.addi %scan3A_96, %add3A_101 : i32
    %swap3A_103 = arith.index_cast %add3A_102 : i32 to index
    %swap3A_104 = tpu.vector_load %arg9[%swap3A_103] {strides = array<i32>} : memref<5392xi32, #tpu.memory_space<vmem>>, vector<16xi32>,
    tpu.vector_store %arg9[%swap3A_103], %broadcast_in_dim3A_2 {strides = array<i32>} : memref<5392xi32, #tpu.memory_space<vmem>>, vector<16xi32>,
    %add3A_105 = arith.constant 16 : i32
    %add3A_106 = arith.addi %scan3A_96, %add3A_105 : i32
    %swap3A_107 = arith.index_cast %add3A_106 : i32 to index
    %swap3A_108 = tpu.vector_load %arg8[%swap3A_107] {strides = array<i32>} : memref<5392xi32, #tpu.memory_space<vmem>>, vector<16xi32>,
    tpu.vector_store %arg8[%swap3A_107], %broadcast_in_dim3A_4 {strides = array<i32>} : memref<5392xi32, #tpu.memory_space<vmem>>, vector<16xi32>,
    %add3A_109 = arith.constant 16 : i32
    %add3A_110 = arith.addi %scan3A_96, %add3A_109 : i32
    %swap3A_111 = arith.index_cast %add3A_110 : i32 to index
    %swap3A_112 = tpu.vector_load %arg9[%swap3A_111] {strides = array<i32>} : memref<5392xi32, #tpu.memory_space<vmem>>, vector<16xi32>,
    tpu.vector_store %arg9[%swap3A_111], %broadcast_in_dim3A_2 {strides = array<i32>} : memref<5392xi32, #tpu.memory_space<vmem>>, vector<16xi32>,
    %add3A_113 = arith.constant 32 : i32
    %add3A_114 = arith.addi %scan3A_96, %add3A_113 : i32
    %swap3A_115 = arith.index_cast %add3A_114 : i32 to index
    %swap3A_116 = tpu.vector_load %arg8[%swap3A_115] {strides = array<i32>} : memref<5392xi32, #tpu.memory_space<vmem>>, vector<16xi32>,
    tpu.vector_store %arg8[%swap3A_115], %broadcast_in_dim3A_4 {strides = array<i32>} : memref<5392xi32, #tpu.memory_space<vmem>>, vector<16xi32>,
    %add3A_117 = arith.constant 32 : i32
    %add3A_118 = arith.addi %scan3A_96, %add3A_117 : i32
    %swap3A_119 = arith.index_cast %add3A_118 : i32 to index
    %swap3A_120 = tpu.vector_load %arg9[%swap3A_119] {strides = array<i32>} : memref<5392xi32, #tpu.memory_space<vmem>>, vector<16xi32>,
    tpu.vector_store %arg9[%swap3A_119], %broadcast_in_dim3A_2 {strides = array<i32>} : memref<5392xi32, #tpu.memory_space<vmem>>, vector<16xi32>,
    %add3A_121 = arith.constant 48 : i32
    %add3A_122 = arith.addi %scan3A_96, %add3A_121 : i32
    %swap3A_123 = arith.index_cast %add3A_122 : i32 to index
    %swap3A_124 = tpu.vector_load %arg8[%swap3A_123] {strides = array<i32>} : memref<5392xi32, #tpu.memory_space<vmem>>, vector<16xi32>,
    tpu.vector_store %arg8[%swap3A_123], %broadcast_in_dim3A_4 {strides = array<i32>} : memref<5392xi32, #tpu.memory_space<vmem>>, vector<16xi32>,
    %add3A_125 = arith.constant 48 : i32
    %add3A_126 = arith.addi %scan3A_96, %add3A_125 : i32
    %swap3A_127 = arith.index_cast %add3A_126 : i32 to index
    %swap3A_128 = tpu.vector_load %arg9[%swap3A_127] {strides = array<i32>} : memref<5392xi32, #tpu.memory_space<vmem>>, vector<16xi32>,
    tpu.vector_store %arg9[%swap3A_127], %broadcast_in_dim3A_2 {strides = array<i32>} : memref<5392xi32, #tpu.memory_space<vmem>>, vector<16xi32>,
    %add3A_129 = arith.constant 64 : i32
    %add3A_130 = arith.addi %scan3A_96, %add3A_129 : i32
    %swap3A_131 = arith.index_cast %add3A_130 : i32 to index
    %swap3A_132 = tpu.vector_load %arg8[%swap3A_131] {strides = array<i32>} : memref<5392xi32, #tpu.memory_space<vmem>>, vector<16xi32>,
    tpu.vector_store %arg8[%swap3A_131], %broadcast_in_dim3A_4 {strides = array<i32>} : memref<5392xi32, #tpu.memory_space<vmem>>, vector<16xi32>,
    %add3A_133 = arith.constant 64 : i32
    %add3A_134 = arith.addi %scan3A_96, %add3A_133 : i32
    %swap3A_135 = arith.index_cast %add3A_134 : i32 to index
    %swap3A_136 = tpu.vector_load %arg9[%swap3A_135] {strides = array<i32>} : memref<5392xi32, #tpu.memory_space<vmem>>, vector<16xi32>,
    tpu.vector_store %arg9[%swap3A_135], %broadcast_in_dim3A_2 {strides = array<i32>} : memref<5392xi32, #tpu.memory_space<vmem>>, vector<16xi32>,
    %add3A_137 = arith.constant 80 : i32
    %add3A_138 = arith.addi %scan3A_96, %add3A_137 : i32
    %swap3A_139 = arith.index_cast %add3A_138 : i32 to index
    %swap3A_140 = tpu.vector_load %arg8[%swap3A_139] {strides = array<i32>} : memref<5392xi32, #tpu.memory_space<vmem>>, vector<16xi32>,
    tpu.vector_store %arg8[%swap3A_139], %broadcast_in_dim3A_4 {strides = array<i32>} : memref<5392xi32, #tpu.memory_space<vmem>>, vector<16xi32>,
    %add3A_141 = arith.constant 80 : i32
    %add3A_142 = arith.addi %scan3A_96, %add3A_141 : i32
    %swap3A_143 = arith.index_cast %add3A_142 : i32 to index
    %swap3A_144 = tpu.vector_load %arg9[%swap3A_143] {strides = array<i32>} : memref<5392xi32, #tpu.memory_space<vmem>>, vector<16xi32>,
    tpu.vector_store %arg9[%swap3A_143], %broadcast_in_dim3A_2 {strides = array<i32>} : memref<5392xi32, #tpu.memory_space<vmem>>, vector<16xi32>,
    %add3A_145 = arith.constant 96 : i32
    %add3A_146 = arith.addi %scan3A_96, %add3A_145 : i32
    %swap3A_147 = arith.index_cast %add3A_146 : i32 to index
    %swap3A_148 = tpu.vector_load %arg8[%swap3A_147] {strides = array<i32>} : memref<5392xi32, #tpu.memory_space<vmem>>, vector<16xi32>,
    tpu.vector_store %arg8[%swap3A_147], %broadcast_in_dim3A_4 {strides = array<i32>} : memref<5392xi32, #tpu.memory_space<vmem>>, vector<16xi32>,
    %add3A_149 = arith.constant 96 : i32
    %add3A_150 = arith.addi %scan3A_96, %add3A_149 : i32
    %swap3A_151 = arith.index_cast %add3A_150 : i32 to index
    %swap3A_152 = tpu.vector_load %arg9[%swap3A_151] {strides = array<i32>} : memref<5392xi32, #tpu.memory_space<vmem>>, vector<16xi32>,
    tpu.vector_store %arg9[%swap3A_151], %broadcast_in_dim3A_2 {strides = array<i32>} : memref<5392xi32, #tpu.memory_space<vmem>>, vector<16xi32>,
    %add3A_153 = arith.constant 112 : i32
    %add3A_154 = arith.addi %scan3A_96, %add3A_153 : i32
    %swap3A_155 = arith.index_cast %add3A_154 : i32 to index
    %swap3A_156 = tpu.vector_load %arg8[%swap3A_155] {strides = array<i32>} : memref<5392xi32, #tpu.memory_space<vmem>>, vector<16xi32>,
    tpu.vector_store %arg8[%swap3A_155], %broadcast_in_dim3A_4 {strides = array<i32>} : memref<5392xi32, #tpu.memory_space<vmem>>, vector<16xi32>,
    %add3A_157 = arith.constant 112 : i32
    %add3A_158 = arith.addi %scan3A_96, %add3A_157 : i32
    %swap3A_159 = arith.index_cast %add3A_158 : i32 to index
    %swap3A_160 = tpu.vector_load %arg9[%swap3A_159] {strides = array<i32>} : memref<5392xi32, #tpu.memory_space<vmem>>, vector<16xi32>,
    tpu.vector_store %arg9[%swap3A_159], %broadcast_in_dim3A_2 {strides = array<i32>} : memref<5392xi32, #tpu.memory_space<vmem>>, vector<16xi32>,
    %add3A_161 = arith.constant 128 : i32
    %add3A_162 = arith.addi %scan3A_96, %add3A_161 : i32
    %sub3A = arith.constant 1 : i32
    %sub3A_163 = arith.subi %add3A_162, %sub3A : i32
    %jit3A = arith.constant 128 : i32
    %div3A = arith.divsi %sub3A_163, %jit3A : i32
    %sign3A = arith.constant 0 : i32
    %sign3A_164 = arith.cmpi sgt, %sub3A_163, %sign3A : i32
    %sign3A_165 = arith.extui %sign3A_164 : i1 to i32
    %sign3A_166 = arith.constant 0 : i32
    %sign3A_167 = arith.cmpi slt, %sub3A_163, %sign3A_166 : i32
    %sign3A_168 = arith.extui %sign3A_167 : i1 to i32
    %sign3A_169 = arith.subi %sign3A_165, %sign3A_168 : i32
    %sign3A_170 = arith.constant 0 : i32
    %sign3A_171 = arith.cmpi sgt, %jit3A, %sign3A_170 : i32
    %sign3A_172 = arith.extui %sign3A_171 : i1 to i32
    %sign3A_173 = arith.constant 0 : i32
    %sign3A_174 = arith.cmpi slt, %jit3A, %sign3A_173 : i32
    %sign3A_175 = arith.extui %sign3A_174 : i1 to i32
    %sign3A_176 = arith.subi %sign3A_172, %sign3A_175 : i32
    %ne3A = arith.cmpi ne, %sign3A_169, %sign3A_176 : i32
    %rem3A = arith.remsi %sub3A_163, %jit3A : i32
    %ne3A_177 = arith.constant 0 : i32
    %ne3A_178 = arith.cmpi ne, %rem3A, %ne3A_177 : i32
    %and3A = arith.andi %ne3A, %ne3A_178 : i1
    %sub3A_179 = arith.constant 1 : i32
    %sub3A_180 = arith.subi %div3A, %sub3A_179 : i32
    %select_n3A = arith.select %and3A, %sub3A_180, %div3A : i32
    %while3A = arith.constant 0 : i32
    %while3A_181 = arith.constant 0 : i32
    %while3A_182 = arith.subi %select_n3A, %while3A : i32
    %while3A_183 = arith.addi %while3A, %while3A_182 : i32
    %while3A_184 = arith.constant 1 : i32
    %while3A_185 = arith.divsi %while3A_182, %while3A_184 : i32
    %while3A_186 = arith.muli %while3A_185, %while3A_184 : i32
    %while3A_187 = arith.addi %while3A, %while3A_186 : i32
    %while3A_188 = arith.constant 1 : i32
    %while3A_189 = scf.for %while3A_316 = %while3A to %while3A_187 step %while3A_188 iter_args(%while3A_317 = %while3A_181) -> (i32)  : i32 {
      %mul3A_318 = arith.constant 128 : i32
      %mul3A_319 = arith.muli %while3A_316, %mul3A_318 : i32
      %dma_start3A = tpu.memref_slice %arg8[%mul3A_319] : memref<5392xi32, #tpu.memory_space<vmem>> -> memref<128xi32, #tpu.memory_space<vmem>>
      %dma_start3A_320 = arith.constant 0 : i32
      %dma_start3A_321 = arith.constant 0 : i32
      %dma_start3A_322 = tpu.memref_slice %arg4[%dma_start3A_320, %dma_start3A_321] : memref<10000x256xf32, #tpu.memory_space<hbm>> -> memref<10000x256xf32, #tpu.memory_space<hbm>>
      tpu.enqueue_indirect_dma source(%dma_start3A_322 : memref<10000x256xf32, #tpu.memory_space<hbm>>) target(%arg10 : memref<128x256xf32, #tpu.memory_space<vmem>>) offsets(%dma_start3A : memref<128xi32, #tpu.memory_space<vmem>>) semaphore(%arg12 : memref<!tpu.dma_semaphore, #tpu.memory_space<semaphore_mem>>)
      %dma_wait3A = tpu.memref_slice %arg8[%mul3A_319] : memref<5392xi32, #tpu.memory_space<vmem>> -> memref<128xi32, #tpu.memory_space<vmem>>
      %dma_wait3A_323 = arith.constant 0 : i32
      %dma_wait3A_324 = arith.constant 0 : i32
      %dma_wait3A_325 = tpu.memref_slice %arg4[%dma_wait3A_323, %dma_wait3A_324] : memref<10000x256xf32, #tpu.memory_space<hbm>> -> memref<10000x256xf32, #tpu.memory_space<hbm>>
      tpu.wait_indirect_dma semaphore(%arg12 : memref<!tpu.dma_semaphore, #tpu.memory_space<semaphore_mem>>) src(%dma_wait3A_325 : memref<10000x256xf32, #tpu.memory_space<hbm>>) dst(%arg10 : memref<128x256xf32, #tpu.memory_space<vmem>>)
      "tpu.region"() ({
        %run_scoped3A = tpu.sem_alloc : memref<!tpu.dma_semaphore, #tpu.memory_space<semaphore_mem>>
        %dma_start3A_327 = tpu.memref_slice %arg9[%mul3A_319] : memref<5392xi32, #tpu.memory_space<vmem>> -> memref<128xi32, #tpu.memory_space<vmem>>
        %dma_start3A_328 = arith.constant 0 : i32
        %dma_start3A_329 = arith.constant 0 : i32
        %dma_start3A_330 = tpu.memref_slice %arg11[%dma_start3A_328, %dma_start3A_329] : memref<5008x256xf32, #tpu.memory_space<vmem_shared>> -> memref<5008x256xf32, #tpu.memory_space<vmem_shared>>
        tpu.enqueue_indirect_dma source(%arg10 : memref<128x256xf32, #tpu.memory_space<vmem>>) target(%dma_start3A_330 : memref<5008x256xf32, #tpu.memory_space<vmem_shared>>) offsets(%dma_start3A_327 : memref<128xi32, #tpu.memory_space<vmem>>) semaphore(%run_scoped3A : memref<!tpu.dma_semaphore, #tpu.memory_space<semaphore_mem>>) {add = true}
        %dma_wait3A_331 = tpu.memref_slice %arg9[%mul3A_319] : memref<5392xi32, #tpu.memory_space<vmem>> -> memref<128xi32, #tpu.memory_space<vmem>>
        %dma_wait3A_332 = arith.constant 0 : i32
        %dma_wait3A_333 = arith.constant 0 : i32
        %dma_wait3A_334 = tpu.memref_slice %arg11[%dma_wait3A_332, %dma_wait3A_333] : memref<5008x256xf32, #tpu.memory_space<vmem_shared>> -> memref<5008x256xf32, #tpu.memory_space<vmem_shared>>
        tpu.wait_indirect_dma semaphore(%run_scoped3A : memref<!tpu.dma_semaphore, #tpu.memory_space<semaphore_mem>>) src(%arg10 : memref<128x256xf32, #tpu.memory_space<vmem>>) dst(%dma_wait3A_334 : memref<5008x256xf32, #tpu.memory_space<vmem_shared>>)
        tpu.yield
      }) : () -> ()
      %while3A_326 = arith.constant 0 : i32
      scf.yield %while3A_326 : i32
    }
    %while3A_190 = arith.constant 1 : i32
    %while3A_191 = scf.for %while3A_316 = %while3A_187 to %while3A_183 step %while3A_190 iter_args(%while3A_317 = %while3A_189) -> (i32)  : i32 {
      %mul3A_318 = arith.constant 128 : i32
      %mul3A_319 = arith.muli %while3A_316, %mul3A_318 : i32
      %dma_start3A = tpu.memref_slice %arg8[%mul3A_319] : memref<5392xi32, #tpu.memory_space<vmem>> -> memref<128xi32, #tpu.memory_space<vmem>>
      %dma_start3A_320 = arith.constant 0 : i32
      %dma_start3A_321 = arith.constant 0 : i32
      %dma_start3A_322 = tpu.memref_slice %arg4[%dma_start3A_320, %dma_start3A_321] : memref<10000x256xf32, #tpu.memory_space<hbm>> -> memref<10000x256xf32, #tpu.memory_space<hbm>>
      tpu.enqueue_indirect_dma source(%dma_start3A_322 : memref<10000x256xf32, #tpu.memory_space<hbm>>) target(%arg10 : memref<128x256xf32, #tpu.memory_space<vmem>>) offsets(%dma_start3A : memref<128xi32, #tpu.memory_space<vmem>>) semaphore(%arg12 : memref<!tpu.dma_semaphore, #tpu.memory_space<semaphore_mem>>)
      %dma_wait3A = tpu.memref_slice %arg8[%mul3A_319] : memref<5392xi32, #tpu.memory_space<vmem>> -> memref<128xi32, #tpu.memory_space<vmem>>
      %dma_wait3A_323 = arith.constant 0 : i32
      %dma_wait3A_324 = arith.constant 0 : i32
      %dma_wait3A_325 = tpu.memref_slice %arg4[%dma_wait3A_323, %dma_wait3A_324] : memref<10000x256xf32, #tpu.memory_space<hbm>> -> memref<10000x256xf32, #tpu.memory_space<hbm>>
      tpu.wait_indirect_dma semaphore(%arg12 : memref<!tpu.dma_semaphore, #tpu.memory_space<semaphore_mem>>) src(%dma_wait3A_325 : memref<10000x256xf32, #tpu.memory_space<hbm>>) dst(%arg10 : memref<128x256xf32, #tpu.memory_space<vmem>>)
      "tpu.region"() ({
        %run_scoped3A = tpu.sem_alloc : memref<!tpu.dma_semaphore, #tpu.memory_space<semaphore_mem>>
        %dma_start3A_327 = tpu.memref_slice %arg9[%mul3A_319] : memref<5392xi32, #tpu.memory_space<vmem>> -> memref<128xi32, #tpu.memory_space<vmem>>
        %dma_start3A_328 = arith.constant 0 : i32
        %dma_start3A_329 = arith.constant 0 : i32
        %dma_start3A_330 = tpu.memref_slice %arg11[%dma_start3A_328, %dma_start3A_329] : memref<5008x256xf32, #tpu.memory_space<vmem_shared>> -> memref<5008x256xf32, #tpu.memory_space<vmem_shared>>
        tpu.enqueue_indirect_dma source(%arg10 : memref<128x256xf32, #tpu.memory_space<vmem>>) target(%dma_start3A_330 : memref<5008x256xf32, #tpu.memory_space<vmem_shared>>) offsets(%dma_start3A_327 : memref<128xi32, #tpu.memory_space<vmem>>) semaphore(%run_scoped3A : memref<!tpu.dma_semaphore, #tpu.memory_space<semaphore_mem>>) {add = true}
        %dma_wait3A_331 = tpu.memref_slice %arg9[%mul3A_319] : memref<5392xi32, #tpu.memory_space<vmem>> -> memref<128xi32, #tpu.memory_space<vmem>>
        %dma_wait3A_332 = arith.constant 0 : i32
        %dma_wait3A_333 = arith.constant 0 : i32
        %dma_wait3A_334 = tpu.memref_slice %arg11[%dma_wait3A_332, %dma_wait3A_333] : memref<5008x256xf32, #tpu.memory_space<vmem_shared>> -> memref<5008x256xf32, #tpu.memory_space<vmem_shared>>
        tpu.wait_indirect_dma semaphore(%run_scoped3A : memref<!tpu.dma_semaphore, #tpu.memory_space<semaphore_mem>>) src(%arg10 : memref<128x256xf32, #tpu.memory_space<vmem>>) dst(%dma_wait3A_334 : memref<5008x256xf32, #tpu.memory_space<vmem_shared>>)
        tpu.yield
      }) : () -> ()
      %while3A_326 = arith.constant 0 : i32
      scf.yield %while3A_326 : i32
    }
    %scan3A_192 = arith.constant 0 : i32
    %scan3A_193 = arith.constant 0 : i32
    %scan3A_194 = arith.constant 5 : i32
    %scan3A_195 = arith.addi %scan3A_193, %scan3A_194 : i32
    %scan3A_196 = arith.constant 1 : i32
    %scan3A_197 = scf.for %scan3A_316 = %scan3A_193 to %scan3A_195 step %scan3A_196 iter_args(%scan3A_317 = %scan3A_192) -> (i32)  : i32 {
      %mul3A_318 = arith.constant 80 : i32
      %mul3A_319 = arith.muli %arg1, %mul3A_318 : i32
      %add3A_320 = arith.constant 40 : i32
      %add3A_321 = arith.addi %mul3A_319, %add3A_320 : i32
      %mul3A_322 = arith.constant 8 : i32
      %mul3A_323 = arith.muli %scan3A_316, %mul3A_322 : i32
      %add3A_324 = arith.addi %add3A_321, %mul3A_323 : i32
      "tpu.region"() ({
        %run_scoped3A = tpu.sem_alloc : memref<!tpu.dma_semaphore, #tpu.memory_space<semaphore_mem>>
        %dma_start3A = arith.constant 0 : i32
        %dma_start3A_331 = tpu.memref_slice %arg2[%add3A_324, %dma_start3A] : memref<1280x128xi32, #tpu.memory_space<hbm>> -> memref<8x128xi32, #tpu.memory_space<hbm>>
        %dma_start3A_332 = arith.constant 0 : i32
        %dma_start3A_333 = tpu.memref_slice %arg2[%add3A_324, %dma_start3A_332] : memref<1280x128xi32, #tpu.memory_space<hbm>> -> memref<8x128xi32, #tpu.memory_space<hbm>>
        tpu.enqueue_dma source(%dma_start3A_333 : memref<8x128xi32, #tpu.memory_space<hbm>>) target(%arg6 : memref<8x128xi32, #tpu.memory_space<vmem>>) target_semaphore(%run_scoped3A : memref<!tpu.dma_semaphore, #tpu.memory_space<semaphore_mem>>)
        %dma_wait3A = arith.constant 0 : i32
        %dma_wait3A_334 = tpu.memref_slice %arg2[%add3A_324, %dma_wait3A] : memref<1280x128xi32, #tpu.memory_space<hbm>> -> memref<8x128xi32, #tpu.memory_space<hbm>>
        %dma_wait3A_335 = arith.constant 0 : i32
        %dma_wait3A_336 = tpu.memref_slice %arg2[%add3A_324, %dma_wait3A_335] : memref<1280x128xi32, #tpu.memory_space<hbm>> -> memref<8x128xi32, #tpu.memory_space<hbm>>
        tpu.wait_dma2 semaphore(%run_scoped3A : memref<!tpu.dma_semaphore, #tpu.memory_space<semaphore_mem>>) src(%dma_wait3A_336 : memref<8x128xi32, #tpu.memory_space<hbm>>) dst(%arg6 : memref<8x128xi32, #tpu.memory_space<vmem>>)
        tpu.yield
      }) : () -> ()
      "tpu.region"() ({
        %run_scoped3A = tpu.sem_alloc : memref<!tpu.dma_semaphore, #tpu.memory_space<semaphore_mem>>
        %dma_start3A = arith.constant 0 : i32
        %dma_start3A_331 = tpu.memref_slice %arg3[%add3A_324, %dma_start3A] : memref<1280x128xi32, #tpu.memory_space<hbm>> -> memref<8x128xi32, #tpu.memory_space<hbm>>
        %dma_start3A_332 = arith.constant 0 : i32
        %dma_start3A_333 = tpu.memref_slice %arg3[%add3A_324, %dma_start3A_332] : memref<1280x128xi32, #tpu.memory_space<hbm>> -> memref<8x128xi32, #tpu.memory_space<hbm>>
        tpu.enqueue_dma source(%dma_start3A_333 : memref<8x128xi32, #tpu.memory_space<hbm>>) target(%arg7 : memref<8x128xi32, #tpu.memory_space<vmem>>) target_semaphore(%run_scoped3A : memref<!tpu.dma_semaphore, #tpu.memory_space<semaphore_mem>>)
        %dma_wait3A = arith.constant 0 : i32
        %dma_wait3A_334 = tpu.memref_slice %arg3[%add3A_324, %dma_wait3A] : memref<1280x128xi32, #tpu.memory_space<hbm>> -> memref<8x128xi32, #tpu.memory_space<hbm>>
        %dma_wait3A_335 = arith.constant 0 : i32
        %dma_wait3A_336 = tpu.memref_slice %arg3[%add3A_324, %dma_wait3A_335] : memref<1280x128xi32, #tpu.memory_space<hbm>> -> memref<8x128xi32, #tpu.memory_space<hbm>>
        tpu.wait_dma2 semaphore(%run_scoped3A : memref<!tpu.dma_semaphore, #tpu.memory_space<semaphore_mem>>) src(%dma_wait3A_336 : memref<8x128xi32, #tpu.memory_space<hbm>>) dst(%arg7 : memref<8x128xi32, #tpu.memory_space<vmem>>)
        tpu.yield
      }) : () -> ()
      %scan3A_325 = arith.constant 0 : i32
      %scan3A_326 = arith.constant 64 : i32
      %scan3A_327 = arith.addi %scan3A_325, %scan3A_326 : i32
      %scan3A_328 = arith.constant 1 : i32
      %scan3A_329 = scf.for %scan3A_331 = %scan3A_325 to %scan3A_327 step %scan3A_328 iter_args(%scan3A_332 = %scan3A_317) -> (i32)  : i32 {
        %jit3A_333 = arith.constant 8 : i32
        %div3A_334 = arith.divsi %scan3A_331, %jit3A_333 : i32
        %sign3A_335 = arith.constant 0 : i32
        %sign3A_336 = arith.cmpi sgt, %scan3A_331, %sign3A_335 : i32
        %sign3A_337 = arith.extui %sign3A_336 : i1 to i32
        %sign3A_338 = arith.constant 0 : i32
        %sign3A_339 = arith.cmpi slt, %scan3A_331, %sign3A_338 : i32
        %sign3A_340 = arith.extui %sign3A_339 : i1 to i32
        %sign3A_341 = arith.subi %sign3A_337, %sign3A_340 : i32
        %sign3A_342 = arith.constant 0 : i32
        %sign3A_343 = arith.cmpi sgt, %jit3A_333, %sign3A_342 : i32
        %sign3A_344 = arith.extui %sign3A_343 : i1 to i32
        %sign3A_345 = arith.constant 0 : i32
        %sign3A_346 = arith.cmpi slt, %jit3A_333, %sign3A_345 : i32
        %sign3A_347 = arith.extui %sign3A_346 : i1 to i32
        %sign3A_348 = arith.subi %sign3A_344, %sign3A_347 : i32
        %ne3A_349 = arith.cmpi ne, %sign3A_341, %sign3A_348 : i32
        %rem3A_350 = arith.remsi %scan3A_331, %jit3A_333 : i32
        %ne3A_351 = arith.constant 0 : i32
        %ne3A_352 = arith.cmpi ne, %rem3A_350, %ne3A_351 : i32
        %and3A_353 = arith.andi %ne3A_349, %ne3A_352 : i1
        %sub3A_354 = arith.constant 1 : i32
        %sub3A_355 = arith.subi %div3A_334, %sub3A_354 : i32
        %select_n3A_356 = arith.select %and3A_353, %sub3A_355, %div3A_334 : i32
        %jit3A_357 = arith.constant 8 : i32
        %eq3A_358 = arith.constant 0 : i32
        %eq3A_359 = arith.cmpi eq, %jit3A_357, %eq3A_358 : i32
        %jit3A_360 = arith.constant 1 : i32
        %select_n3A_361 = arith.select %eq3A_359, %jit3A_360, %jit3A_357 : i32
        %rem3A_362 = arith.remsi %scan3A_331, %select_n3A_361 : i32
        %ne3A_363 = arith.constant 0 : i32
        %ne3A_364 = arith.cmpi ne, %rem3A_362, %ne3A_363 : i32
        %lt3A_365 = arith.constant 0 : i32
        %lt3A_366 = arith.cmpi slt, %rem3A_362, %lt3A_365 : i32
        %lt3A_367 = arith.constant 0 : i32
        %lt3A_368 = arith.cmpi slt, %select_n3A_361, %lt3A_367 : i32
        %ne3A_369 = arith.xori %lt3A_366, %lt3A_368 : i1
        %and3A_370 = arith.andi %ne3A_369, %ne3A_364 : i1
        %add3A_371 = arith.addi %rem3A_362, %select_n3A_361 : i32
        %select_n3A_372 = arith.select %and3A_370, %add3A_371, %rem3A_362 : i32
        %mul3A_373 = arith.constant 16 : i32
        %mul3A_374 = arith.muli %select_n3A_372, %mul3A_373 : i32
        %get3A = arith.index_cast %select_n3A_356 : i32 to index
        %get3A_375 = arith.index_cast %mul3A_374 : i32 to index
        %get3A_376 = tpu.vector_load %arg7[%get3A, %get3A_375] {strides = array<i32>} : memref<8x128xi32, #tpu.memory_space<vmem>>, vector<16xi32>,
        %get3A_377 = arith.index_cast %select_n3A_356 : i32 to index
        %get3A_378 = arith.index_cast %mul3A_374 : i32 to index
        %get3A_379 = tpu.vector_load %arg6[%get3A_377, %get3A_378] {strides = array<i32>} : memref<8x128xi32, #tpu.memory_space<vmem>>, vector<16xi32>,
        %ge3A = vector.broadcast %mul3A_0 : i32 to vector<16xi32>
        %ge3A_380 = arith.cmpi sge, %get3A_376, %ge3A : vector<16xi32>
        %lt3A_381 = vector.broadcast %add3A_1 : i32 to vector<16xi32>
        %lt3A_382 = arith.cmpi slt, %get3A_376, %lt3A_381 : vector<16xi32>
        %and3A_383 = arith.andi %ge3A_380, %lt3A_382 : vector<16xi1>
        %jit3A_384 = arith.constant 1 : i32
        %jit3A_385 = arith.constant 0 : i32
        %broadcast_in_dim3A_386 = vector.broadcast %jit3A_384 : i32 to vector<16xi32>
        %broadcast_in_dim3A_387 = vector.broadcast %jit3A_385 : i32 to vector<16xi32>
        %select_n3A_388 = arith.select %and3A_383, %broadcast_in_dim3A_386, %broadcast_in_dim3A_387 : vector<16xi1>, vector<16xi32>
        %broadcast_in_dim3A_389 = arith.constant true
        %broadcast_in_dim3A_390 = vector.broadcast %broadcast_in_dim3A_389 : i1 to vector<16xi1>
        %masked_cumsum3A = tpu.scan <sum>, %select_n3A_388 masked %broadcast_in_dim3A_390 : vector<16xi32>, vector<16xi1> -> vector<16xi32>
        %iota3A = tpu.iota {dimensions = array<i32: 0>} : vector<16xi32>
        %add3A_391 = vector.broadcast %scan3A_332 : i32 to vector<16xi32>
        %add3A_392 = arith.addi %add3A_391, %masked_cumsum3A : vector<16xi32>
        %sub3A_393 = arith.constant 1 : i32
        %sub3A_394 = vector.broadcast %sub3A_393 : i32 to vector<16xi32>
        %sub3A_395 = arith.subi %add3A_392, %sub3A_394 : vector<16xi32>
        %add3A_396 = arith.constant 5376 : i32
        %add3A_397 = vector.broadcast %add3A_396 : i32 to vector<16xi32>
        %add3A_398 = arith.addi %add3A_397, %iota3A : vector<16xi32>
        %select_n3A_399 = arith.select %and3A_383, %sub3A_395, %add3A_398 : vector<16xi1>, vector<16xi32>
        tpu.vector_store_idx %arg8[%select_n3A_399], %get3A_379 : memref<5392xi32, #tpu.memory_space<vmem>>[vector<16xi32>], vector<16xi32>,
        %sub3A_400 = vector.broadcast %mul3A_0 : i32 to vector<16xi32>
        %sub3A_401 = arith.subi %get3A_376, %sub3A_400 : vector<16xi32>
        tpu.vector_store_idx %arg9[%select_n3A_399], %sub3A_401 : memref<5392xi32, #tpu.memory_space<vmem>>[vector<16xi32>], vector<16xi32>,
        %reduce_sum3A = arith.constant true
        %reduce_sum3A_402 = vector.broadcast %reduce_sum3A : i1 to vector<16xi1>
        %reduce_sum3A_403 = tpu.scan <sum>, %select_n3A_388 masked %reduce_sum3A_402 : vector<16xi32>, vector<16xi1> -> vector<16xi32>
        %reduce_sum3A_404 = vector.extract %reduce_sum3A_403[15] : i32 from vector<16xi32>
        %add3A_405 = arith.addi %scan3A_332, %reduce_sum3A_404 : i32
        scf.yield %add3A_405 : i32
      }
      %scan3A_330 = arith.constant 64 : i32
      scf.yield %scan3A_329 : i32
    }
    %scan3A_198 = arith.constant 5 : i32
    %add3A_199 = arith.constant 0 : i32
    %add3A_200 = arith.addi %scan3A_197, %add3A_199 : i32
    %swap3A_201 = arith.index_cast %add3A_200 : i32 to index
    %swap3A_202 = tpu.vector_load %arg8[%swap3A_201] {strides = array<i32>} : memref<5392xi32, #tpu.memory_space<vmem>>, vector<16xi32>,
    tpu.vector_store %arg8[%swap3A_201], %broadcast_in_dim3A_4 {strides = array<i32>} : memref<5392xi32, #tpu.memory_space<vmem>>, vector<16xi32>,
    %add3A_203 = arith.constant 0 : i32
    %add3A_204 = arith.addi %scan3A_197, %add3A_203 : i32
    %swap3A_205 = arith.index_cast %add3A_204 : i32 to index
    %swap3A_206 = tpu.vector_load %arg9[%swap3A_205] {strides = array<i32>} : memref<5392xi32, #tpu.memory_space<vmem>>, vector<16xi32>,
    tpu.vector_store %arg9[%swap3A_205], %broadcast_in_dim3A_2 {strides = array<i32>} : memref<5392xi32, #tpu.memory_space<vmem>>, vector<16xi32>,
    %add3A_207 = arith.constant 16 : i32
    %add3A_208 = arith.addi %scan3A_197, %add3A_207 : i32
    %swap3A_209 = arith.index_cast %add3A_208 : i32 to index
    %swap3A_210 = tpu.vector_load %arg8[%swap3A_209] {strides = array<i32>} : memref<5392xi32, #tpu.memory_space<vmem>>, vector<16xi32>,
    tpu.vector_store %arg8[%swap3A_209], %broadcast_in_dim3A_4 {strides = array<i32>} : memref<5392xi32, #tpu.memory_space<vmem>>, vector<16xi32>,
    %add3A_211 = arith.constant 16 : i32
    %add3A_212 = arith.addi %scan3A_197, %add3A_211 : i32
    %swap3A_213 = arith.index_cast %add3A_212 : i32 to index
    %swap3A_214 = tpu.vector_load %arg9[%swap3A_213] {strides = array<i32>} : memref<5392xi32, #tpu.memory_space<vmem>>, vector<16xi32>,
    tpu.vector_store %arg9[%swap3A_213], %broadcast_in_dim3A_2 {strides = array<i32>} : memref<5392xi32, #tpu.memory_space<vmem>>, vector<16xi32>,
    %add3A_215 = arith.constant 32 : i32
    %add3A_216 = arith.addi %scan3A_197, %add3A_215 : i32
    %swap3A_217 = arith.index_cast %add3A_216 : i32 to index
    %swap3A_218 = tpu.vector_load %arg8[%swap3A_217] {strides = array<i32>} : memref<5392xi32, #tpu.memory_space<vmem>>, vector<16xi32>,
    tpu.vector_store %arg8[%swap3A_217], %broadcast_in_dim3A_4 {strides = array<i32>} : memref<5392xi32, #tpu.memory_space<vmem>>, vector<16xi32>,
    %add3A_219 = arith.constant 32 : i32
    %add3A_220 = arith.addi %scan3A_197, %add3A_219 : i32
    %swap3A_221 = arith.index_cast %add3A_220 : i32 to index
    %swap3A_222 = tpu.vector_load %arg9[%swap3A_221] {strides = array<i32>} : memref<5392xi32, #tpu.memory_space<vmem>>, vector<16xi32>,
    tpu.vector_store %arg9[%swap3A_221], %broadcast_in_dim3A_2 {strides = array<i32>} : memref<5392xi32, #tpu.memory_space<vmem>>, vector<16xi32>,
    %add3A_223 = arith.constant 48 : i32
    %add3A_224 = arith.addi %scan3A_197, %add3A_223 : i32
    %swap3A_225 = arith.index_cast %add3A_224 : i32 to index
    %swap3A_226 = tpu.vector_load %arg8[%swap3A_225] {strides = array<i32>} : memref<5392xi32, #tpu.memory_space<vmem>>, vector<16xi32>,
    tpu.vector_store %arg8[%swap3A_225], %broadcast_in_dim3A_4 {strides = array<i32>} : memref<5392xi32, #tpu.memory_space<vmem>>, vector<16xi32>,
    %add3A_227 = arith.constant 48 : i32
    %add3A_228 = arith.addi %scan3A_197, %add3A_227 : i32
    %swap3A_229 = arith.index_cast %add3A_228 : i32 to index
    %swap3A_230 = tpu.vector_load %arg9[%swap3A_229] {strides = array<i32>} : memref<5392xi32, #tpu.memory_space<vmem>>, vector<16xi32>,
    tpu.vector_store %arg9[%swap3A_229], %broadcast_in_dim3A_2 {strides = array<i32>} : memref<5392xi32, #tpu.memory_space<vmem>>, vector<16xi32>,
    %add3A_231 = arith.constant 64 : i32
    %add3A_232 = arith.addi %scan3A_197, %add3A_231 : i32
    %swap3A_233 = arith.index_cast %add3A_232 : i32 to index
    %swap3A_234 = tpu.vector_load %arg8[%swap3A_233] {strides = array<i32>} : memref<5392xi32, #tpu.memory_space<vmem>>, vector<16xi32>,
    tpu.vector_store %arg8[%swap3A_233], %broadcast_in_dim3A_4 {strides = array<i32>} : memref<5392xi32, #tpu.memory_space<vmem>>, vector<16xi32>,
    %add3A_235 = arith.constant 64 : i32
    %add3A_236 = arith.addi %scan3A_197, %add3A_235 : i32
    %swap3A_237 = arith.index_cast %add3A_236 : i32 to index
    %swap3A_238 = tpu.vector_load %arg9[%swap3A_237] {strides = array<i32>} : memref<5392xi32, #tpu.memory_space<vmem>>, vector<16xi32>,
    tpu.vector_store %arg9[%swap3A_237], %broadcast_in_dim3A_2 {strides = array<i32>} : memref<5392xi32, #tpu.memory_space<vmem>>, vector<16xi32>,
    %add3A_239 = arith.constant 80 : i32
    %add3A_240 = arith.addi %scan3A_197, %add3A_239 : i32
    %swap3A_241 = arith.index_cast %add3A_240 : i32 to index
    %swap3A_242 = tpu.vector_load %arg8[%swap3A_241] {strides = array<i32>} : memref<5392xi32, #tpu.memory_space<vmem>>, vector<16xi32>,
    tpu.vector_store %arg8[%swap3A_241], %broadcast_in_dim3A_4 {strides = array<i32>} : memref<5392xi32, #tpu.memory_space<vmem>>, vector<16xi32>,
    %add3A_243 = arith.constant 80 : i32
    %add3A_244 = arith.addi %scan3A_197, %add3A_243 : i32
    %swap3A_245 = arith.index_cast %add3A_244 : i32 to index
    %swap3A_246 = tpu.vector_load %arg9[%swap3A_245] {strides = array<i32>} : memref<5392xi32, #tpu.memory_space<vmem>>, vector<16xi32>,
    tpu.vector_store %arg9[%swap3A_245], %broadcast_in_dim3A_2 {strides = array<i32>} : memref<5392xi32, #tpu.memory_space<vmem>>, vector<16xi32>,
    %add3A_247 = arith.constant 96 : i32
    %add3A_248 = arith.addi %scan3A_197, %add3A_247 : i32
    %swap3A_249 = arith.index_cast %add3A_248 : i32 to index
    %swap3A_250 = tpu.vector_load %arg8[%swap3A_249] {strides = array<i32>} : memref<5392xi32, #tpu.memory_space<vmem>>, vector<16xi32>,
    tpu.vector_store %arg8[%swap3A_249], %broadcast_in_dim3A_4 {strides = array<i32>} : memref<5392xi32, #tpu.memory_space<vmem>>, vector<16xi32>,
    %add3A_251 = arith.constant 96 : i32
    %add3A_252 = arith.addi %scan3A_197, %add3A_251 : i32
    %swap3A_253 = arith.index_cast %add3A_252 : i32 to index
    %swap3A_254 = tpu.vector_load %arg9[%swap3A_253] {strides = array<i32>} : memref<5392xi32, #tpu.memory_space<vmem>>, vector<16xi32>,
    tpu.vector_store %arg9[%swap3A_253], %broadcast_in_dim3A_2 {strides = array<i32>} : memref<5392xi32, #tpu.memory_space<vmem>>, vector<16xi32>,
    %add3A_255 = arith.constant 112 : i32
    %add3A_256 = arith.addi %scan3A_197, %add3A_255 : i32
    %swap3A_257 = arith.index_cast %add3A_256 : i32 to index
    %swap3A_258 = tpu.vector_load %arg8[%swap3A_257] {strides = array<i32>} : memref<5392xi32, #tpu.memory_space<vmem>>, vector<16xi32>,
    tpu.vector_store %arg8[%swap3A_257], %broadcast_in_dim3A_4 {strides = array<i32>} : memref<5392xi32, #tpu.memory_space<vmem>>, vector<16xi32>,
    %add3A_259 = arith.constant 112 : i32
    %add3A_260 = arith.addi %scan3A_197, %add3A_259 : i32
    %swap3A_261 = arith.index_cast %add3A_260 : i32 to index
    %swap3A_262 = tpu.vector_load %arg9[%swap3A_261] {strides = array<i32>} : memref<5392xi32, #tpu.memory_space<vmem>>, vector<16xi32>,
    tpu.vector_store %arg9[%swap3A_261], %broadcast_in_dim3A_2 {strides = array<i32>} : memref<5392xi32, #tpu.memory_space<vmem>>, vector<16xi32>,
    %add3A_263 = arith.constant 128 : i32
    %add3A_264 = arith.addi %scan3A_197, %add3A_263 : i32
    %sub3A_265 = arith.constant 1 : i32
    %sub3A_266 = arith.subi %add3A_264, %sub3A_265 : i32
    %jit3A_267 = arith.constant 128 : i32
    %div3A_268 = arith.divsi %sub3A_266, %jit3A_267 : i32
    %sign3A_269 = arith.constant 0 : i32
    %sign3A_270 = arith.cmpi sgt, %sub3A_266, %sign3A_269 : i32
    %sign3A_271 = arith.extui %sign3A_270 : i1 to i32
    %sign3A_272 = arith.constant 0 : i32
    %sign3A_273 = arith.cmpi slt, %sub3A_266, %sign3A_272 : i32
    %sign3A_274 = arith.extui %sign3A_273 : i1 to i32
    %sign3A_275 = arith.subi %sign3A_271, %sign3A_274 : i32
    %sign3A_276 = arith.constant 0 : i32
    %sign3A_277 = arith.cmpi sgt, %jit3A_267, %sign3A_276 : i32
    %sign3A_278 = arith.extui %sign3A_277 : i1 to i32
    %sign3A_279 = arith.constant 0 : i32
    %sign3A_280 = arith.cmpi slt, %jit3A_267, %sign3A_279 : i32
    %sign3A_281 = arith.extui %sign3A_280 : i1 to i32
    %sign3A_282 = arith.subi %sign3A_278, %sign3A_281 : i32
    %ne3A_283 = arith.cmpi ne, %sign3A_275, %sign3A_282 : i32
    %rem3A_284 = arith.remsi %sub3A_266, %jit3A_267 : i32
    %ne3A_285 = arith.constant 0 : i32
    %ne3A_286 = arith.cmpi ne, %rem3A_284, %ne3A_285 : i32
    %and3A_287 = arith.andi %ne3A_283, %ne3A_286 : i1
    %sub3A_288 = arith.constant 1 : i32
    %sub3A_289 = arith.subi %div3A_268, %sub3A_288 : i32
    %select_n3A_290 = arith.select %and3A_287, %sub3A_289, %div3A_268 : i32
    %while3A_291 = arith.constant 0 : i32
    %while3A_292 = arith.constant 0 : i32
    %while3A_293 = arith.subi %select_n3A_290, %while3A_291 : i32
    %while3A_294 = arith.addi %while3A_291, %while3A_293 : i32
    %while3A_295 = arith.constant 1 : i32
    %while3A_296 = arith.divsi %while3A_293, %while3A_295 : i32
    %while3A_297 = arith.muli %while3A_296, %while3A_295 : i32
    %while3A_298 = arith.addi %while3A_291, %while3A_297 : i32
    %while3A_299 = arith.constant 1 : i32
    %while3A_300 = scf.for %while3A_316 = %while3A_291 to %while3A_298 step %while3A_299 iter_args(%while3A_317 = %while3A_292) -> (i32)  : i32 {
      %mul3A_318 = arith.constant 128 : i32
      %mul3A_319 = arith.muli %while3A_316, %mul3A_318 : i32
      %dma_start3A = tpu.memref_slice %arg8[%mul3A_319] : memref<5392xi32, #tpu.memory_space<vmem>> -> memref<128xi32, #tpu.memory_space<vmem>>
      %dma_start3A_320 = arith.constant 0 : i32
      %dma_start3A_321 = arith.constant 0 : i32
      %dma_start3A_322 = tpu.memref_slice %arg4[%dma_start3A_320, %dma_start3A_321] : memref<10000x256xf32, #tpu.memory_space<hbm>> -> memref<10000x256xf32, #tpu.memory_space<hbm>>
      tpu.enqueue_indirect_dma source(%dma_start3A_322 : memref<10000x256xf32, #tpu.memory_space<hbm>>) target(%arg10 : memref<128x256xf32, #tpu.memory_space<vmem>>) offsets(%dma_start3A : memref<128xi32, #tpu.memory_space<vmem>>) semaphore(%arg12 : memref<!tpu.dma_semaphore, #tpu.memory_space<semaphore_mem>>)
      %dma_wait3A = tpu.memref_slice %arg8[%mul3A_319] : memref<5392xi32, #tpu.memory_space<vmem>> -> memref<128xi32, #tpu.memory_space<vmem>>
      %dma_wait3A_323 = arith.constant 0 : i32
      %dma_wait3A_324 = arith.constant 0 : i32
      %dma_wait3A_325 = tpu.memref_slice %arg4[%dma_wait3A_323, %dma_wait3A_324] : memref<10000x256xf32, #tpu.memory_space<hbm>> -> memref<10000x256xf32, #tpu.memory_space<hbm>>
      tpu.wait_indirect_dma semaphore(%arg12 : memref<!tpu.dma_semaphore, #tpu.memory_space<semaphore_mem>>) src(%dma_wait3A_325 : memref<10000x256xf32, #tpu.memory_space<hbm>>) dst(%arg10 : memref<128x256xf32, #tpu.memory_space<vmem>>)
      "tpu.region"() ({
        %run_scoped3A = tpu.sem_alloc : memref<!tpu.dma_semaphore, #tpu.memory_space<semaphore_mem>>
        %dma_start3A_327 = tpu.memref_slice %arg9[%mul3A_319] : memref<5392xi32, #tpu.memory_space<vmem>> -> memref<128xi32, #tpu.memory_space<vmem>>
        %dma_start3A_328 = arith.constant 0 : i32
        %dma_start3A_329 = arith.constant 0 : i32
        %dma_start3A_330 = tpu.memref_slice %arg11[%dma_start3A_328, %dma_start3A_329] : memref<5008x256xf32, #tpu.memory_space<vmem_shared>> -> memref<5008x256xf32, #tpu.memory_space<vmem_shared>>
        tpu.enqueue_indirect_dma source(%arg10 : memref<128x256xf32, #tpu.memory_space<vmem>>) target(%dma_start3A_330 : memref<5008x256xf32, #tpu.memory_space<vmem_shared>>) offsets(%dma_start3A_327 : memref<128xi32, #tpu.memory_space<vmem>>) semaphore(%run_scoped3A : memref<!tpu.dma_semaphore, #tpu.memory_space<semaphore_mem>>) {add = true}
        %dma_wait3A_331 = tpu.memref_slice %arg9[%mul3A_319] : memref<5392xi32, #tpu.memory_space<vmem>> -> memref<128xi32, #tpu.memory_space<vmem>>
        %dma_wait3A_332 = arith.constant 0 : i32
        %dma_wait3A_333 = arith.constant 0 : i32
        %dma_wait3A_334 = tpu.memref_slice %arg11[%dma_wait3A_332, %dma_wait3A_333] : memref<5008x256xf32, #tpu.memory_space<vmem_shared>> -> memref<5008x256xf32, #tpu.memory_space<vmem_shared>>
        tpu.wait_indirect_dma semaphore(%run_scoped3A : memref<!tpu.dma_semaphore, #tpu.memory_space<semaphore_mem>>) src(%arg10 : memref<128x256xf32, #tpu.memory_space<vmem>>) dst(%dma_wait3A_334 : memref<5008x256xf32, #tpu.memory_space<vmem_shared>>)
        tpu.yield
      }) : () -> ()
      %while3A_326 = arith.constant 0 : i32
      scf.yield %while3A_326 : i32
    }
    %while3A_301 = arith.constant 1 : i32
    %while3A_302 = scf.for %while3A_316 = %while3A_298 to %while3A_294 step %while3A_301 iter_args(%while3A_317 = %while3A_300) -> (i32)  : i32 {
      %mul3A_318 = arith.constant 128 : i32
      %mul3A_319 = arith.muli %while3A_316, %mul3A_318 : i32
      %dma_start3A = tpu.memref_slice %arg8[%mul3A_319] : memref<5392xi32, #tpu.memory_space<vmem>> -> memref<128xi32, #tpu.memory_space<vmem>>
      %dma_start3A_320 = arith.constant 0 : i32
      %dma_start3A_321 = arith.constant 0 : i32
      %dma_start3A_322 = tpu.memref_slice %arg4[%dma_start3A_320, %dma_start3A_321] : memref<10000x256xf32, #tpu.memory_space<hbm>> -> memref<10000x256xf32, #tpu.memory_space<hbm>>
      tpu.enqueue_indirect_dma source(%dma_start3A_322 : memref<10000x256xf32, #tpu.memory_space<hbm>>) target(%arg10 : memref<128x256xf32, #tpu.memory_space<vmem>>) offsets(%dma_start3A : memref<128xi32, #tpu.memory_space<vmem>>) semaphore(%arg12 : memref<!tpu.dma_semaphore, #tpu.memory_space<semaphore_mem>>)
      %dma_wait3A = tpu.memref_slice %arg8[%mul3A_319] : memref<5392xi32, #tpu.memory_space<vmem>> -> memref<128xi32, #tpu.memory_space<vmem>>
      %dma_wait3A_323 = arith.constant 0 : i32
      %dma_wait3A_324 = arith.constant 0 : i32
      %dma_wait3A_325 = tpu.memref_slice %arg4[%dma_wait3A_323, %dma_wait3A_324] : memref<10000x256xf32, #tpu.memory_space<hbm>> -> memref<10000x256xf32, #tpu.memory_space<hbm>>
      tpu.wait_indirect_dma semaphore(%arg12 : memref<!tpu.dma_semaphore, #tpu.memory_space<semaphore_mem>>) src(%dma_wait3A_325 : memref<10000x256xf32, #tpu.memory_space<hbm>>) dst(%arg10 : memref<128x256xf32, #tpu.memory_space<vmem>>)
      "tpu.region"() ({
        %run_scoped3A = tpu.sem_alloc : memref<!tpu.dma_semaphore, #tpu.memory_space<semaphore_mem>>
        %dma_start3A_327 = tpu.memref_slice %arg9[%mul3A_319] : memref<5392xi32, #tpu.memory_space<vmem>> -> memref<128xi32, #tpu.memory_space<vmem>>
        %dma_start3A_328 = arith.constant 0 : i32
        %dma_start3A_329 = arith.constant 0 : i32
        %dma_start3A_330 = tpu.memref_slice %arg11[%dma_start3A_328, %dma_start3A_329] : memref<5008x256xf32, #tpu.memory_space<vmem_shared>> -> memref<5008x256xf32, #tpu.memory_space<vmem_shared>>
        tpu.enqueue_indirect_dma source(%arg10 : memref<128x256xf32, #tpu.memory_space<vmem>>) target(%dma_start3A_330 : memref<5008x256xf32, #tpu.memory_space<vmem_shared>>) offsets(%dma_start3A_327 : memref<128xi32, #tpu.memory_space<vmem>>) semaphore(%run_scoped3A : memref<!tpu.dma_semaphore, #tpu.memory_space<semaphore_mem>>) {add = true}
        %dma_wait3A_331 = tpu.memref_slice %arg9[%mul3A_319] : memref<5392xi32, #tpu.memory_space<vmem>> -> memref<128xi32, #tpu.memory_space<vmem>>
        %dma_wait3A_332 = arith.constant 0 : i32
        %dma_wait3A_333 = arith.constant 0 : i32
        %dma_wait3A_334 = tpu.memref_slice %arg11[%dma_wait3A_332, %dma_wait3A_333] : memref<5008x256xf32, #tpu.memory_space<vmem_shared>> -> memref<5008x256xf32, #tpu.memory_space<vmem_shared>>
        tpu.wait_indirect_dma semaphore(%run_scoped3A : memref<!tpu.dma_semaphore, #tpu.memory_space<semaphore_mem>>) src(%arg10 : memref<128x256xf32, #tpu.memory_space<vmem>>) dst(%dma_wait3A_334 : memref<5008x256xf32, #tpu.memory_space<vmem_shared>>)
        tpu.yield
      }) : () -> ()
      %while3A_326 = arith.constant 0 : i32
      scf.yield %while3A_326 : i32
    }
    %barrier3A_303 = arith.constant 0 : index
    tpu.barrier barrier_id(%barrier3A_303)
    %lt3A = arith.constant 15 : i32
    %lt3A_304 = arith.cmpi slt, %arg1, %lt3A : i32
    %mul3A_305 = arith.constant 312 : i32
    %mul3A_306 = arith.muli %arg1, %mul3A_305 : i32
    %jit3A_307 = arith.constant 4680 : i32
    %select_n3A_308 = arith.select %lt3A_304, %mul3A_306, %jit3A_307 : i32
    %lt3A_309 = arith.constant 15 : i32
    %lt3A_310 = arith.cmpi slt, %arg1, %lt3A_309 : i32
    %convert_element_type3A = arith.extui %lt3A_310 : i1 to i32
    %cond3A = arith.constant 0 : i32
    %cond3A_311 = arith.cmpi ne, %convert_element_type3A, %cond3A : i32
    scf.if %cond3A_311 {
      %add3A_316 = arith.constant 0 : i32
      %add3A_317 = arith.addi %select_n3A_308, %add3A_316 : i32
      "tpu.region"() ({
        %run_scoped3A = tpu.sem_alloc : memref<!tpu.dma_semaphore, #tpu.memory_space<semaphore_mem>>
        %dma_start3A = arith.constant 0 : i32
        %dma_start3A_331 = tpu.memref_slice %arg11[%add3A_317, %dma_start3A] : memref<5008x256xf32, #tpu.memory_space<vmem_shared>> -> memref<128x256xf32, #tpu.memory_space<vmem_shared>>
        %dma_start3A_332 = arith.constant 0 : i32
        %dma_start3A_333 = tpu.memref_slice %arg11[%add3A_317, %dma_start3A_332] : memref<5008x256xf32, #tpu.memory_space<vmem_shared>> -> memref<128x256xf32, #tpu.memory_space<vmem_shared>>
        tpu.enqueue_dma source(%dma_start3A_333 : memref<128x256xf32, #tpu.memory_space<vmem_shared>>) target(%arg10 : memref<128x256xf32, #tpu.memory_space<vmem>>) target_semaphore(%run_scoped3A : memref<!tpu.dma_semaphore, #tpu.memory_space<semaphore_mem>>)
        %dma_wait3A = arith.constant 0 : i32
        %dma_wait3A_334 = tpu.memref_slice %arg11[%add3A_317, %dma_wait3A] : memref<5008x256xf32, #tpu.memory_space<vmem_shared>> -> memref<128x256xf32, #tpu.memory_space<vmem_shared>>
        %dma_wait3A_335 = arith.constant 0 : i32
        %dma_wait3A_336 = tpu.memref_slice %arg11[%add3A_317, %dma_wait3A_335] : memref<5008x256xf32, #tpu.memory_space<vmem_shared>> -> memref<128x256xf32, #tpu.memory_space<vmem_shared>>
        tpu.wait_dma2 semaphore(%run_scoped3A : memref<!tpu.dma_semaphore, #tpu.memory_space<semaphore_mem>>) src(%dma_wait3A_336 : memref<128x256xf32, #tpu.memory_space<vmem_shared>>) dst(%arg10 : memref<128x256xf32, #tpu.memory_space<vmem>>)
        tpu.yield
      }) : () -> ()
      %add3A_318 = arith.addi %mul3A_0, %select_n3A_308 : i32
      %add3A_319 = arith.constant 0 : i32
      %add3A_320 = arith.addi %add3A_318, %add3A_319 : i32
      "tpu.region"() ({
        %run_scoped3A = tpu.sem_alloc : memref<!tpu.dma_semaphore, #tpu.memory_space<semaphore_mem>>
        %dma_start3A = arith.constant 0 : i32
        %dma_start3A_331 = tpu.memref_slice %arg5[%add3A_320, %dma_start3A] : memref<10000x256xf32, #tpu.memory_space<hbm>> -> memref<128x256xf32, #tpu.memory_space<hbm>>
        %dma_start3A_332 = arith.constant 0 : i32
        %dma_start3A_333 = tpu.memref_slice %arg5[%add3A_320, %dma_start3A_332] : memref<10000x256xf32, #tpu.memory_space<hbm>> -> memref<128x256xf32, #tpu.memory_space<hbm>>
        tpu.enqueue_dma source(%arg10 : memref<128x256xf32, #tpu.memory_space<vmem>>) target(%dma_start3A_333 : memref<128x256xf32, #tpu.memory_space<hbm>>) target_semaphore(%run_scoped3A : memref<!tpu.dma_semaphore, #tpu.memory_space<semaphore_mem>>)
        %dma_wait3A = arith.constant 0 : i32
        %dma_wait3A_334 = tpu.memref_slice %arg5[%add3A_320, %dma_wait3A] : memref<10000x256xf32, #tpu.memory_space<hbm>> -> memref<128x256xf32, #tpu.memory_space<hbm>>
        %dma_wait3A_335 = arith.constant 0 : i32
        %dma_wait3A_336 = tpu.memref_slice %arg5[%add3A_320, %dma_wait3A_335] : memref<10000x256xf32, #tpu.memory_space<hbm>> -> memref<128x256xf32, #tpu.memory_space<hbm>>
        tpu.wait_dma2 semaphore(%run_scoped3A : memref<!tpu.dma_semaphore, #tpu.memory_space<semaphore_mem>>) src(%arg10 : memref<128x256xf32, #tpu.memory_space<vmem>>) dst(%dma_wait3A_336 : memref<128x256xf32, #tpu.memory_space<hbm>>)
        tpu.yield
      }) : () -> ()
      %add3A_321 = arith.constant 128 : i32
      %add3A_322 = arith.addi %select_n3A_308, %add3A_321 : i32
      "tpu.region"() ({
        %run_scoped3A = tpu.sem_alloc : memref<!tpu.dma_semaphore, #tpu.memory_space<semaphore_mem>>
        %dma_start3A = arith.constant 0 : i32
        %dma_start3A_331 = tpu.memref_slice %arg11[%add3A_322, %dma_start3A] : memref<5008x256xf32, #tpu.memory_space<vmem_shared>> -> memref<128x256xf32, #tpu.memory_space<vmem_shared>>
        %dma_start3A_332 = arith.constant 0 : i32
        %dma_start3A_333 = tpu.memref_slice %arg11[%add3A_322, %dma_start3A_332] : memref<5008x256xf32, #tpu.memory_space<vmem_shared>> -> memref<128x256xf32, #tpu.memory_space<vmem_shared>>
        tpu.enqueue_dma source(%dma_start3A_333 : memref<128x256xf32, #tpu.memory_space<vmem_shared>>) target(%arg10 : memref<128x256xf32, #tpu.memory_space<vmem>>) target_semaphore(%run_scoped3A : memref<!tpu.dma_semaphore, #tpu.memory_space<semaphore_mem>>)
        %dma_wait3A = arith.constant 0 : i32
        %dma_wait3A_334 = tpu.memref_slice %arg11[%add3A_322, %dma_wait3A] : memref<5008x256xf32, #tpu.memory_space<vmem_shared>> -> memref<128x256xf32, #tpu.memory_space<vmem_shared>>
        %dma_wait3A_335 = arith.constant 0 : i32
        %dma_wait3A_336 = tpu.memref_slice %arg11[%add3A_322, %dma_wait3A_335] : memref<5008x256xf32, #tpu.memory_space<vmem_shared>> -> memref<128x256xf32, #tpu.memory_space<vmem_shared>>
        tpu.wait_dma2 semaphore(%run_scoped3A : memref<!tpu.dma_semaphore, #tpu.memory_space<semaphore_mem>>) src(%dma_wait3A_336 : memref<128x256xf32, #tpu.memory_space<vmem_shared>>) dst(%arg10 : memref<128x256xf32, #tpu.memory_space<vmem>>)
        tpu.yield
      }) : () -> ()
      %add3A_323 = arith.addi %mul3A_0, %select_n3A_308 : i32
      %add3A_324 = arith.constant 128 : i32
      %add3A_325 = arith.addi %add3A_323, %add3A_324 : i32
      "tpu.region"() ({
        %run_scoped3A = tpu.sem_alloc : memref<!tpu.dma_semaphore, #tpu.memory_space<semaphore_mem>>
        %dma_start3A = arith.constant 0 : i32
        %dma_start3A_331 = tpu.memref_slice %arg5[%add3A_325, %dma_start3A] : memref<10000x256xf32, #tpu.memory_space<hbm>> -> memref<128x256xf32, #tpu.memory_space<hbm>>
        %dma_start3A_332 = arith.constant 0 : i32
        %dma_start3A_333 = tpu.memref_slice %arg5[%add3A_325, %dma_start3A_332] : memref<10000x256xf32, #tpu.memory_space<hbm>> -> memref<128x256xf32, #tpu.memory_space<hbm>>
        tpu.enqueue_dma source(%arg10 : memref<128x256xf32, #tpu.memory_space<vmem>>) target(%dma_start3A_333 : memref<128x256xf32, #tpu.memory_space<hbm>>) target_semaphore(%run_scoped3A : memref<!tpu.dma_semaphore, #tpu.memory_space<semaphore_mem>>)
        %dma_wait3A = arith.constant 0 : i32
        %dma_wait3A_334 = tpu.memref_slice %arg5[%add3A_325, %dma_wait3A] : memref<10000x256xf32, #tpu.memory_space<hbm>> -> memref<128x256xf32, #tpu.memory_space<hbm>>
        %dma_wait3A_335 = arith.constant 0 : i32
        %dma_wait3A_336 = tpu.memref_slice %arg5[%add3A_325, %dma_wait3A_335] : memref<10000x256xf32, #tpu.memory_space<hbm>> -> memref<128x256xf32, #tpu.memory_space<hbm>>
        tpu.wait_dma2 semaphore(%run_scoped3A : memref<!tpu.dma_semaphore, #tpu.memory_space<semaphore_mem>>) src(%arg10 : memref<128x256xf32, #tpu.memory_space<vmem>>) dst(%dma_wait3A_336 : memref<128x256xf32, #tpu.memory_space<hbm>>)
        tpu.yield
      }) : () -> ()
      %add3A_326 = arith.constant 256 : i32
      %add3A_327 = arith.addi %select_n3A_308, %add3A_326 : i32
      "tpu.region"() ({
        %run_scoped3A = tpu.sem_alloc : memref<!tpu.dma_semaphore, #tpu.memory_space<semaphore_mem>>
        %dma_start3A = arith.constant 0 : i32
        %dma_start3A_331 = arith.constant 0 : i32
        %dma_start3A_332 = tpu.memref_slice %arg10[%dma_start3A, %dma_start3A_331] : memref<128x256xf32, #tpu.memory_space<vmem>> -> memref<56x256xf32, #tpu.memory_space<vmem>>
        %dma_start3A_333 = arith.constant 0 : i32
        %dma_start3A_334 = tpu.memref_slice %arg11[%add3A_327, %dma_start3A_333] : memref<5008x256xf32, #tpu.memory_space<vmem_shared>> -> memref<56x256xf32, #tpu.memory_space<vmem_shared>>
        %dma_start3A_335 = arith.constant 0 : i32
        %dma_start3A_336 = arith.constant 0 : i32
        %dma_start3A_337 = tpu.memref_slice %arg10[%dma_start3A_335, %dma_start3A_336] : memref<128x256xf32, #tpu.memory_space<vmem>> -> memref<56x256xf32, #tpu.memory_space<vmem>>
        %dma_start3A_338 = arith.constant 0 : i32
        %dma_start3A_339 = tpu.memref_slice %arg11[%add3A_327, %dma_start3A_338] : memref<5008x256xf32, #tpu.memory_space<vmem_shared>> -> memref<56x256xf32, #tpu.memory_space<vmem_shared>>
        tpu.enqueue_dma source(%dma_start3A_339 : memref<56x256xf32, #tpu.memory_space<vmem_shared>>) target(%dma_start3A_337 : memref<56x256xf32, #tpu.memory_space<vmem>>) target_semaphore(%run_scoped3A : memref<!tpu.dma_semaphore, #tpu.memory_space<semaphore_mem>>)
        %dma_wait3A = arith.constant 0 : i32
        %dma_wait3A_340 = arith.constant 0 : i32
        %dma_wait3A_341 = tpu.memref_slice %arg10[%dma_wait3A, %dma_wait3A_340] : memref<128x256xf32, #tpu.memory_space<vmem>> -> memref<56x256xf32, #tpu.memory_space<vmem>>
        %dma_wait3A_342 = arith.constant 0 : i32
        %dma_wait3A_343 = tpu.memref_slice %arg11[%add3A_327, %dma_wait3A_342] : memref<5008x256xf32, #tpu.memory_space<vmem_shared>> -> memref<56x256xf32, #tpu.memory_space<vmem_shared>>
        %dma_wait3A_344 = arith.constant 0 : i32
        %dma_wait3A_345 = arith.constant 0 : i32
        %dma_wait3A_346 = tpu.memref_slice %arg10[%dma_wait3A_344, %dma_wait3A_345] : memref<128x256xf32, #tpu.memory_space<vmem>> -> memref<56x256xf32, #tpu.memory_space<vmem>>
        %dma_wait3A_347 = arith.constant 0 : i32
        %dma_wait3A_348 = tpu.memref_slice %arg11[%add3A_327, %dma_wait3A_347] : memref<5008x256xf32, #tpu.memory_space<vmem_shared>> -> memref<56x256xf32, #tpu.memory_space<vmem_shared>>
        tpu.wait_dma2 semaphore(%run_scoped3A : memref<!tpu.dma_semaphore, #tpu.memory_space<semaphore_mem>>) src(%dma_wait3A_348 : memref<56x256xf32, #tpu.memory_space<vmem_shared>>) dst(%dma_wait3A_346 : memref<56x256xf32, #tpu.memory_space<vmem>>)
        tpu.yield
      }) : () -> ()
      %add3A_328 = arith.addi %mul3A_0, %select_n3A_308 : i32
      %add3A_329 = arith.constant 256 : i32
      %add3A_330 = arith.addi %add3A_328, %add3A_329 : i32
      "tpu.region"() ({
        %run_scoped3A = tpu.sem_alloc : memref<!tpu.dma_semaphore, #tpu.memory_space<semaphore_mem>>
        %dma_start3A = arith.constant 0 : i32
        %dma_start3A_331 = arith.constant 0 : i32
        %dma_start3A_332 = tpu.memref_slice %arg10[%dma_start3A, %dma_start3A_331] : memref<128x256xf32, #tpu.memory_space<vmem>> -> memref<56x256xf32, #tpu.memory_space<vmem>>
        %dma_start3A_333 = arith.constant 0 : i32
        %dma_start3A_334 = tpu.memref_slice %arg5[%add3A_330, %dma_start3A_333] : memref<10000x256xf32, #tpu.memory_space<hbm>> -> memref<56x256xf32, #tpu.memory_space<hbm>>
        %dma_start3A_335 = arith.constant 0 : i32
        %dma_start3A_336 = tpu.memref_slice %arg5[%add3A_330, %dma_start3A_335] : memref<10000x256xf32, #tpu.memory_space<hbm>> -> memref<56x256xf32, #tpu.memory_space<hbm>>
        %dma_start3A_337 = arith.constant 0 : i32
        %dma_start3A_338 = arith.constant 0 : i32
        %dma_start3A_339 = tpu.memref_slice %arg10[%dma_start3A_337, %dma_start3A_338] : memref<128x256xf32, #tpu.memory_space<vmem>> -> memref<56x256xf32, #tpu.memory_space<vmem>>
        tpu.enqueue_dma source(%dma_start3A_339 : memref<56x256xf32, #tpu.memory_space<vmem>>) target(%dma_start3A_336 : memref<56x256xf32, #tpu.memory_space<hbm>>) target_semaphore(%run_scoped3A : memref<!tpu.dma_semaphore, #tpu.memory_space<semaphore_mem>>)
        %dma_wait3A = arith.constant 0 : i32
        %dma_wait3A_340 = arith.constant 0 : i32
        %dma_wait3A_341 = tpu.memref_slice %arg10[%dma_wait3A, %dma_wait3A_340] : memref<128x256xf32, #tpu.memory_space<vmem>> -> memref<56x256xf32, #tpu.memory_space<vmem>>
        %dma_wait3A_342 = arith.constant 0 : i32
        %dma_wait3A_343 = tpu.memref_slice %arg5[%add3A_330, %dma_wait3A_342] : memref<10000x256xf32, #tpu.memory_space<hbm>> -> memref<56x256xf32, #tpu.memory_space<hbm>>
        %dma_wait3A_344 = arith.constant 0 : i32
        %dma_wait3A_345 = tpu.memref_slice %arg5[%add3A_330, %dma_wait3A_344] : memref<10000x256xf32, #tpu.memory_space<hbm>> -> memref<56x256xf32, #tpu.memory_space<hbm>>
        %dma_wait3A_346 = arith.constant 0 : i32
        %dma_wait3A_347 = arith.constant 0 : i32
        %dma_wait3A_348 = tpu.memref_slice %arg10[%dma_wait3A_346, %dma_wait3A_347] : memref<128x256xf32, #tpu.memory_space<vmem>> -> memref<56x256xf32, #tpu.memory_space<vmem>>
        tpu.wait_dma2 semaphore(%run_scoped3A : memref<!tpu.dma_semaphore, #tpu.memory_space<semaphore_mem>>) src(%dma_wait3A_348 : memref<56x256xf32, #tpu.memory_space<vmem>>) dst(%dma_wait3A_345 : memref<56x256xf32, #tpu.memory_space<hbm>>)
        tpu.yield
      }) : () -> ()
    } else {
    }
    %eq3A = arith.constant 15 : i32
    %eq3A_312 = arith.cmpi eq, %arg1, %eq3A : i32
    %convert_element_type3A_313 = arith.extui %eq3A_312 : i1 to i32
    %cond3A_314 = arith.constant 0 : i32
    %cond3A_315 = arith.cmpi ne, %convert_element_type3A_313, %cond3A_314 : i32
    scf.if %cond3A_315 {
      %add3A_316 = arith.constant 0 : i32
      %add3A_317 = arith.addi %select_n3A_308, %add3A_316 : i32
      "tpu.region"() ({
        %run_scoped3A = tpu.sem_alloc : memref<!tpu.dma_semaphore, #tpu.memory_space<semaphore_mem>>
        %dma_start3A = arith.constant 0 : i32
        %dma_start3A_331 = tpu.memref_slice %arg11[%add3A_317, %dma_start3A] : memref<5008x256xf32, #tpu.memory_space<vmem_shared>> -> memref<128x256xf32, #tpu.memory_space<vmem_shared>>
        %dma_start3A_332 = arith.constant 0 : i32
        %dma_start3A_333 = tpu.memref_slice %arg11[%add3A_317, %dma_start3A_332] : memref<5008x256xf32, #tpu.memory_space<vmem_shared>> -> memref<128x256xf32, #tpu.memory_space<vmem_shared>>
        tpu.enqueue_dma source(%dma_start3A_333 : memref<128x256xf32, #tpu.memory_space<vmem_shared>>) target(%arg10 : memref<128x256xf32, #tpu.memory_space<vmem>>) target_semaphore(%run_scoped3A : memref<!tpu.dma_semaphore, #tpu.memory_space<semaphore_mem>>)
        %dma_wait3A = arith.constant 0 : i32
        %dma_wait3A_334 = tpu.memref_slice %arg11[%add3A_317, %dma_wait3A] : memref<5008x256xf32, #tpu.memory_space<vmem_shared>> -> memref<128x256xf32, #tpu.memory_space<vmem_shared>>
        %dma_wait3A_335 = arith.constant 0 : i32
        %dma_wait3A_336 = tpu.memref_slice %arg11[%add3A_317, %dma_wait3A_335] : memref<5008x256xf32, #tpu.memory_space<vmem_shared>> -> memref<128x256xf32, #tpu.memory_space<vmem_shared>>
        tpu.wait_dma2 semaphore(%run_scoped3A : memref<!tpu.dma_semaphore, #tpu.memory_space<semaphore_mem>>) src(%dma_wait3A_336 : memref<128x256xf32, #tpu.memory_space<vmem_shared>>) dst(%arg10 : memref<128x256xf32, #tpu.memory_space<vmem>>)
        tpu.yield
      }) : () -> ()
      %add3A_318 = arith.addi %mul3A_0, %select_n3A_308 : i32
      %add3A_319 = arith.constant 0 : i32
      %add3A_320 = arith.addi %add3A_318, %add3A_319 : i32
      "tpu.region"() ({
        %run_scoped3A = tpu.sem_alloc : memref<!tpu.dma_semaphore, #tpu.memory_space<semaphore_mem>>
        %dma_start3A = arith.constant 0 : i32
        %dma_start3A_331 = tpu.memref_slice %arg5[%add3A_320, %dma_start3A] : memref<10000x256xf32, #tpu.memory_space<hbm>> -> memref<128x256xf32, #tpu.memory_space<hbm>>
        %dma_start3A_332 = arith.constant 0 : i32
        %dma_start3A_333 = tpu.memref_slice %arg5[%add3A_320, %dma_start3A_332] : memref<10000x256xf32, #tpu.memory_space<hbm>> -> memref<128x256xf32, #tpu.memory_space<hbm>>
        tpu.enqueue_dma source(%arg10 : memref<128x256xf32, #tpu.memory_space<vmem>>) target(%dma_start3A_333 : memref<128x256xf32, #tpu.memory_space<hbm>>) target_semaphore(%run_scoped3A : memref<!tpu.dma_semaphore, #tpu.memory_space<semaphore_mem>>)
        %dma_wait3A = arith.constant 0 : i32
        %dma_wait3A_334 = tpu.memref_slice %arg5[%add3A_320, %dma_wait3A] : memref<10000x256xf32, #tpu.memory_space<hbm>> -> memref<128x256xf32, #tpu.memory_space<hbm>>
        %dma_wait3A_335 = arith.constant 0 : i32
        %dma_wait3A_336 = tpu.memref_slice %arg5[%add3A_320, %dma_wait3A_335] : memref<10000x256xf32, #tpu.memory_space<hbm>> -> memref<128x256xf32, #tpu.memory_space<hbm>>
        tpu.wait_dma2 semaphore(%run_scoped3A : memref<!tpu.dma_semaphore, #tpu.memory_space<semaphore_mem>>) src(%arg10 : memref<128x256xf32, #tpu.memory_space<vmem>>) dst(%dma_wait3A_336 : memref<128x256xf32, #tpu.memory_space<hbm>>)
        tpu.yield
      }) : () -> ()
      %add3A_321 = arith.constant 128 : i32
      %add3A_322 = arith.addi %select_n3A_308, %add3A_321 : i32
      "tpu.region"() ({
        %run_scoped3A = tpu.sem_alloc : memref<!tpu.dma_semaphore, #tpu.memory_space<semaphore_mem>>
        %dma_start3A = arith.constant 0 : i32
        %dma_start3A_331 = tpu.memref_slice %arg11[%add3A_322, %dma_start3A] : memref<5008x256xf32, #tpu.memory_space<vmem_shared>> -> memref<128x256xf32, #tpu.memory_space<vmem_shared>>
        %dma_start3A_332 = arith.constant 0 : i32
        %dma_start3A_333 = tpu.memref_slice %arg11[%add3A_322, %dma_start3A_332] : memref<5008x256xf32, #tpu.memory_space<vmem_shared>> -> memref<128x256xf32, #tpu.memory_space<vmem_shared>>
        tpu.enqueue_dma source(%dma_start3A_333 : memref<128x256xf32, #tpu.memory_space<vmem_shared>>) target(%arg10 : memref<128x256xf32, #tpu.memory_space<vmem>>) target_semaphore(%run_scoped3A : memref<!tpu.dma_semaphore, #tpu.memory_space<semaphore_mem>>)
        %dma_wait3A = arith.constant 0 : i32
        %dma_wait3A_334 = tpu.memref_slice %arg11[%add3A_322, %dma_wait3A] : memref<5008x256xf32, #tpu.memory_space<vmem_shared>> -> memref<128x256xf32, #tpu.memory_space<vmem_shared>>
        %dma_wait3A_335 = arith.constant 0 : i32
        %dma_wait3A_336 = tpu.memref_slice %arg11[%add3A_322, %dma_wait3A_335] : memref<5008x256xf32, #tpu.memory_space<vmem_shared>> -> memref<128x256xf32, #tpu.memory_space<vmem_shared>>
        tpu.wait_dma2 semaphore(%run_scoped3A : memref<!tpu.dma_semaphore, #tpu.memory_space<semaphore_mem>>) src(%dma_wait3A_336 : memref<128x256xf32, #tpu.memory_space<vmem_shared>>) dst(%arg10 : memref<128x256xf32, #tpu.memory_space<vmem>>)
        tpu.yield
      }) : () -> ()
      %add3A_323 = arith.addi %mul3A_0, %select_n3A_308 : i32
      %add3A_324 = arith.constant 128 : i32
      %add3A_325 = arith.addi %add3A_323, %add3A_324 : i32
      "tpu.region"() ({
        %run_scoped3A = tpu.sem_alloc : memref<!tpu.dma_semaphore, #tpu.memory_space<semaphore_mem>>
        %dma_start3A = arith.constant 0 : i32
        %dma_start3A_331 = tpu.memref_slice %arg5[%add3A_325, %dma_start3A] : memref<10000x256xf32, #tpu.memory_space<hbm>> -> memref<128x256xf32, #tpu.memory_space<hbm>>
        %dma_start3A_332 = arith.constant 0 : i32
        %dma_start3A_333 = tpu.memref_slice %arg5[%add3A_325, %dma_start3A_332] : memref<10000x256xf32, #tpu.memory_space<hbm>> -> memref<128x256xf32, #tpu.memory_space<hbm>>
        tpu.enqueue_dma source(%arg10 : memref<128x256xf32, #tpu.memory_space<vmem>>) target(%dma_start3A_333 : memref<128x256xf32, #tpu.memory_space<hbm>>) target_semaphore(%run_scoped3A : memref<!tpu.dma_semaphore, #tpu.memory_space<semaphore_mem>>)
        %dma_wait3A = arith.constant 0 : i32
        %dma_wait3A_334 = tpu.memref_slice %arg5[%add3A_325, %dma_wait3A] : memref<10000x256xf32, #tpu.memory_space<hbm>> -> memref<128x256xf32, #tpu.memory_space<hbm>>
        %dma_wait3A_335 = arith.constant 0 : i32
        %dma_wait3A_336 = tpu.memref_slice %arg5[%add3A_325, %dma_wait3A_335] : memref<10000x256xf32, #tpu.memory_space<hbm>> -> memref<128x256xf32, #tpu.memory_space<hbm>>
        tpu.wait_dma2 semaphore(%run_scoped3A : memref<!tpu.dma_semaphore, #tpu.memory_space<semaphore_mem>>) src(%arg10 : memref<128x256xf32, #tpu.memory_space<vmem>>) dst(%dma_wait3A_336 : memref<128x256xf32, #tpu.memory_space<hbm>>)
        tpu.yield
      }) : () -> ()
      %add3A_326 = arith.constant 256 : i32
      %add3A_327 = arith.addi %select_n3A_308, %add3A_326 : i32
      "tpu.region"() ({
        %run_scoped3A = tpu.sem_alloc : memref<!tpu.dma_semaphore, #tpu.memory_space<semaphore_mem>>
        %dma_start3A = arith.constant 0 : i32
        %dma_start3A_331 = arith.constant 0 : i32
        %dma_start3A_332 = tpu.memref_slice %arg10[%dma_start3A, %dma_start3A_331] : memref<128x256xf32, #tpu.memory_space<vmem>> -> memref<64x256xf32, #tpu.memory_space<vmem>>
        %dma_start3A_333 = arith.constant 0 : i32
        %dma_start3A_334 = tpu.memref_slice %arg11[%add3A_327, %dma_start3A_333] : memref<5008x256xf32, #tpu.memory_space<vmem_shared>> -> memref<64x256xf32, #tpu.memory_space<vmem_shared>>
        %dma_start3A_335 = arith.constant 0 : i32
        %dma_start3A_336 = arith.constant 0 : i32
        %dma_start3A_337 = tpu.memref_slice %arg10[%dma_start3A_335, %dma_start3A_336] : memref<128x256xf32, #tpu.memory_space<vmem>> -> memref<64x256xf32, #tpu.memory_space<vmem>>
        %dma_start3A_338 = arith.constant 0 : i32
        %dma_start3A_339 = tpu.memref_slice %arg11[%add3A_327, %dma_start3A_338] : memref<5008x256xf32, #tpu.memory_space<vmem_shared>> -> memref<64x256xf32, #tpu.memory_space<vmem_shared>>
        tpu.enqueue_dma source(%dma_start3A_339 : memref<64x256xf32, #tpu.memory_space<vmem_shared>>) target(%dma_start3A_337 : memref<64x256xf32, #tpu.memory_space<vmem>>) target_semaphore(%run_scoped3A : memref<!tpu.dma_semaphore, #tpu.memory_space<semaphore_mem>>)
        %dma_wait3A = arith.constant 0 : i32
        %dma_wait3A_340 = arith.constant 0 : i32
        %dma_wait3A_341 = tpu.memref_slice %arg10[%dma_wait3A, %dma_wait3A_340] : memref<128x256xf32, #tpu.memory_space<vmem>> -> memref<64x256xf32, #tpu.memory_space<vmem>>
        %dma_wait3A_342 = arith.constant 0 : i32
        %dma_wait3A_343 = tpu.memref_slice %arg11[%add3A_327, %dma_wait3A_342] : memref<5008x256xf32, #tpu.memory_space<vmem_shared>> -> memref<64x256xf32, #tpu.memory_space<vmem_shared>>
        %dma_wait3A_344 = arith.constant 0 : i32
        %dma_wait3A_345 = arith.constant 0 : i32
        %dma_wait3A_346 = tpu.memref_slice %arg10[%dma_wait3A_344, %dma_wait3A_345] : memref<128x256xf32, #tpu.memory_space<vmem>> -> memref<64x256xf32, #tpu.memory_space<vmem>>
        %dma_wait3A_347 = arith.constant 0 : i32
        %dma_wait3A_348 = tpu.memref_slice %arg11[%add3A_327, %dma_wait3A_347] : memref<5008x256xf32, #tpu.memory_space<vmem_shared>> -> memref<64x256xf32, #tpu.memory_space<vmem_shared>>
        tpu.wait_dma2 semaphore(%run_scoped3A : memref<!tpu.dma_semaphore, #tpu.memory_space<semaphore_mem>>) src(%dma_wait3A_348 : memref<64x256xf32, #tpu.memory_space<vmem_shared>>) dst(%dma_wait3A_346 : memref<64x256xf32, #tpu.memory_space<vmem>>)
        tpu.yield
      }) : () -> ()
      %add3A_328 = arith.addi %mul3A_0, %select_n3A_308 : i32
      %add3A_329 = arith.constant 256 : i32
      %add3A_330 = arith.addi %add3A_328, %add3A_329 : i32
      "tpu.region"() ({
        %run_scoped3A = tpu.sem_alloc : memref<!tpu.dma_semaphore, #tpu.memory_space<semaphore_mem>>
        %dma_start3A = arith.constant 0 : i32
        %dma_start3A_331 = arith.constant 0 : i32
        %dma_start3A_332 = tpu.memref_slice %arg10[%dma_start3A, %dma_start3A_331] : memref<128x256xf32, #tpu.memory_space<vmem>> -> memref<64x256xf32, #tpu.memory_space<vmem>>
        %dma_start3A_333 = arith.constant 0 : i32
        %dma_start3A_334 = tpu.memref_slice %arg5[%add3A_330, %dma_start3A_333] : memref<10000x256xf32, #tpu.memory_space<hbm>> -> memref<64x256xf32, #tpu.memory_space<hbm>>
        %dma_start3A_335 = arith.constant 0 : i32
        %dma_start3A_336 = tpu.memref_slice %arg5[%add3A_330, %dma_start3A_335] : memref<10000x256xf32, #tpu.memory_space<hbm>> -> memref<64x256xf32, #tpu.memory_space<hbm>>
        %dma_start3A_337 = arith.constant 0 : i32
        %dma_start3A_338 = arith.constant 0 : i32
        %dma_start3A_339 = tpu.memref_slice %arg10[%dma_start3A_337, %dma_start3A_338] : memref<128x256xf32, #tpu.memory_space<vmem>> -> memref<64x256xf32, #tpu.memory_space<vmem>>
        tpu.enqueue_dma source(%dma_start3A_339 : memref<64x256xf32, #tpu.memory_space<vmem>>) target(%dma_start3A_336 : memref<64x256xf32, #tpu.memory_space<hbm>>) target_semaphore(%run_scoped3A : memref<!tpu.dma_semaphore, #tpu.memory_space<semaphore_mem>>)
        %dma_wait3A = arith.constant 0 : i32
        %dma_wait3A_340 = arith.constant 0 : i32
        %dma_wait3A_341 = tpu.memref_slice %arg10[%dma_wait3A, %dma_wait3A_340] : memref<128x256xf32, #tpu.memory_space<vmem>> -> memref<64x256xf32, #tpu.memory_space<vmem>>
        %dma_wait3A_342 = arith.constant 0 : i32
        %dma_wait3A_343 = tpu.memref_slice %arg5[%add3A_330, %dma_wait3A_342] : memref<10000x256xf32, #tpu.memory_space<hbm>> -> memref<64x256xf32, #tpu.memory_space<hbm>>
        %dma_wait3A_344 = arith.constant 0 : i32
        %dma_wait3A_345 = tpu.memref_slice %arg5[%add3A_330, %dma_wait3A_344] : memref<10000x256xf32, #tpu.memory_space<hbm>> -> memref<64x256xf32, #tpu.memory_space<hbm>>
        %dma_wait3A_346 = arith.constant 0 : i32
        %dma_wait3A_347 = arith.constant 0 : i32
        %dma_wait3A_348 = tpu.memref_slice %arg10[%dma_wait3A_346, %dma_wait3A_347] : memref<128x256xf32, #tpu.memory_space<vmem>> -> memref<64x256xf32, #tpu.memory_space<vmem>>
        tpu.wait_dma2 semaphore(%run_scoped3A : memref<!tpu.dma_semaphore, #tpu.memory_space<semaphore_mem>>) src(%dma_wait3A_348 : memref<64x256xf32, #tpu.memory_space<vmem>>) dst(%dma_wait3A_345 : memref<64x256xf32, #tpu.memory_space<hbm>>)
        tpu.yield
      }) : () -> ()
    } else {
    }
    return
  }
}

#map = affine_map<(d0, d1) -> (0, 0)>
#map1 = affine_map<(d0, d1) -> (0)>
module attributes {stable_mosaic.version = 14 : i64} {
  func.func @k(%arg0: i32, %arg1: i32, %arg2: memref<1280x128xi32, #tpu.memory_space<hbm>>, %arg3: memref<20000xf32, #tpu.memory_space<hbm>>, %arg4: memref<8x128xi32, #tpu.memory_space<vmem>>, %arg5: memref<10240xf32, #tpu.memory_space<vmem>>, %arg6: memref<16x640xf32, #tpu.memory_space<vmem>>, %arg7: memref<16x10240xf32, #tpu.memory_space<vmem_shared>>) attributes {dimension_semantics = [#tpu.dimension_semantics<core_parallel>, #tpu.dimension_semantics<subcore_parallel>], iteration_bounds = array<i64: 2, 16>, scalar_prefetch = 0 : i64, scratch_operands = 4 : i64, tpu.core_type = #tpu.core_type<sc_vector_subcore>, window_params = [{transform_indices = #map}, {transform_indices = #map1}]} {
    %broadcast_in_dim3A = arith.constant 1.000000e+00 : f32
    %broadcast_in_dim3A_0 = vector.broadcast %broadcast_in_dim3A : f32 to vector<16xf32>
    %scan3A = arith.constant 0 : i32
    %scan3A_1 = arith.constant 0 : i32
    %scan3A_2 = arith.constant 640 : i32
    %scan3A_3 = arith.addi %scan3A_1, %scan3A_2 : i32
    %scan3A_4 = arith.constant 1 : i32
    %scan3A_5 = scf.for %scan3A_89 = %scan3A_1 to %scan3A_3 step %scan3A_4 iter_args(%scan3A_90 = %scan3A) -> (i32)  : i32 {
      %broadcast_in_dim3A_91 = arith.constant 0.000000e+00 : f32
      %broadcast_in_dim3A_92 = vector.broadcast %broadcast_in_dim3A_91 : f32 to vector<16xf32>
      %mul3A_93 = arith.constant 16 : i32
      %mul3A_94 = arith.muli %scan3A_89, %mul3A_93 : i32
      %swap3A = arith.index_cast %mul3A_94 : i32 to index
      %swap3A_95 = tpu.vector_load %arg5[%swap3A] {strides = array<i32>} : memref<10240xf32, #tpu.memory_space<vmem>>, vector<16xf32>,
      tpu.vector_store %arg5[%swap3A], %broadcast_in_dim3A_92 {strides = array<i32>} : memref<10240xf32, #tpu.memory_space<vmem>>, vector<16xf32>,
      %scan3A_96 = arith.constant 0 : i32
      scf.yield %scan3A_96 : i32
    }
    %scan3A_6 = arith.constant 640 : i32
    %scan3A_7 = arith.constant 0 : i32
    %scan3A_8 = arith.constant 0 : i32
    %scan3A_9 = arith.constant 5 : i32
    %scan3A_10 = arith.addi %scan3A_8, %scan3A_9 : i32
    %scan3A_11 = arith.constant 1 : i32
    %scan3A_12 = scf.for %scan3A_89 = %scan3A_8 to %scan3A_10 step %scan3A_11 iter_args(%scan3A_90 = %scan3A_7) -> (i32)  : i32 {
      %mul3A_91 = arith.constant 640 : i32
      %mul3A_92 = arith.muli %arg0, %mul3A_91 : i32
      %mul3A_93 = arith.constant 40 : i32
      %mul3A_94 = arith.muli %arg1, %mul3A_93 : i32
      %add3A = arith.addi %mul3A_92, %mul3A_94 : i32
      %mul3A_95 = arith.constant 8 : i32
      %mul3A_96 = arith.muli %scan3A_89, %mul3A_95 : i32
      %add3A_97 = arith.addi %add3A, %mul3A_96 : i32
      "tpu.region"() ({
        %run_scoped3A_106 = tpu.sem_alloc : memref<!tpu.dma_semaphore, #tpu.memory_space<semaphore_mem>>
        %dma_start3A = arith.constant 0 : i32
        %dma_start3A_107 = tpu.memref_slice %arg2[%add3A_97, %dma_start3A] : memref<1280x128xi32, #tpu.memory_space<hbm>> -> memref<8x128xi32, #tpu.memory_space<hbm>>
        %dma_start3A_108 = arith.constant 0 : i32
        %dma_start3A_109 = tpu.memref_slice %arg2[%add3A_97, %dma_start3A_108] : memref<1280x128xi32, #tpu.memory_space<hbm>> -> memref<8x128xi32, #tpu.memory_space<hbm>>
        tpu.enqueue_dma source(%dma_start3A_109 : memref<8x128xi32, #tpu.memory_space<hbm>>) target(%arg4 : memref<8x128xi32, #tpu.memory_space<vmem>>) target_semaphore(%run_scoped3A_106 : memref<!tpu.dma_semaphore, #tpu.memory_space<semaphore_mem>>)
        %dma_wait3A = arith.constant 0 : i32
        %dma_wait3A_110 = tpu.memref_slice %arg2[%add3A_97, %dma_wait3A] : memref<1280x128xi32, #tpu.memory_space<hbm>> -> memref<8x128xi32, #tpu.memory_space<hbm>>
        %dma_wait3A_111 = arith.constant 0 : i32
        %dma_wait3A_112 = tpu.memref_slice %arg2[%add3A_97, %dma_wait3A_111] : memref<1280x128xi32, #tpu.memory_space<hbm>> -> memref<8x128xi32, #tpu.memory_space<hbm>>
        tpu.wait_dma2 semaphore(%run_scoped3A_106 : memref<!tpu.dma_semaphore, #tpu.memory_space<semaphore_mem>>) src(%dma_wait3A_112 : memref<8x128xi32, #tpu.memory_space<hbm>>) dst(%arg4 : memref<8x128xi32, #tpu.memory_space<vmem>>)
        tpu.yield
      }) : () -> ()
      %scan3A_98 = arith.constant 0 : i32
      %scan3A_99 = arith.constant 0 : i32
      %scan3A_100 = arith.constant 64 : i32
      %scan3A_101 = arith.addi %scan3A_99, %scan3A_100 : i32
      %scan3A_102 = arith.constant 1 : i32
      %scan3A_103 = scf.for %scan3A_106 = %scan3A_99 to %scan3A_101 step %scan3A_102 iter_args(%scan3A_107 = %scan3A_98) -> (i32)  : i32 {
        %jit3A = arith.constant 8 : i32
        %div3A = arith.divsi %scan3A_106, %jit3A : i32
        %sign3A = arith.constant 0 : i32
        %sign3A_108 = arith.cmpi sgt, %scan3A_106, %sign3A : i32
        %sign3A_109 = arith.extui %sign3A_108 : i1 to i32
        %sign3A_110 = arith.constant 0 : i32
        %sign3A_111 = arith.cmpi slt, %scan3A_106, %sign3A_110 : i32
        %sign3A_112 = arith.extui %sign3A_111 : i1 to i32
        %sign3A_113 = arith.subi %sign3A_109, %sign3A_112 : i32
        %sign3A_114 = arith.constant 0 : i32
        %sign3A_115 = arith.cmpi sgt, %jit3A, %sign3A_114 : i32
        %sign3A_116 = arith.extui %sign3A_115 : i1 to i32
        %sign3A_117 = arith.constant 0 : i32
        %sign3A_118 = arith.cmpi slt, %jit3A, %sign3A_117 : i32
        %sign3A_119 = arith.extui %sign3A_118 : i1 to i32
        %sign3A_120 = arith.subi %sign3A_116, %sign3A_119 : i32
        %ne3A = arith.cmpi ne, %sign3A_113, %sign3A_120 : i32
        %rem3A = arith.remsi %scan3A_106, %jit3A : i32
        %ne3A_121 = arith.constant 0 : i32
        %ne3A_122 = arith.cmpi ne, %rem3A, %ne3A_121 : i32
        %and3A = arith.andi %ne3A, %ne3A_122 : i1
        %sub3A = arith.constant 1 : i32
        %sub3A_123 = arith.subi %div3A, %sub3A : i32
        %select_n3A = arith.select %and3A, %sub3A_123, %div3A : i32
        %jit3A_124 = arith.constant 8 : i32
        %eq3A_125 = arith.constant 0 : i32
        %eq3A_126 = arith.cmpi eq, %jit3A_124, %eq3A_125 : i32
        %jit3A_127 = arith.constant 1 : i32
        %select_n3A_128 = arith.select %eq3A_126, %jit3A_127, %jit3A_124 : i32
        %rem3A_129 = arith.remsi %scan3A_106, %select_n3A_128 : i32
        %ne3A_130 = arith.constant 0 : i32
        %ne3A_131 = arith.cmpi ne, %rem3A_129, %ne3A_130 : i32
        %lt3A_132 = arith.constant 0 : i32
        %lt3A_133 = arith.cmpi slt, %rem3A_129, %lt3A_132 : i32
        %lt3A_134 = arith.constant 0 : i32
        %lt3A_135 = arith.cmpi slt, %select_n3A_128, %lt3A_134 : i32
        %ne3A_136 = arith.xori %lt3A_133, %lt3A_135 : i1
        %and3A_137 = arith.andi %ne3A_136, %ne3A_131 : i1
        %add3A_138 = arith.addi %rem3A_129, %select_n3A_128 : i32
        %select_n3A_139 = arith.select %and3A_137, %add3A_138, %rem3A_129 : i32
        %mul3A_140 = arith.constant 16 : i32
        %mul3A_141 = arith.muli %select_n3A_139, %mul3A_140 : i32
        %get3A = arith.index_cast %select_n3A : i32 to index
        %get3A_142 = arith.index_cast %mul3A_141 : i32 to index
        %get3A_143 = tpu.vector_load %arg4[%get3A, %get3A_142] {strides = array<i32>} : memref<8x128xi32, #tpu.memory_space<vmem>>, vector<16xi32>,
        tpu.vector_store_idx %arg5[%get3A_143], %broadcast_in_dim3A_0 {add = true} : memref<10240xf32, #tpu.memory_space<vmem>>[vector<16xi32>], vector<16xf32>,
        %scan3A_144 = arith.constant 0 : i32
        scf.yield %scan3A_144 : i32
      }
      %scan3A_104 = arith.constant 64 : i32
      %scan3A_105 = arith.constant 0 : i32
      scf.yield %scan3A_105 : i32
    }
    %scan3A_13 = arith.constant 5 : i32
    "tpu.region"() ({
      %run_scoped3A_89 = tpu.sem_alloc : memref<!tpu.dma_semaphore, #tpu.memory_space<semaphore_mem>>
      %dma_start3A = arith.constant 0 : i32
      %dma_start3A_90 = tpu.memref_slice %arg7[%arg1, %dma_start3A] : memref<16x10240xf32, #tpu.memory_space<vmem_shared>> -> memref<1x10240xf32, #tpu.memory_space<vmem_shared>>
      %dma_start3A_91 = tpu.memref_squeeze %dma_start3A_90 : memref<1x10240xf32, #tpu.memory_space<vmem_shared>> -> memref<10240xf32, #tpu.memory_space<vmem_shared>>
      %dma_start3A_92 = arith.constant 0 : i32
      %dma_start3A_93 = tpu.memref_slice %arg7[%arg1, %dma_start3A_92] : memref<16x10240xf32, #tpu.memory_space<vmem_shared>> -> memref<1x10240xf32, #tpu.memory_space<vmem_shared>>
      %dma_start3A_94 = tpu.memref_squeeze %dma_start3A_93 : memref<1x10240xf32, #tpu.memory_space<vmem_shared>> -> memref<10240xf32, #tpu.memory_space<vmem_shared>>
      tpu.enqueue_dma source(%arg5 : memref<10240xf32, #tpu.memory_space<vmem>>) target(%dma_start3A_94 : memref<10240xf32, #tpu.memory_space<vmem_shared>>) target_semaphore(%run_scoped3A_89 : memref<!tpu.dma_semaphore, #tpu.memory_space<semaphore_mem>>)
      %dma_wait3A = arith.constant 0 : i32
      %dma_wait3A_95 = tpu.memref_slice %arg7[%arg1, %dma_wait3A] : memref<16x10240xf32, #tpu.memory_space<vmem_shared>> -> memref<1x10240xf32, #tpu.memory_space<vmem_shared>>
      %dma_wait3A_96 = tpu.memref_squeeze %dma_wait3A_95 : memref<1x10240xf32, #tpu.memory_space<vmem_shared>> -> memref<10240xf32, #tpu.memory_space<vmem_shared>>
      %dma_wait3A_97 = arith.constant 0 : i32
      %dma_wait3A_98 = tpu.memref_slice %arg7[%arg1, %dma_wait3A_97] : memref<16x10240xf32, #tpu.memory_space<vmem_shared>> -> memref<1x10240xf32, #tpu.memory_space<vmem_shared>>
      %dma_wait3A_99 = tpu.memref_squeeze %dma_wait3A_98 : memref<1x10240xf32, #tpu.memory_space<vmem_shared>> -> memref<10240xf32, #tpu.memory_space<vmem_shared>>
      tpu.wait_dma2 semaphore(%run_scoped3A_89 : memref<!tpu.dma_semaphore, #tpu.memory_space<semaphore_mem>>) src(%arg5 : memref<10240xf32, #tpu.memory_space<vmem>>) dst(%dma_wait3A_99 : memref<10240xf32, #tpu.memory_space<vmem_shared>>)
      tpu.yield
    }) : () -> ()
    %barrier3A = arith.constant 0 : index
    tpu.barrier barrier_id(%barrier3A)
    %mul3A = arith.constant 640 : i32
    %mul3A_14 = arith.muli %arg1, %mul3A : i32
    %run_scoped3A = arith.constant 0 : i32
    %run_scoped3A_15 = arith.constant 0 : i32
    "tpu.region"() ({
      %run_scoped3A_89 = tpu.sem_alloc : memref<!tpu.dma_semaphore, #tpu.memory_space<semaphore_mem>>
      %dma_start3A = arith.constant 0 : i32
      %dma_start3A_90 = tpu.memref_slice %arg6[%run_scoped3A_15, %dma_start3A] : memref<16x640xf32, #tpu.memory_space<vmem>> -> memref<1x640xf32, #tpu.memory_space<vmem>>
      %dma_start3A_91 = tpu.memref_squeeze %dma_start3A_90 : memref<1x640xf32, #tpu.memory_space<vmem>> -> memref<640xf32, #tpu.memory_space<vmem>>
      %dma_start3A_92 = tpu.memref_slice %arg7[%run_scoped3A, %mul3A_14] : memref<16x10240xf32, #tpu.memory_space<vmem_shared>> -> memref<1x640xf32, #tpu.memory_space<vmem_shared>>
      %dma_start3A_93 = tpu.memref_squeeze %dma_start3A_92 : memref<1x640xf32, #tpu.memory_space<vmem_shared>> -> memref<640xf32, #tpu.memory_space<vmem_shared>>
      %dma_start3A_94 = arith.constant 0 : i32
      %dma_start3A_95 = tpu.memref_slice %arg6[%run_scoped3A_15, %dma_start3A_94] : memref<16x640xf32, #tpu.memory_space<vmem>> -> memref<1x640xf32, #tpu.memory_space<vmem>>
      %dma_start3A_96 = tpu.memref_squeeze %dma_start3A_95 : memref<1x640xf32, #tpu.memory_space<vmem>> -> memref<640xf32, #tpu.memory_space<vmem>>
      %dma_start3A_97 = tpu.memref_slice %arg7[%run_scoped3A, %mul3A_14] : memref<16x10240xf32, #tpu.memory_space<vmem_shared>> -> memref<1x640xf32, #tpu.memory_space<vmem_shared>>
      %dma_start3A_98 = tpu.memref_squeeze %dma_start3A_97 : memref<1x640xf32, #tpu.memory_space<vmem_shared>> -> memref<640xf32, #tpu.memory_space<vmem_shared>>
      tpu.enqueue_dma source(%dma_start3A_98 : memref<640xf32, #tpu.memory_space<vmem_shared>>) target(%dma_start3A_96 : memref<640xf32, #tpu.memory_space<vmem>>) target_semaphore(%run_scoped3A_89 : memref<!tpu.dma_semaphore, #tpu.memory_space<semaphore_mem>>)
      %dma_wait3A = arith.constant 0 : i32
      %dma_wait3A_99 = tpu.memref_slice %arg6[%run_scoped3A_15, %dma_wait3A] : memref<16x640xf32, #tpu.memory_space<vmem>> -> memref<1x640xf32, #tpu.memory_space<vmem>>
      %dma_wait3A_100 = tpu.memref_squeeze %dma_wait3A_99 : memref<1x640xf32, #tpu.memory_space<vmem>> -> memref<640xf32, #tpu.memory_space<vmem>>
      %dma_wait3A_101 = tpu.memref_slice %arg7[%run_scoped3A, %mul3A_14] : memref<16x10240xf32, #tpu.memory_space<vmem_shared>> -> memref<1x640xf32, #tpu.memory_space<vmem_shared>>
      %dma_wait3A_102 = tpu.memref_squeeze %dma_wait3A_101 : memref<1x640xf32, #tpu.memory_space<vmem_shared>> -> memref<640xf32, #tpu.memory_space<vmem_shared>>
      %dma_wait3A_103 = arith.constant 0 : i32
      %dma_wait3A_104 = tpu.memref_slice %arg6[%run_scoped3A_15, %dma_wait3A_103] : memref<16x640xf32, #tpu.memory_space<vmem>> -> memref<1x640xf32, #tpu.memory_space<vmem>>
      %dma_wait3A_105 = tpu.memref_squeeze %dma_wait3A_104 : memref<1x640xf32, #tpu.memory_space<vmem>> -> memref<640xf32, #tpu.memory_space<vmem>>
      %dma_wait3A_106 = tpu.memref_slice %arg7[%run_scoped3A, %mul3A_14] : memref<16x10240xf32, #tpu.memory_space<vmem_shared>> -> memref<1x640xf32, #tpu.memory_space<vmem_shared>>
      %dma_wait3A_107 = tpu.memref_squeeze %dma_wait3A_106 : memref<1x640xf32, #tpu.memory_space<vmem_shared>> -> memref<640xf32, #tpu.memory_space<vmem_shared>>
      tpu.wait_dma2 semaphore(%run_scoped3A_89 : memref<!tpu.dma_semaphore, #tpu.memory_space<semaphore_mem>>) src(%dma_wait3A_107 : memref<640xf32, #tpu.memory_space<vmem_shared>>) dst(%dma_wait3A_105 : memref<640xf32, #tpu.memory_space<vmem>>)
      tpu.yield
    }) : () -> ()
    %mul3A_16 = arith.constant 640 : i32
    %mul3A_17 = arith.muli %arg1, %mul3A_16 : i32
    %run_scoped3A_18 = arith.constant 1 : i32
    %run_scoped3A_19 = arith.constant 1 : i32
    "tpu.region"() ({
      %run_scoped3A_89 = tpu.sem_alloc : memref<!tpu.dma_semaphore, #tpu.memory_space<semaphore_mem>>
      %dma_start3A = arith.constant 0 : i32
      %dma_start3A_90 = tpu.memref_slice %arg6[%run_scoped3A_19, %dma_start3A] : memref<16x640xf32, #tpu.memory_space<vmem>> -> memref<1x640xf32, #tpu.memory_space<vmem>>
      %dma_start3A_91 = tpu.memref_squeeze %dma_start3A_90 : memref<1x640xf32, #tpu.memory_space<vmem>> -> memref<640xf32, #tpu.memory_space<vmem>>
      %dma_start3A_92 = tpu.memref_slice %arg7[%run_scoped3A_18, %mul3A_17] : memref<16x10240xf32, #tpu.memory_space<vmem_shared>> -> memref<1x640xf32, #tpu.memory_space<vmem_shared>>
      %dma_start3A_93 = tpu.memref_squeeze %dma_start3A_92 : memref<1x640xf32, #tpu.memory_space<vmem_shared>> -> memref<640xf32, #tpu.memory_space<vmem_shared>>
      %dma_start3A_94 = arith.constant 0 : i32
      %dma_start3A_95 = tpu.memref_slice %arg6[%run_scoped3A_19, %dma_start3A_94] : memref<16x640xf32, #tpu.memory_space<vmem>> -> memref<1x640xf32, #tpu.memory_space<vmem>>
      %dma_start3A_96 = tpu.memref_squeeze %dma_start3A_95 : memref<1x640xf32, #tpu.memory_space<vmem>> -> memref<640xf32, #tpu.memory_space<vmem>>
      %dma_start3A_97 = tpu.memref_slice %arg7[%run_scoped3A_18, %mul3A_17] : memref<16x10240xf32, #tpu.memory_space<vmem_shared>> -> memref<1x640xf32, #tpu.memory_space<vmem_shared>>
      %dma_start3A_98 = tpu.memref_squeeze %dma_start3A_97 : memref<1x640xf32, #tpu.memory_space<vmem_shared>> -> memref<640xf32, #tpu.memory_space<vmem_shared>>
      tpu.enqueue_dma source(%dma_start3A_98 : memref<640xf32, #tpu.memory_space<vmem_shared>>) target(%dma_start3A_96 : memref<640xf32, #tpu.memory_space<vmem>>) target_semaphore(%run_scoped3A_89 : memref<!tpu.dma_semaphore, #tpu.memory_space<semaphore_mem>>)
      %dma_wait3A = arith.constant 0 : i32
      %dma_wait3A_99 = tpu.memref_slice %arg6[%run_scoped3A_19, %dma_wait3A] : memref<16x640xf32, #tpu.memory_space<vmem>> -> memref<1x640xf32, #tpu.memory_space<vmem>>
      %dma_wait3A_100 = tpu.memref_squeeze %dma_wait3A_99 : memref<1x640xf32, #tpu.memory_space<vmem>> -> memref<640xf32, #tpu.memory_space<vmem>>
      %dma_wait3A_101 = tpu.memref_slice %arg7[%run_scoped3A_18, %mul3A_17] : memref<16x10240xf32, #tpu.memory_space<vmem_shared>> -> memref<1x640xf32, #tpu.memory_space<vmem_shared>>
      %dma_wait3A_102 = tpu.memref_squeeze %dma_wait3A_101 : memref<1x640xf32, #tpu.memory_space<vmem_shared>> -> memref<640xf32, #tpu.memory_space<vmem_shared>>
      %dma_wait3A_103 = arith.constant 0 : i32
      %dma_wait3A_104 = tpu.memref_slice %arg6[%run_scoped3A_19, %dma_wait3A_103] : memref<16x640xf32, #tpu.memory_space<vmem>> -> memref<1x640xf32, #tpu.memory_space<vmem>>
      %dma_wait3A_105 = tpu.memref_squeeze %dma_wait3A_104 : memref<1x640xf32, #tpu.memory_space<vmem>> -> memref<640xf32, #tpu.memory_space<vmem>>
      %dma_wait3A_106 = tpu.memref_slice %arg7[%run_scoped3A_18, %mul3A_17] : memref<16x10240xf32, #tpu.memory_space<vmem_shared>> -> memref<1x640xf32, #tpu.memory_space<vmem_shared>>
      %dma_wait3A_107 = tpu.memref_squeeze %dma_wait3A_106 : memref<1x640xf32, #tpu.memory_space<vmem_shared>> -> memref<640xf32, #tpu.memory_space<vmem_shared>>
      tpu.wait_dma2 semaphore(%run_scoped3A_89 : memref<!tpu.dma_semaphore, #tpu.memory_space<semaphore_mem>>) src(%dma_wait3A_107 : memref<640xf32, #tpu.memory_space<vmem_shared>>) dst(%dma_wait3A_105 : memref<640xf32, #tpu.memory_space<vmem>>)
      tpu.yield
    }) : () -> ()
    %mul3A_20 = arith.constant 640 : i32
    %mul3A_21 = arith.muli %arg1, %mul3A_20 : i32
    %run_scoped3A_22 = arith.constant 2 : i32
    %run_scoped3A_23 = arith.constant 2 : i32
    "tpu.region"() ({
      %run_scoped3A_89 = tpu.sem_alloc : memref<!tpu.dma_semaphore, #tpu.memory_space<semaphore_mem>>
      %dma_start3A = arith.constant 0 : i32
      %dma_start3A_90 = tpu.memref_slice %arg6[%run_scoped3A_23, %dma_start3A] : memref<16x640xf32, #tpu.memory_space<vmem>> -> memref<1x640xf32, #tpu.memory_space<vmem>>
      %dma_start3A_91 = tpu.memref_squeeze %dma_start3A_90 : memref<1x640xf32, #tpu.memory_space<vmem>> -> memref<640xf32, #tpu.memory_space<vmem>>
      %dma_start3A_92 = tpu.memref_slice %arg7[%run_scoped3A_22, %mul3A_21] : memref<16x10240xf32, #tpu.memory_space<vmem_shared>> -> memref<1x640xf32, #tpu.memory_space<vmem_shared>>
      %dma_start3A_93 = tpu.memref_squeeze %dma_start3A_92 : memref<1x640xf32, #tpu.memory_space<vmem_shared>> -> memref<640xf32, #tpu.memory_space<vmem_shared>>
      %dma_start3A_94 = arith.constant 0 : i32
      %dma_start3A_95 = tpu.memref_slice %arg6[%run_scoped3A_23, %dma_start3A_94] : memref<16x640xf32, #tpu.memory_space<vmem>> -> memref<1x640xf32, #tpu.memory_space<vmem>>
      %dma_start3A_96 = tpu.memref_squeeze %dma_start3A_95 : memref<1x640xf32, #tpu.memory_space<vmem>> -> memref<640xf32, #tpu.memory_space<vmem>>
      %dma_start3A_97 = tpu.memref_slice %arg7[%run_scoped3A_22, %mul3A_21] : memref<16x10240xf32, #tpu.memory_space<vmem_shared>> -> memref<1x640xf32, #tpu.memory_space<vmem_shared>>
      %dma_start3A_98 = tpu.memref_squeeze %dma_start3A_97 : memref<1x640xf32, #tpu.memory_space<vmem_shared>> -> memref<640xf32, #tpu.memory_space<vmem_shared>>
      tpu.enqueue_dma source(%dma_start3A_98 : memref<640xf32, #tpu.memory_space<vmem_shared>>) target(%dma_start3A_96 : memref<640xf32, #tpu.memory_space<vmem>>) target_semaphore(%run_scoped3A_89 : memref<!tpu.dma_semaphore, #tpu.memory_space<semaphore_mem>>)
      %dma_wait3A = arith.constant 0 : i32
      %dma_wait3A_99 = tpu.memref_slice %arg6[%run_scoped3A_23, %dma_wait3A] : memref<16x640xf32, #tpu.memory_space<vmem>> -> memref<1x640xf32, #tpu.memory_space<vmem>>
      %dma_wait3A_100 = tpu.memref_squeeze %dma_wait3A_99 : memref<1x640xf32, #tpu.memory_space<vmem>> -> memref<640xf32, #tpu.memory_space<vmem>>
      %dma_wait3A_101 = tpu.memref_slice %arg7[%run_scoped3A_22, %mul3A_21] : memref<16x10240xf32, #tpu.memory_space<vmem_shared>> -> memref<1x640xf32, #tpu.memory_space<vmem_shared>>
      %dma_wait3A_102 = tpu.memref_squeeze %dma_wait3A_101 : memref<1x640xf32, #tpu.memory_space<vmem_shared>> -> memref<640xf32, #tpu.memory_space<vmem_shared>>
      %dma_wait3A_103 = arith.constant 0 : i32
      %dma_wait3A_104 = tpu.memref_slice %arg6[%run_scoped3A_23, %dma_wait3A_103] : memref<16x640xf32, #tpu.memory_space<vmem>> -> memref<1x640xf32, #tpu.memory_space<vmem>>
      %dma_wait3A_105 = tpu.memref_squeeze %dma_wait3A_104 : memref<1x640xf32, #tpu.memory_space<vmem>> -> memref<640xf32, #tpu.memory_space<vmem>>
      %dma_wait3A_106 = tpu.memref_slice %arg7[%run_scoped3A_22, %mul3A_21] : memref<16x10240xf32, #tpu.memory_space<vmem_shared>> -> memref<1x640xf32, #tpu.memory_space<vmem_shared>>
      %dma_wait3A_107 = tpu.memref_squeeze %dma_wait3A_106 : memref<1x640xf32, #tpu.memory_space<vmem_shared>> -> memref<640xf32, #tpu.memory_space<vmem_shared>>
      tpu.wait_dma2 semaphore(%run_scoped3A_89 : memref<!tpu.dma_semaphore, #tpu.memory_space<semaphore_mem>>) src(%dma_wait3A_107 : memref<640xf32, #tpu.memory_space<vmem_shared>>) dst(%dma_wait3A_105 : memref<640xf32, #tpu.memory_space<vmem>>)
      tpu.yield
    }) : () -> ()
    %mul3A_24 = arith.constant 640 : i32
    %mul3A_25 = arith.muli %arg1, %mul3A_24 : i32
    %run_scoped3A_26 = arith.constant 3 : i32
    %run_scoped3A_27 = arith.constant 3 : i32
    "tpu.region"() ({
      %run_scoped3A_89 = tpu.sem_alloc : memref<!tpu.dma_semaphore, #tpu.memory_space<semaphore_mem>>
      %dma_start3A = arith.constant 0 : i32
      %dma_start3A_90 = tpu.memref_slice %arg6[%run_scoped3A_27, %dma_start3A] : memref<16x640xf32, #tpu.memory_space<vmem>> -> memref<1x640xf32, #tpu.memory_space<vmem>>
      %dma_start3A_91 = tpu.memref_squeeze %dma_start3A_90 : memref<1x640xf32, #tpu.memory_space<vmem>> -> memref<640xf32, #tpu.memory_space<vmem>>
      %dma_start3A_92 = tpu.memref_slice %arg7[%run_scoped3A_26, %mul3A_25] : memref<16x10240xf32, #tpu.memory_space<vmem_shared>> -> memref<1x640xf32, #tpu.memory_space<vmem_shared>>
      %dma_start3A_93 = tpu.memref_squeeze %dma_start3A_92 : memref<1x640xf32, #tpu.memory_space<vmem_shared>> -> memref<640xf32, #tpu.memory_space<vmem_shared>>
      %dma_start3A_94 = arith.constant 0 : i32
      %dma_start3A_95 = tpu.memref_slice %arg6[%run_scoped3A_27, %dma_start3A_94] : memref<16x640xf32, #tpu.memory_space<vmem>> -> memref<1x640xf32, #tpu.memory_space<vmem>>
      %dma_start3A_96 = tpu.memref_squeeze %dma_start3A_95 : memref<1x640xf32, #tpu.memory_space<vmem>> -> memref<640xf32, #tpu.memory_space<vmem>>
      %dma_start3A_97 = tpu.memref_slice %arg7[%run_scoped3A_26, %mul3A_25] : memref<16x10240xf32, #tpu.memory_space<vmem_shared>> -> memref<1x640xf32, #tpu.memory_space<vmem_shared>>
      %dma_start3A_98 = tpu.memref_squeeze %dma_start3A_97 : memref<1x640xf32, #tpu.memory_space<vmem_shared>> -> memref<640xf32, #tpu.memory_space<vmem_shared>>
      tpu.enqueue_dma source(%dma_start3A_98 : memref<640xf32, #tpu.memory_space<vmem_shared>>) target(%dma_start3A_96 : memref<640xf32, #tpu.memory_space<vmem>>) target_semaphore(%run_scoped3A_89 : memref<!tpu.dma_semaphore, #tpu.memory_space<semaphore_mem>>)
      %dma_wait3A = arith.constant 0 : i32
      %dma_wait3A_99 = tpu.memref_slice %arg6[%run_scoped3A_27, %dma_wait3A] : memref<16x640xf32, #tpu.memory_space<vmem>> -> memref<1x640xf32, #tpu.memory_space<vmem>>
      %dma_wait3A_100 = tpu.memref_squeeze %dma_wait3A_99 : memref<1x640xf32, #tpu.memory_space<vmem>> -> memref<640xf32, #tpu.memory_space<vmem>>
      %dma_wait3A_101 = tpu.memref_slice %arg7[%run_scoped3A_26, %mul3A_25] : memref<16x10240xf32, #tpu.memory_space<vmem_shared>> -> memref<1x640xf32, #tpu.memory_space<vmem_shared>>
      %dma_wait3A_102 = tpu.memref_squeeze %dma_wait3A_101 : memref<1x640xf32, #tpu.memory_space<vmem_shared>> -> memref<640xf32, #tpu.memory_space<vmem_shared>>
      %dma_wait3A_103 = arith.constant 0 : i32
      %dma_wait3A_104 = tpu.memref_slice %arg6[%run_scoped3A_27, %dma_wait3A_103] : memref<16x640xf32, #tpu.memory_space<vmem>> -> memref<1x640xf32, #tpu.memory_space<vmem>>
      %dma_wait3A_105 = tpu.memref_squeeze %dma_wait3A_104 : memref<1x640xf32, #tpu.memory_space<vmem>> -> memref<640xf32, #tpu.memory_space<vmem>>
      %dma_wait3A_106 = tpu.memref_slice %arg7[%run_scoped3A_26, %mul3A_25] : memref<16x10240xf32, #tpu.memory_space<vmem_shared>> -> memref<1x640xf32, #tpu.memory_space<vmem_shared>>
      %dma_wait3A_107 = tpu.memref_squeeze %dma_wait3A_106 : memref<1x640xf32, #tpu.memory_space<vmem_shared>> -> memref<640xf32, #tpu.memory_space<vmem_shared>>
      tpu.wait_dma2 semaphore(%run_scoped3A_89 : memref<!tpu.dma_semaphore, #tpu.memory_space<semaphore_mem>>) src(%dma_wait3A_107 : memref<640xf32, #tpu.memory_space<vmem_shared>>) dst(%dma_wait3A_105 : memref<640xf32, #tpu.memory_space<vmem>>)
      tpu.yield
    }) : () -> ()
    %mul3A_28 = arith.constant 640 : i32
    %mul3A_29 = arith.muli %arg1, %mul3A_28 : i32
    %run_scoped3A_30 = arith.constant 4 : i32
    %run_scoped3A_31 = arith.constant 4 : i32
    "tpu.region"() ({
      %run_scoped3A_89 = tpu.sem_alloc : memref<!tpu.dma_semaphore, #tpu.memory_space<semaphore_mem>>
      %dma_start3A = arith.constant 0 : i32
      %dma_start3A_90 = tpu.memref_slice %arg6[%run_scoped3A_31, %dma_start3A] : memref<16x640xf32, #tpu.memory_space<vmem>> -> memref<1x640xf32, #tpu.memory_space<vmem>>
      %dma_start3A_91 = tpu.memref_squeeze %dma_start3A_90 : memref<1x640xf32, #tpu.memory_space<vmem>> -> memref<640xf32, #tpu.memory_space<vmem>>
      %dma_start3A_92 = tpu.memref_slice %arg7[%run_scoped3A_30, %mul3A_29] : memref<16x10240xf32, #tpu.memory_space<vmem_shared>> -> memref<1x640xf32, #tpu.memory_space<vmem_shared>>
      %dma_start3A_93 = tpu.memref_squeeze %dma_start3A_92 : memref<1x640xf32, #tpu.memory_space<vmem_shared>> -> memref<640xf32, #tpu.memory_space<vmem_shared>>
      %dma_start3A_94 = arith.constant 0 : i32
      %dma_start3A_95 = tpu.memref_slice %arg6[%run_scoped3A_31, %dma_start3A_94] : memref<16x640xf32, #tpu.memory_space<vmem>> -> memref<1x640xf32, #tpu.memory_space<vmem>>
      %dma_start3A_96 = tpu.memref_squeeze %dma_start3A_95 : memref<1x640xf32, #tpu.memory_space<vmem>> -> memref<640xf32, #tpu.memory_space<vmem>>
      %dma_start3A_97 = tpu.memref_slice %arg7[%run_scoped3A_30, %mul3A_29] : memref<16x10240xf32, #tpu.memory_space<vmem_shared>> -> memref<1x640xf32, #tpu.memory_space<vmem_shared>>
      %dma_start3A_98 = tpu.memref_squeeze %dma_start3A_97 : memref<1x640xf32, #tpu.memory_space<vmem_shared>> -> memref<640xf32, #tpu.memory_space<vmem_shared>>
      tpu.enqueue_dma source(%dma_start3A_98 : memref<640xf32, #tpu.memory_space<vmem_shared>>) target(%dma_start3A_96 : memref<640xf32, #tpu.memory_space<vmem>>) target_semaphore(%run_scoped3A_89 : memref<!tpu.dma_semaphore, #tpu.memory_space<semaphore_mem>>)
      %dma_wait3A = arith.constant 0 : i32
      %dma_wait3A_99 = tpu.memref_slice %arg6[%run_scoped3A_31, %dma_wait3A] : memref<16x640xf32, #tpu.memory_space<vmem>> -> memref<1x640xf32, #tpu.memory_space<vmem>>
      %dma_wait3A_100 = tpu.memref_squeeze %dma_wait3A_99 : memref<1x640xf32, #tpu.memory_space<vmem>> -> memref<640xf32, #tpu.memory_space<vmem>>
      %dma_wait3A_101 = tpu.memref_slice %arg7[%run_scoped3A_30, %mul3A_29] : memref<16x10240xf32, #tpu.memory_space<vmem_shared>> -> memref<1x640xf32, #tpu.memory_space<vmem_shared>>
      %dma_wait3A_102 = tpu.memref_squeeze %dma_wait3A_101 : memref<1x640xf32, #tpu.memory_space<vmem_shared>> -> memref<640xf32, #tpu.memory_space<vmem_shared>>
      %dma_wait3A_103 = arith.constant 0 : i32
      %dma_wait3A_104 = tpu.memref_slice %arg6[%run_scoped3A_31, %dma_wait3A_103] : memref<16x640xf32, #tpu.memory_space<vmem>> -> memref<1x640xf32, #tpu.memory_space<vmem>>
      %dma_wait3A_105 = tpu.memref_squeeze %dma_wait3A_104 : memref<1x640xf32, #tpu.memory_space<vmem>> -> memref<640xf32, #tpu.memory_space<vmem>>
      %dma_wait3A_106 = tpu.memref_slice %arg7[%run_scoped3A_30, %mul3A_29] : memref<16x10240xf32, #tpu.memory_space<vmem_shared>> -> memref<1x640xf32, #tpu.memory_space<vmem_shared>>
      %dma_wait3A_107 = tpu.memref_squeeze %dma_wait3A_106 : memref<1x640xf32, #tpu.memory_space<vmem_shared>> -> memref<640xf32, #tpu.memory_space<vmem_shared>>
      tpu.wait_dma2 semaphore(%run_scoped3A_89 : memref<!tpu.dma_semaphore, #tpu.memory_space<semaphore_mem>>) src(%dma_wait3A_107 : memref<640xf32, #tpu.memory_space<vmem_shared>>) dst(%dma_wait3A_105 : memref<640xf32, #tpu.memory_space<vmem>>)
      tpu.yield
    }) : () -> ()
    %mul3A_32 = arith.constant 640 : i32
    %mul3A_33 = arith.muli %arg1, %mul3A_32 : i32
    %run_scoped3A_34 = arith.constant 5 : i32
    %run_scoped3A_35 = arith.constant 5 : i32
    "tpu.region"() ({
      %run_scoped3A_89 = tpu.sem_alloc : memref<!tpu.dma_semaphore, #tpu.memory_space<semaphore_mem>>
      %dma_start3A = arith.constant 0 : i32
      %dma_start3A_90 = tpu.memref_slice %arg6[%run_scoped3A_35, %dma_start3A] : memref<16x640xf32, #tpu.memory_space<vmem>> -> memref<1x640xf32, #tpu.memory_space<vmem>>
      %dma_start3A_91 = tpu.memref_squeeze %dma_start3A_90 : memref<1x640xf32, #tpu.memory_space<vmem>> -> memref<640xf32, #tpu.memory_space<vmem>>
      %dma_start3A_92 = tpu.memref_slice %arg7[%run_scoped3A_34, %mul3A_33] : memref<16x10240xf32, #tpu.memory_space<vmem_shared>> -> memref<1x640xf32, #tpu.memory_space<vmem_shared>>
      %dma_start3A_93 = tpu.memref_squeeze %dma_start3A_92 : memref<1x640xf32, #tpu.memory_space<vmem_shared>> -> memref<640xf32, #tpu.memory_space<vmem_shared>>
      %dma_start3A_94 = arith.constant 0 : i32
      %dma_start3A_95 = tpu.memref_slice %arg6[%run_scoped3A_35, %dma_start3A_94] : memref<16x640xf32, #tpu.memory_space<vmem>> -> memref<1x640xf32, #tpu.memory_space<vmem>>
      %dma_start3A_96 = tpu.memref_squeeze %dma_start3A_95 : memref<1x640xf32, #tpu.memory_space<vmem>> -> memref<640xf32, #tpu.memory_space<vmem>>
      %dma_start3A_97 = tpu.memref_slice %arg7[%run_scoped3A_34, %mul3A_33] : memref<16x10240xf32, #tpu.memory_space<vmem_shared>> -> memref<1x640xf32, #tpu.memory_space<vmem_shared>>
      %dma_start3A_98 = tpu.memref_squeeze %dma_start3A_97 : memref<1x640xf32, #tpu.memory_space<vmem_shared>> -> memref<640xf32, #tpu.memory_space<vmem_shared>>
      tpu.enqueue_dma source(%dma_start3A_98 : memref<640xf32, #tpu.memory_space<vmem_shared>>) target(%dma_start3A_96 : memref<640xf32, #tpu.memory_space<vmem>>) target_semaphore(%run_scoped3A_89 : memref<!tpu.dma_semaphore, #tpu.memory_space<semaphore_mem>>)
      %dma_wait3A = arith.constant 0 : i32
      %dma_wait3A_99 = tpu.memref_slice %arg6[%run_scoped3A_35, %dma_wait3A] : memref<16x640xf32, #tpu.memory_space<vmem>> -> memref<1x640xf32, #tpu.memory_space<vmem>>
      %dma_wait3A_100 = tpu.memref_squeeze %dma_wait3A_99 : memref<1x640xf32, #tpu.memory_space<vmem>> -> memref<640xf32, #tpu.memory_space<vmem>>
      %dma_wait3A_101 = tpu.memref_slice %arg7[%run_scoped3A_34, %mul3A_33] : memref<16x10240xf32, #tpu.memory_space<vmem_shared>> -> memref<1x640xf32, #tpu.memory_space<vmem_shared>>
      %dma_wait3A_102 = tpu.memref_squeeze %dma_wait3A_101 : memref<1x640xf32, #tpu.memory_space<vmem_shared>> -> memref<640xf32, #tpu.memory_space<vmem_shared>>
      %dma_wait3A_103 = arith.constant 0 : i32
      %dma_wait3A_104 = tpu.memref_slice %arg6[%run_scoped3A_35, %dma_wait3A_103] : memref<16x640xf32, #tpu.memory_space<vmem>> -> memref<1x640xf32, #tpu.memory_space<vmem>>
      %dma_wait3A_105 = tpu.memref_squeeze %dma_wait3A_104 : memref<1x640xf32, #tpu.memory_space<vmem>> -> memref<640xf32, #tpu.memory_space<vmem>>
      %dma_wait3A_106 = tpu.memref_slice %arg7[%run_scoped3A_34, %mul3A_33] : memref<16x10240xf32, #tpu.memory_space<vmem_shared>> -> memref<1x640xf32, #tpu.memory_space<vmem_shared>>
      %dma_wait3A_107 = tpu.memref_squeeze %dma_wait3A_106 : memref<1x640xf32, #tpu.memory_space<vmem_shared>> -> memref<640xf32, #tpu.memory_space<vmem_shared>>
      tpu.wait_dma2 semaphore(%run_scoped3A_89 : memref<!tpu.dma_semaphore, #tpu.memory_space<semaphore_mem>>) src(%dma_wait3A_107 : memref<640xf32, #tpu.memory_space<vmem_shared>>) dst(%dma_wait3A_105 : memref<640xf32, #tpu.memory_space<vmem>>)
      tpu.yield
    }) : () -> ()
    %mul3A_36 = arith.constant 640 : i32
    %mul3A_37 = arith.muli %arg1, %mul3A_36 : i32
    %run_scoped3A_38 = arith.constant 6 : i32
    %run_scoped3A_39 = arith.constant 6 : i32
    "tpu.region"() ({
      %run_scoped3A_89 = tpu.sem_alloc : memref<!tpu.dma_semaphore, #tpu.memory_space<semaphore_mem>>
      %dma_start3A = arith.constant 0 : i32
      %dma_start3A_90 = tpu.memref_slice %arg6[%run_scoped3A_39, %dma_start3A] : memref<16x640xf32, #tpu.memory_space<vmem>> -> memref<1x640xf32, #tpu.memory_space<vmem>>
      %dma_start3A_91 = tpu.memref_squeeze %dma_start3A_90 : memref<1x640xf32, #tpu.memory_space<vmem>> -> memref<640xf32, #tpu.memory_space<vmem>>
      %dma_start3A_92 = tpu.memref_slice %arg7[%run_scoped3A_38, %mul3A_37] : memref<16x10240xf32, #tpu.memory_space<vmem_shared>> -> memref<1x640xf32, #tpu.memory_space<vmem_shared>>
      %dma_start3A_93 = tpu.memref_squeeze %dma_start3A_92 : memref<1x640xf32, #tpu.memory_space<vmem_shared>> -> memref<640xf32, #tpu.memory_space<vmem_shared>>
      %dma_start3A_94 = arith.constant 0 : i32
      %dma_start3A_95 = tpu.memref_slice %arg6[%run_scoped3A_39, %dma_start3A_94] : memref<16x640xf32, #tpu.memory_space<vmem>> -> memref<1x640xf32, #tpu.memory_space<vmem>>
      %dma_start3A_96 = tpu.memref_squeeze %dma_start3A_95 : memref<1x640xf32, #tpu.memory_space<vmem>> -> memref<640xf32, #tpu.memory_space<vmem>>
      %dma_start3A_97 = tpu.memref_slice %arg7[%run_scoped3A_38, %mul3A_37] : memref<16x10240xf32, #tpu.memory_space<vmem_shared>> -> memref<1x640xf32, #tpu.memory_space<vmem_shared>>
      %dma_start3A_98 = tpu.memref_squeeze %dma_start3A_97 : memref<1x640xf32, #tpu.memory_space<vmem_shared>> -> memref<640xf32, #tpu.memory_space<vmem_shared>>
      tpu.enqueue_dma source(%dma_start3A_98 : memref<640xf32, #tpu.memory_space<vmem_shared>>) target(%dma_start3A_96 : memref<640xf32, #tpu.memory_space<vmem>>) target_semaphore(%run_scoped3A_89 : memref<!tpu.dma_semaphore, #tpu.memory_space<semaphore_mem>>)
      %dma_wait3A = arith.constant 0 : i32
      %dma_wait3A_99 = tpu.memref_slice %arg6[%run_scoped3A_39, %dma_wait3A] : memref<16x640xf32, #tpu.memory_space<vmem>> -> memref<1x640xf32, #tpu.memory_space<vmem>>
      %dma_wait3A_100 = tpu.memref_squeeze %dma_wait3A_99 : memref<1x640xf32, #tpu.memory_space<vmem>> -> memref<640xf32, #tpu.memory_space<vmem>>
      %dma_wait3A_101 = tpu.memref_slice %arg7[%run_scoped3A_38, %mul3A_37] : memref<16x10240xf32, #tpu.memory_space<vmem_shared>> -> memref<1x640xf32, #tpu.memory_space<vmem_shared>>
      %dma_wait3A_102 = tpu.memref_squeeze %dma_wait3A_101 : memref<1x640xf32, #tpu.memory_space<vmem_shared>> -> memref<640xf32, #tpu.memory_space<vmem_shared>>
      %dma_wait3A_103 = arith.constant 0 : i32
      %dma_wait3A_104 = tpu.memref_slice %arg6[%run_scoped3A_39, %dma_wait3A_103] : memref<16x640xf32, #tpu.memory_space<vmem>> -> memref<1x640xf32, #tpu.memory_space<vmem>>
      %dma_wait3A_105 = tpu.memref_squeeze %dma_wait3A_104 : memref<1x640xf32, #tpu.memory_space<vmem>> -> memref<640xf32, #tpu.memory_space<vmem>>
      %dma_wait3A_106 = tpu.memref_slice %arg7[%run_scoped3A_38, %mul3A_37] : memref<16x10240xf32, #tpu.memory_space<vmem_shared>> -> memref<1x640xf32, #tpu.memory_space<vmem_shared>>
      %dma_wait3A_107 = tpu.memref_squeeze %dma_wait3A_106 : memref<1x640xf32, #tpu.memory_space<vmem_shared>> -> memref<640xf32, #tpu.memory_space<vmem_shared>>
      tpu.wait_dma2 semaphore(%run_scoped3A_89 : memref<!tpu.dma_semaphore, #tpu.memory_space<semaphore_mem>>) src(%dma_wait3A_107 : memref<640xf32, #tpu.memory_space<vmem_shared>>) dst(%dma_wait3A_105 : memref<640xf32, #tpu.memory_space<vmem>>)
      tpu.yield
    }) : () -> ()
    %mul3A_40 = arith.constant 640 : i32
    %mul3A_41 = arith.muli %arg1, %mul3A_40 : i32
    %run_scoped3A_42 = arith.constant 7 : i32
    %run_scoped3A_43 = arith.constant 7 : i32
    "tpu.region"() ({
      %run_scoped3A_89 = tpu.sem_alloc : memref<!tpu.dma_semaphore, #tpu.memory_space<semaphore_mem>>
      %dma_start3A = arith.constant 0 : i32
      %dma_start3A_90 = tpu.memref_slice %arg6[%run_scoped3A_43, %dma_start3A] : memref<16x640xf32, #tpu.memory_space<vmem>> -> memref<1x640xf32, #tpu.memory_space<vmem>>
      %dma_start3A_91 = tpu.memref_squeeze %dma_start3A_90 : memref<1x640xf32, #tpu.memory_space<vmem>> -> memref<640xf32, #tpu.memory_space<vmem>>
      %dma_start3A_92 = tpu.memref_slice %arg7[%run_scoped3A_42, %mul3A_41] : memref<16x10240xf32, #tpu.memory_space<vmem_shared>> -> memref<1x640xf32, #tpu.memory_space<vmem_shared>>
      %dma_start3A_93 = tpu.memref_squeeze %dma_start3A_92 : memref<1x640xf32, #tpu.memory_space<vmem_shared>> -> memref<640xf32, #tpu.memory_space<vmem_shared>>
      %dma_start3A_94 = arith.constant 0 : i32
      %dma_start3A_95 = tpu.memref_slice %arg6[%run_scoped3A_43, %dma_start3A_94] : memref<16x640xf32, #tpu.memory_space<vmem>> -> memref<1x640xf32, #tpu.memory_space<vmem>>
      %dma_start3A_96 = tpu.memref_squeeze %dma_start3A_95 : memref<1x640xf32, #tpu.memory_space<vmem>> -> memref<640xf32, #tpu.memory_space<vmem>>
      %dma_start3A_97 = tpu.memref_slice %arg7[%run_scoped3A_42, %mul3A_41] : memref<16x10240xf32, #tpu.memory_space<vmem_shared>> -> memref<1x640xf32, #tpu.memory_space<vmem_shared>>
      %dma_start3A_98 = tpu.memref_squeeze %dma_start3A_97 : memref<1x640xf32, #tpu.memory_space<vmem_shared>> -> memref<640xf32, #tpu.memory_space<vmem_shared>>
      tpu.enqueue_dma source(%dma_start3A_98 : memref<640xf32, #tpu.memory_space<vmem_shared>>) target(%dma_start3A_96 : memref<640xf32, #tpu.memory_space<vmem>>) target_semaphore(%run_scoped3A_89 : memref<!tpu.dma_semaphore, #tpu.memory_space<semaphore_mem>>)
      %dma_wait3A = arith.constant 0 : i32
      %dma_wait3A_99 = tpu.memref_slice %arg6[%run_scoped3A_43, %dma_wait3A] : memref<16x640xf32, #tpu.memory_space<vmem>> -> memref<1x640xf32, #tpu.memory_space<vmem>>
      %dma_wait3A_100 = tpu.memref_squeeze %dma_wait3A_99 : memref<1x640xf32, #tpu.memory_space<vmem>> -> memref<640xf32, #tpu.memory_space<vmem>>
      %dma_wait3A_101 = tpu.memref_slice %arg7[%run_scoped3A_42, %mul3A_41] : memref<16x10240xf32, #tpu.memory_space<vmem_shared>> -> memref<1x640xf32, #tpu.memory_space<vmem_shared>>
      %dma_wait3A_102 = tpu.memref_squeeze %dma_wait3A_101 : memref<1x640xf32, #tpu.memory_space<vmem_shared>> -> memref<640xf32, #tpu.memory_space<vmem_shared>>
      %dma_wait3A_103 = arith.constant 0 : i32
      %dma_wait3A_104 = tpu.memref_slice %arg6[%run_scoped3A_43, %dma_wait3A_103] : memref<16x640xf32, #tpu.memory_space<vmem>> -> memref<1x640xf32, #tpu.memory_space<vmem>>
      %dma_wait3A_105 = tpu.memref_squeeze %dma_wait3A_104 : memref<1x640xf32, #tpu.memory_space<vmem>> -> memref<640xf32, #tpu.memory_space<vmem>>
      %dma_wait3A_106 = tpu.memref_slice %arg7[%run_scoped3A_42, %mul3A_41] : memref<16x10240xf32, #tpu.memory_space<vmem_shared>> -> memref<1x640xf32, #tpu.memory_space<vmem_shared>>
      %dma_wait3A_107 = tpu.memref_squeeze %dma_wait3A_106 : memref<1x640xf32, #tpu.memory_space<vmem_shared>> -> memref<640xf32, #tpu.memory_space<vmem_shared>>
      tpu.wait_dma2 semaphore(%run_scoped3A_89 : memref<!tpu.dma_semaphore, #tpu.memory_space<semaphore_mem>>) src(%dma_wait3A_107 : memref<640xf32, #tpu.memory_space<vmem_shared>>) dst(%dma_wait3A_105 : memref<640xf32, #tpu.memory_space<vmem>>)
      tpu.yield
    }) : () -> ()
    %mul3A_44 = arith.constant 640 : i32
    %mul3A_45 = arith.muli %arg1, %mul3A_44 : i32
    %run_scoped3A_46 = arith.constant 8 : i32
    %run_scoped3A_47 = arith.constant 8 : i32
    "tpu.region"() ({
      %run_scoped3A_89 = tpu.sem_alloc : memref<!tpu.dma_semaphore, #tpu.memory_space<semaphore_mem>>
      %dma_start3A = arith.constant 0 : i32
      %dma_start3A_90 = tpu.memref_slice %arg6[%run_scoped3A_47, %dma_start3A] : memref<16x640xf32, #tpu.memory_space<vmem>> -> memref<1x640xf32, #tpu.memory_space<vmem>>
      %dma_start3A_91 = tpu.memref_squeeze %dma_start3A_90 : memref<1x640xf32, #tpu.memory_space<vmem>> -> memref<640xf32, #tpu.memory_space<vmem>>
      %dma_start3A_92 = tpu.memref_slice %arg7[%run_scoped3A_46, %mul3A_45] : memref<16x10240xf32, #tpu.memory_space<vmem_shared>> -> memref<1x640xf32, #tpu.memory_space<vmem_shared>>
      %dma_start3A_93 = tpu.memref_squeeze %dma_start3A_92 : memref<1x640xf32, #tpu.memory_space<vmem_shared>> -> memref<640xf32, #tpu.memory_space<vmem_shared>>
      %dma_start3A_94 = arith.constant 0 : i32
      %dma_start3A_95 = tpu.memref_slice %arg6[%run_scoped3A_47, %dma_start3A_94] : memref<16x640xf32, #tpu.memory_space<vmem>> -> memref<1x640xf32, #tpu.memory_space<vmem>>
      %dma_start3A_96 = tpu.memref_squeeze %dma_start3A_95 : memref<1x640xf32, #tpu.memory_space<vmem>> -> memref<640xf32, #tpu.memory_space<vmem>>
      %dma_start3A_97 = tpu.memref_slice %arg7[%run_scoped3A_46, %mul3A_45] : memref<16x10240xf32, #tpu.memory_space<vmem_shared>> -> memref<1x640xf32, #tpu.memory_space<vmem_shared>>
      %dma_start3A_98 = tpu.memref_squeeze %dma_start3A_97 : memref<1x640xf32, #tpu.memory_space<vmem_shared>> -> memref<640xf32, #tpu.memory_space<vmem_shared>>
      tpu.enqueue_dma source(%dma_start3A_98 : memref<640xf32, #tpu.memory_space<vmem_shared>>) target(%dma_start3A_96 : memref<640xf32, #tpu.memory_space<vmem>>) target_semaphore(%run_scoped3A_89 : memref<!tpu.dma_semaphore, #tpu.memory_space<semaphore_mem>>)
      %dma_wait3A = arith.constant 0 : i32
      %dma_wait3A_99 = tpu.memref_slice %arg6[%run_scoped3A_47, %dma_wait3A] : memref<16x640xf32, #tpu.memory_space<vmem>> -> memref<1x640xf32, #tpu.memory_space<vmem>>
      %dma_wait3A_100 = tpu.memref_squeeze %dma_wait3A_99 : memref<1x640xf32, #tpu.memory_space<vmem>> -> memref<640xf32, #tpu.memory_space<vmem>>
      %dma_wait3A_101 = tpu.memref_slice %arg7[%run_scoped3A_46, %mul3A_45] : memref<16x10240xf32, #tpu.memory_space<vmem_shared>> -> memref<1x640xf32, #tpu.memory_space<vmem_shared>>
      %dma_wait3A_102 = tpu.memref_squeeze %dma_wait3A_101 : memref<1x640xf32, #tpu.memory_space<vmem_shared>> -> memref<640xf32, #tpu.memory_space<vmem_shared>>
      %dma_wait3A_103 = arith.constant 0 : i32
      %dma_wait3A_104 = tpu.memref_slice %arg6[%run_scoped3A_47, %dma_wait3A_103] : memref<16x640xf32, #tpu.memory_space<vmem>> -> memref<1x640xf32, #tpu.memory_space<vmem>>
      %dma_wait3A_105 = tpu.memref_squeeze %dma_wait3A_104 : memref<1x640xf32, #tpu.memory_space<vmem>> -> memref<640xf32, #tpu.memory_space<vmem>>
      %dma_wait3A_106 = tpu.memref_slice %arg7[%run_scoped3A_46, %mul3A_45] : memref<16x10240xf32, #tpu.memory_space<vmem_shared>> -> memref<1x640xf32, #tpu.memory_space<vmem_shared>>
      %dma_wait3A_107 = tpu.memref_squeeze %dma_wait3A_106 : memref<1x640xf32, #tpu.memory_space<vmem_shared>> -> memref<640xf32, #tpu.memory_space<vmem_shared>>
      tpu.wait_dma2 semaphore(%run_scoped3A_89 : memref<!tpu.dma_semaphore, #tpu.memory_space<semaphore_mem>>) src(%dma_wait3A_107 : memref<640xf32, #tpu.memory_space<vmem_shared>>) dst(%dma_wait3A_105 : memref<640xf32, #tpu.memory_space<vmem>>)
      tpu.yield
    }) : () -> ()
    %mul3A_48 = arith.constant 640 : i32
    %mul3A_49 = arith.muli %arg1, %mul3A_48 : i32
    %run_scoped3A_50 = arith.constant 9 : i32
    %run_scoped3A_51 = arith.constant 9 : i32
    "tpu.region"() ({
      %run_scoped3A_89 = tpu.sem_alloc : memref<!tpu.dma_semaphore, #tpu.memory_space<semaphore_mem>>
      %dma_start3A = arith.constant 0 : i32
      %dma_start3A_90 = tpu.memref_slice %arg6[%run_scoped3A_51, %dma_start3A] : memref<16x640xf32, #tpu.memory_space<vmem>> -> memref<1x640xf32, #tpu.memory_space<vmem>>
      %dma_start3A_91 = tpu.memref_squeeze %dma_start3A_90 : memref<1x640xf32, #tpu.memory_space<vmem>> -> memref<640xf32, #tpu.memory_space<vmem>>
      %dma_start3A_92 = tpu.memref_slice %arg7[%run_scoped3A_50, %mul3A_49] : memref<16x10240xf32, #tpu.memory_space<vmem_shared>> -> memref<1x640xf32, #tpu.memory_space<vmem_shared>>
      %dma_start3A_93 = tpu.memref_squeeze %dma_start3A_92 : memref<1x640xf32, #tpu.memory_space<vmem_shared>> -> memref<640xf32, #tpu.memory_space<vmem_shared>>
      %dma_start3A_94 = arith.constant 0 : i32
      %dma_start3A_95 = tpu.memref_slice %arg6[%run_scoped3A_51, %dma_start3A_94] : memref<16x640xf32, #tpu.memory_space<vmem>> -> memref<1x640xf32, #tpu.memory_space<vmem>>
      %dma_start3A_96 = tpu.memref_squeeze %dma_start3A_95 : memref<1x640xf32, #tpu.memory_space<vmem>> -> memref<640xf32, #tpu.memory_space<vmem>>
      %dma_start3A_97 = tpu.memref_slice %arg7[%run_scoped3A_50, %mul3A_49] : memref<16x10240xf32, #tpu.memory_space<vmem_shared>> -> memref<1x640xf32, #tpu.memory_space<vmem_shared>>
      %dma_start3A_98 = tpu.memref_squeeze %dma_start3A_97 : memref<1x640xf32, #tpu.memory_space<vmem_shared>> -> memref<640xf32, #tpu.memory_space<vmem_shared>>
      tpu.enqueue_dma source(%dma_start3A_98 : memref<640xf32, #tpu.memory_space<vmem_shared>>) target(%dma_start3A_96 : memref<640xf32, #tpu.memory_space<vmem>>) target_semaphore(%run_scoped3A_89 : memref<!tpu.dma_semaphore, #tpu.memory_space<semaphore_mem>>)
      %dma_wait3A = arith.constant 0 : i32
      %dma_wait3A_99 = tpu.memref_slice %arg6[%run_scoped3A_51, %dma_wait3A] : memref<16x640xf32, #tpu.memory_space<vmem>> -> memref<1x640xf32, #tpu.memory_space<vmem>>
      %dma_wait3A_100 = tpu.memref_squeeze %dma_wait3A_99 : memref<1x640xf32, #tpu.memory_space<vmem>> -> memref<640xf32, #tpu.memory_space<vmem>>
      %dma_wait3A_101 = tpu.memref_slice %arg7[%run_scoped3A_50, %mul3A_49] : memref<16x10240xf32, #tpu.memory_space<vmem_shared>> -> memref<1x640xf32, #tpu.memory_space<vmem_shared>>
      %dma_wait3A_102 = tpu.memref_squeeze %dma_wait3A_101 : memref<1x640xf32, #tpu.memory_space<vmem_shared>> -> memref<640xf32, #tpu.memory_space<vmem_shared>>
      %dma_wait3A_103 = arith.constant 0 : i32
      %dma_wait3A_104 = tpu.memref_slice %arg6[%run_scoped3A_51, %dma_wait3A_103] : memref<16x640xf32, #tpu.memory_space<vmem>> -> memref<1x640xf32, #tpu.memory_space<vmem>>
      %dma_wait3A_105 = tpu.memref_squeeze %dma_wait3A_104 : memref<1x640xf32, #tpu.memory_space<vmem>> -> memref<640xf32, #tpu.memory_space<vmem>>
      %dma_wait3A_106 = tpu.memref_slice %arg7[%run_scoped3A_50, %mul3A_49] : memref<16x10240xf32, #tpu.memory_space<vmem_shared>> -> memref<1x640xf32, #tpu.memory_space<vmem_shared>>
      %dma_wait3A_107 = tpu.memref_squeeze %dma_wait3A_106 : memref<1x640xf32, #tpu.memory_space<vmem_shared>> -> memref<640xf32, #tpu.memory_space<vmem_shared>>
      tpu.wait_dma2 semaphore(%run_scoped3A_89 : memref<!tpu.dma_semaphore, #tpu.memory_space<semaphore_mem>>) src(%dma_wait3A_107 : memref<640xf32, #tpu.memory_space<vmem_shared>>) dst(%dma_wait3A_105 : memref<640xf32, #tpu.memory_space<vmem>>)
      tpu.yield
    }) : () -> ()
    %mul3A_52 = arith.constant 640 : i32
    %mul3A_53 = arith.muli %arg1, %mul3A_52 : i32
    %run_scoped3A_54 = arith.constant 10 : i32
    %run_scoped3A_55 = arith.constant 10 : i32
    "tpu.region"() ({
      %run_scoped3A_89 = tpu.sem_alloc : memref<!tpu.dma_semaphore, #tpu.memory_space<semaphore_mem>>
      %dma_start3A = arith.constant 0 : i32
      %dma_start3A_90 = tpu.memref_slice %arg6[%run_scoped3A_55, %dma_start3A] : memref<16x640xf32, #tpu.memory_space<vmem>> -> memref<1x640xf32, #tpu.memory_space<vmem>>
      %dma_start3A_91 = tpu.memref_squeeze %dma_start3A_90 : memref<1x640xf32, #tpu.memory_space<vmem>> -> memref<640xf32, #tpu.memory_space<vmem>>
      %dma_start3A_92 = tpu.memref_slice %arg7[%run_scoped3A_54, %mul3A_53] : memref<16x10240xf32, #tpu.memory_space<vmem_shared>> -> memref<1x640xf32, #tpu.memory_space<vmem_shared>>
      %dma_start3A_93 = tpu.memref_squeeze %dma_start3A_92 : memref<1x640xf32, #tpu.memory_space<vmem_shared>> -> memref<640xf32, #tpu.memory_space<vmem_shared>>
      %dma_start3A_94 = arith.constant 0 : i32
      %dma_start3A_95 = tpu.memref_slice %arg6[%run_scoped3A_55, %dma_start3A_94] : memref<16x640xf32, #tpu.memory_space<vmem>> -> memref<1x640xf32, #tpu.memory_space<vmem>>
      %dma_start3A_96 = tpu.memref_squeeze %dma_start3A_95 : memref<1x640xf32, #tpu.memory_space<vmem>> -> memref<640xf32, #tpu.memory_space<vmem>>
      %dma_start3A_97 = tpu.memref_slice %arg7[%run_scoped3A_54, %mul3A_53] : memref<16x10240xf32, #tpu.memory_space<vmem_shared>> -> memref<1x640xf32, #tpu.memory_space<vmem_shared>>
      %dma_start3A_98 = tpu.memref_squeeze %dma_start3A_97 : memref<1x640xf32, #tpu.memory_space<vmem_shared>> -> memref<640xf32, #tpu.memory_space<vmem_shared>>
      tpu.enqueue_dma source(%dma_start3A_98 : memref<640xf32, #tpu.memory_space<vmem_shared>>) target(%dma_start3A_96 : memref<640xf32, #tpu.memory_space<vmem>>) target_semaphore(%run_scoped3A_89 : memref<!tpu.dma_semaphore, #tpu.memory_space<semaphore_mem>>)
      %dma_wait3A = arith.constant 0 : i32
      %dma_wait3A_99 = tpu.memref_slice %arg6[%run_scoped3A_55, %dma_wait3A] : memref<16x640xf32, #tpu.memory_space<vmem>> -> memref<1x640xf32, #tpu.memory_space<vmem>>
      %dma_wait3A_100 = tpu.memref_squeeze %dma_wait3A_99 : memref<1x640xf32, #tpu.memory_space<vmem>> -> memref<640xf32, #tpu.memory_space<vmem>>
      %dma_wait3A_101 = tpu.memref_slice %arg7[%run_scoped3A_54, %mul3A_53] : memref<16x10240xf32, #tpu.memory_space<vmem_shared>> -> memref<1x640xf32, #tpu.memory_space<vmem_shared>>
      %dma_wait3A_102 = tpu.memref_squeeze %dma_wait3A_101 : memref<1x640xf32, #tpu.memory_space<vmem_shared>> -> memref<640xf32, #tpu.memory_space<vmem_shared>>
      %dma_wait3A_103 = arith.constant 0 : i32
      %dma_wait3A_104 = tpu.memref_slice %arg6[%run_scoped3A_55, %dma_wait3A_103] : memref<16x640xf32, #tpu.memory_space<vmem>> -> memref<1x640xf32, #tpu.memory_space<vmem>>
      %dma_wait3A_105 = tpu.memref_squeeze %dma_wait3A_104 : memref<1x640xf32, #tpu.memory_space<vmem>> -> memref<640xf32, #tpu.memory_space<vmem>>
      %dma_wait3A_106 = tpu.memref_slice %arg7[%run_scoped3A_54, %mul3A_53] : memref<16x10240xf32, #tpu.memory_space<vmem_shared>> -> memref<1x640xf32, #tpu.memory_space<vmem_shared>>
      %dma_wait3A_107 = tpu.memref_squeeze %dma_wait3A_106 : memref<1x640xf32, #tpu.memory_space<vmem_shared>> -> memref<640xf32, #tpu.memory_space<vmem_shared>>
      tpu.wait_dma2 semaphore(%run_scoped3A_89 : memref<!tpu.dma_semaphore, #tpu.memory_space<semaphore_mem>>) src(%dma_wait3A_107 : memref<640xf32, #tpu.memory_space<vmem_shared>>) dst(%dma_wait3A_105 : memref<640xf32, #tpu.memory_space<vmem>>)
      tpu.yield
    }) : () -> ()
    %mul3A_56 = arith.constant 640 : i32
    %mul3A_57 = arith.muli %arg1, %mul3A_56 : i32
    %run_scoped3A_58 = arith.constant 11 : i32
    %run_scoped3A_59 = arith.constant 11 : i32
    "tpu.region"() ({
      %run_scoped3A_89 = tpu.sem_alloc : memref<!tpu.dma_semaphore, #tpu.memory_space<semaphore_mem>>
      %dma_start3A = arith.constant 0 : i32
      %dma_start3A_90 = tpu.memref_slice %arg6[%run_scoped3A_59, %dma_start3A] : memref<16x640xf32, #tpu.memory_space<vmem>> -> memref<1x640xf32, #tpu.memory_space<vmem>>
      %dma_start3A_91 = tpu.memref_squeeze %dma_start3A_90 : memref<1x640xf32, #tpu.memory_space<vmem>> -> memref<640xf32, #tpu.memory_space<vmem>>
      %dma_start3A_92 = tpu.memref_slice %arg7[%run_scoped3A_58, %mul3A_57] : memref<16x10240xf32, #tpu.memory_space<vmem_shared>> -> memref<1x640xf32, #tpu.memory_space<vmem_shared>>
      %dma_start3A_93 = tpu.memref_squeeze %dma_start3A_92 : memref<1x640xf32, #tpu.memory_space<vmem_shared>> -> memref<640xf32, #tpu.memory_space<vmem_shared>>
      %dma_start3A_94 = arith.constant 0 : i32
      %dma_start3A_95 = tpu.memref_slice %arg6[%run_scoped3A_59, %dma_start3A_94] : memref<16x640xf32, #tpu.memory_space<vmem>> -> memref<1x640xf32, #tpu.memory_space<vmem>>
      %dma_start3A_96 = tpu.memref_squeeze %dma_start3A_95 : memref<1x640xf32, #tpu.memory_space<vmem>> -> memref<640xf32, #tpu.memory_space<vmem>>
      %dma_start3A_97 = tpu.memref_slice %arg7[%run_scoped3A_58, %mul3A_57] : memref<16x10240xf32, #tpu.memory_space<vmem_shared>> -> memref<1x640xf32, #tpu.memory_space<vmem_shared>>
      %dma_start3A_98 = tpu.memref_squeeze %dma_start3A_97 : memref<1x640xf32, #tpu.memory_space<vmem_shared>> -> memref<640xf32, #tpu.memory_space<vmem_shared>>
      tpu.enqueue_dma source(%dma_start3A_98 : memref<640xf32, #tpu.memory_space<vmem_shared>>) target(%dma_start3A_96 : memref<640xf32, #tpu.memory_space<vmem>>) target_semaphore(%run_scoped3A_89 : memref<!tpu.dma_semaphore, #tpu.memory_space<semaphore_mem>>)
      %dma_wait3A = arith.constant 0 : i32
      %dma_wait3A_99 = tpu.memref_slice %arg6[%run_scoped3A_59, %dma_wait3A] : memref<16x640xf32, #tpu.memory_space<vmem>> -> memref<1x640xf32, #tpu.memory_space<vmem>>
      %dma_wait3A_100 = tpu.memref_squeeze %dma_wait3A_99 : memref<1x640xf32, #tpu.memory_space<vmem>> -> memref<640xf32, #tpu.memory_space<vmem>>
      %dma_wait3A_101 = tpu.memref_slice %arg7[%run_scoped3A_58, %mul3A_57] : memref<16x10240xf32, #tpu.memory_space<vmem_shared>> -> memref<1x640xf32, #tpu.memory_space<vmem_shared>>
      %dma_wait3A_102 = tpu.memref_squeeze %dma_wait3A_101 : memref<1x640xf32, #tpu.memory_space<vmem_shared>> -> memref<640xf32, #tpu.memory_space<vmem_shared>>
      %dma_wait3A_103 = arith.constant 0 : i32
      %dma_wait3A_104 = tpu.memref_slice %arg6[%run_scoped3A_59, %dma_wait3A_103] : memref<16x640xf32, #tpu.memory_space<vmem>> -> memref<1x640xf32, #tpu.memory_space<vmem>>
      %dma_wait3A_105 = tpu.memref_squeeze %dma_wait3A_104 : memref<1x640xf32, #tpu.memory_space<vmem>> -> memref<640xf32, #tpu.memory_space<vmem>>
      %dma_wait3A_106 = tpu.memref_slice %arg7[%run_scoped3A_58, %mul3A_57] : memref<16x10240xf32, #tpu.memory_space<vmem_shared>> -> memref<1x640xf32, #tpu.memory_space<vmem_shared>>
      %dma_wait3A_107 = tpu.memref_squeeze %dma_wait3A_106 : memref<1x640xf32, #tpu.memory_space<vmem_shared>> -> memref<640xf32, #tpu.memory_space<vmem_shared>>
      tpu.wait_dma2 semaphore(%run_scoped3A_89 : memref<!tpu.dma_semaphore, #tpu.memory_space<semaphore_mem>>) src(%dma_wait3A_107 : memref<640xf32, #tpu.memory_space<vmem_shared>>) dst(%dma_wait3A_105 : memref<640xf32, #tpu.memory_space<vmem>>)
      tpu.yield
    }) : () -> ()
    %mul3A_60 = arith.constant 640 : i32
    %mul3A_61 = arith.muli %arg1, %mul3A_60 : i32
    %run_scoped3A_62 = arith.constant 12 : i32
    %run_scoped3A_63 = arith.constant 12 : i32
    "tpu.region"() ({
      %run_scoped3A_89 = tpu.sem_alloc : memref<!tpu.dma_semaphore, #tpu.memory_space<semaphore_mem>>
      %dma_start3A = arith.constant 0 : i32
      %dma_start3A_90 = tpu.memref_slice %arg6[%run_scoped3A_63, %dma_start3A] : memref<16x640xf32, #tpu.memory_space<vmem>> -> memref<1x640xf32, #tpu.memory_space<vmem>>
      %dma_start3A_91 = tpu.memref_squeeze %dma_start3A_90 : memref<1x640xf32, #tpu.memory_space<vmem>> -> memref<640xf32, #tpu.memory_space<vmem>>
      %dma_start3A_92 = tpu.memref_slice %arg7[%run_scoped3A_62, %mul3A_61] : memref<16x10240xf32, #tpu.memory_space<vmem_shared>> -> memref<1x640xf32, #tpu.memory_space<vmem_shared>>
      %dma_start3A_93 = tpu.memref_squeeze %dma_start3A_92 : memref<1x640xf32, #tpu.memory_space<vmem_shared>> -> memref<640xf32, #tpu.memory_space<vmem_shared>>
      %dma_start3A_94 = arith.constant 0 : i32
      %dma_start3A_95 = tpu.memref_slice %arg6[%run_scoped3A_63, %dma_start3A_94] : memref<16x640xf32, #tpu.memory_space<vmem>> -> memref<1x640xf32, #tpu.memory_space<vmem>>
      %dma_start3A_96 = tpu.memref_squeeze %dma_start3A_95 : memref<1x640xf32, #tpu.memory_space<vmem>> -> memref<640xf32, #tpu.memory_space<vmem>>
      %dma_start3A_97 = tpu.memref_slice %arg7[%run_scoped3A_62, %mul3A_61] : memref<16x10240xf32, #tpu.memory_space<vmem_shared>> -> memref<1x640xf32, #tpu.memory_space<vmem_shared>>
      %dma_start3A_98 = tpu.memref_squeeze %dma_start3A_97 : memref<1x640xf32, #tpu.memory_space<vmem_shared>> -> memref<640xf32, #tpu.memory_space<vmem_shared>>
      tpu.enqueue_dma source(%dma_start3A_98 : memref<640xf32, #tpu.memory_space<vmem_shared>>) target(%dma_start3A_96 : memref<640xf32, #tpu.memory_space<vmem>>) target_semaphore(%run_scoped3A_89 : memref<!tpu.dma_semaphore, #tpu.memory_space<semaphore_mem>>)
      %dma_wait3A = arith.constant 0 : i32
      %dma_wait3A_99 = tpu.memref_slice %arg6[%run_scoped3A_63, %dma_wait3A] : memref<16x640xf32, #tpu.memory_space<vmem>> -> memref<1x640xf32, #tpu.memory_space<vmem>>
      %dma_wait3A_100 = tpu.memref_squeeze %dma_wait3A_99 : memref<1x640xf32, #tpu.memory_space<vmem>> -> memref<640xf32, #tpu.memory_space<vmem>>
      %dma_wait3A_101 = tpu.memref_slice %arg7[%run_scoped3A_62, %mul3A_61] : memref<16x10240xf32, #tpu.memory_space<vmem_shared>> -> memref<1x640xf32, #tpu.memory_space<vmem_shared>>
      %dma_wait3A_102 = tpu.memref_squeeze %dma_wait3A_101 : memref<1x640xf32, #tpu.memory_space<vmem_shared>> -> memref<640xf32, #tpu.memory_space<vmem_shared>>
      %dma_wait3A_103 = arith.constant 0 : i32
      %dma_wait3A_104 = tpu.memref_slice %arg6[%run_scoped3A_63, %dma_wait3A_103] : memref<16x640xf32, #tpu.memory_space<vmem>> -> memref<1x640xf32, #tpu.memory_space<vmem>>
      %dma_wait3A_105 = tpu.memref_squeeze %dma_wait3A_104 : memref<1x640xf32, #tpu.memory_space<vmem>> -> memref<640xf32, #tpu.memory_space<vmem>>
      %dma_wait3A_106 = tpu.memref_slice %arg7[%run_scoped3A_62, %mul3A_61] : memref<16x10240xf32, #tpu.memory_space<vmem_shared>> -> memref<1x640xf32, #tpu.memory_space<vmem_shared>>
      %dma_wait3A_107 = tpu.memref_squeeze %dma_wait3A_106 : memref<1x640xf32, #tpu.memory_space<vmem_shared>> -> memref<640xf32, #tpu.memory_space<vmem_shared>>
      tpu.wait_dma2 semaphore(%run_scoped3A_89 : memref<!tpu.dma_semaphore, #tpu.memory_space<semaphore_mem>>) src(%dma_wait3A_107 : memref<640xf32, #tpu.memory_space<vmem_shared>>) dst(%dma_wait3A_105 : memref<640xf32, #tpu.memory_space<vmem>>)
      tpu.yield
    }) : () -> ()
    %mul3A_64 = arith.constant 640 : i32
    %mul3A_65 = arith.muli %arg1, %mul3A_64 : i32
    %run_scoped3A_66 = arith.constant 13 : i32
    %run_scoped3A_67 = arith.constant 13 : i32
    "tpu.region"() ({
      %run_scoped3A_89 = tpu.sem_alloc : memref<!tpu.dma_semaphore, #tpu.memory_space<semaphore_mem>>
      %dma_start3A = arith.constant 0 : i32
      %dma_start3A_90 = tpu.memref_slice %arg6[%run_scoped3A_67, %dma_start3A] : memref<16x640xf32, #tpu.memory_space<vmem>> -> memref<1x640xf32, #tpu.memory_space<vmem>>
      %dma_start3A_91 = tpu.memref_squeeze %dma_start3A_90 : memref<1x640xf32, #tpu.memory_space<vmem>> -> memref<640xf32, #tpu.memory_space<vmem>>
      %dma_start3A_92 = tpu.memref_slice %arg7[%run_scoped3A_66, %mul3A_65] : memref<16x10240xf32, #tpu.memory_space<vmem_shared>> -> memref<1x640xf32, #tpu.memory_space<vmem_shared>>
      %dma_start3A_93 = tpu.memref_squeeze %dma_start3A_92 : memref<1x640xf32, #tpu.memory_space<vmem_shared>> -> memref<640xf32, #tpu.memory_space<vmem_shared>>
      %dma_start3A_94 = arith.constant 0 : i32
      %dma_start3A_95 = tpu.memref_slice %arg6[%run_scoped3A_67, %dma_start3A_94] : memref<16x640xf32, #tpu.memory_space<vmem>> -> memref<1x640xf32, #tpu.memory_space<vmem>>
      %dma_start3A_96 = tpu.memref_squeeze %dma_start3A_95 : memref<1x640xf32, #tpu.memory_space<vmem>> -> memref<640xf32, #tpu.memory_space<vmem>>
      %dma_start3A_97 = tpu.memref_slice %arg7[%run_scoped3A_66, %mul3A_65] : memref<16x10240xf32, #tpu.memory_space<vmem_shared>> -> memref<1x640xf32, #tpu.memory_space<vmem_shared>>
      %dma_start3A_98 = tpu.memref_squeeze %dma_start3A_97 : memref<1x640xf32, #tpu.memory_space<vmem_shared>> -> memref<640xf32, #tpu.memory_space<vmem_shared>>
      tpu.enqueue_dma source(%dma_start3A_98 : memref<640xf32, #tpu.memory_space<vmem_shared>>) target(%dma_start3A_96 : memref<640xf32, #tpu.memory_space<vmem>>) target_semaphore(%run_scoped3A_89 : memref<!tpu.dma_semaphore, #tpu.memory_space<semaphore_mem>>)
      %dma_wait3A = arith.constant 0 : i32
      %dma_wait3A_99 = tpu.memref_slice %arg6[%run_scoped3A_67, %dma_wait3A] : memref<16x640xf32, #tpu.memory_space<vmem>> -> memref<1x640xf32, #tpu.memory_space<vmem>>
      %dma_wait3A_100 = tpu.memref_squeeze %dma_wait3A_99 : memref<1x640xf32, #tpu.memory_space<vmem>> -> memref<640xf32, #tpu.memory_space<vmem>>
      %dma_wait3A_101 = tpu.memref_slice %arg7[%run_scoped3A_66, %mul3A_65] : memref<16x10240xf32, #tpu.memory_space<vmem_shared>> -> memref<1x640xf32, #tpu.memory_space<vmem_shared>>
      %dma_wait3A_102 = tpu.memref_squeeze %dma_wait3A_101 : memref<1x640xf32, #tpu.memory_space<vmem_shared>> -> memref<640xf32, #tpu.memory_space<vmem_shared>>
      %dma_wait3A_103 = arith.constant 0 : i32
      %dma_wait3A_104 = tpu.memref_slice %arg6[%run_scoped3A_67, %dma_wait3A_103] : memref<16x640xf32, #tpu.memory_space<vmem>> -> memref<1x640xf32, #tpu.memory_space<vmem>>
      %dma_wait3A_105 = tpu.memref_squeeze %dma_wait3A_104 : memref<1x640xf32, #tpu.memory_space<vmem>> -> memref<640xf32, #tpu.memory_space<vmem>>
      %dma_wait3A_106 = tpu.memref_slice %arg7[%run_scoped3A_66, %mul3A_65] : memref<16x10240xf32, #tpu.memory_space<vmem_shared>> -> memref<1x640xf32, #tpu.memory_space<vmem_shared>>
      %dma_wait3A_107 = tpu.memref_squeeze %dma_wait3A_106 : memref<1x640xf32, #tpu.memory_space<vmem_shared>> -> memref<640xf32, #tpu.memory_space<vmem_shared>>
      tpu.wait_dma2 semaphore(%run_scoped3A_89 : memref<!tpu.dma_semaphore, #tpu.memory_space<semaphore_mem>>) src(%dma_wait3A_107 : memref<640xf32, #tpu.memory_space<vmem_shared>>) dst(%dma_wait3A_105 : memref<640xf32, #tpu.memory_space<vmem>>)
      tpu.yield
    }) : () -> ()
    %mul3A_68 = arith.constant 640 : i32
    %mul3A_69 = arith.muli %arg1, %mul3A_68 : i32
    %run_scoped3A_70 = arith.constant 14 : i32
    %run_scoped3A_71 = arith.constant 14 : i32
    "tpu.region"() ({
      %run_scoped3A_89 = tpu.sem_alloc : memref<!tpu.dma_semaphore, #tpu.memory_space<semaphore_mem>>
      %dma_start3A = arith.constant 0 : i32
      %dma_start3A_90 = tpu.memref_slice %arg6[%run_scoped3A_71, %dma_start3A] : memref<16x640xf32, #tpu.memory_space<vmem>> -> memref<1x640xf32, #tpu.memory_space<vmem>>
      %dma_start3A_91 = tpu.memref_squeeze %dma_start3A_90 : memref<1x640xf32, #tpu.memory_space<vmem>> -> memref<640xf32, #tpu.memory_space<vmem>>
      %dma_start3A_92 = tpu.memref_slice %arg7[%run_scoped3A_70, %mul3A_69] : memref<16x10240xf32, #tpu.memory_space<vmem_shared>> -> memref<1x640xf32, #tpu.memory_space<vmem_shared>>
      %dma_start3A_93 = tpu.memref_squeeze %dma_start3A_92 : memref<1x640xf32, #tpu.memory_space<vmem_shared>> -> memref<640xf32, #tpu.memory_space<vmem_shared>>
      %dma_start3A_94 = arith.constant 0 : i32
      %dma_start3A_95 = tpu.memref_slice %arg6[%run_scoped3A_71, %dma_start3A_94] : memref<16x640xf32, #tpu.memory_space<vmem>> -> memref<1x640xf32, #tpu.memory_space<vmem>>
      %dma_start3A_96 = tpu.memref_squeeze %dma_start3A_95 : memref<1x640xf32, #tpu.memory_space<vmem>> -> memref<640xf32, #tpu.memory_space<vmem>>
      %dma_start3A_97 = tpu.memref_slice %arg7[%run_scoped3A_70, %mul3A_69] : memref<16x10240xf32, #tpu.memory_space<vmem_shared>> -> memref<1x640xf32, #tpu.memory_space<vmem_shared>>
      %dma_start3A_98 = tpu.memref_squeeze %dma_start3A_97 : memref<1x640xf32, #tpu.memory_space<vmem_shared>> -> memref<640xf32, #tpu.memory_space<vmem_shared>>
      tpu.enqueue_dma source(%dma_start3A_98 : memref<640xf32, #tpu.memory_space<vmem_shared>>) target(%dma_start3A_96 : memref<640xf32, #tpu.memory_space<vmem>>) target_semaphore(%run_scoped3A_89 : memref<!tpu.dma_semaphore, #tpu.memory_space<semaphore_mem>>)
      %dma_wait3A = arith.constant 0 : i32
      %dma_wait3A_99 = tpu.memref_slice %arg6[%run_scoped3A_71, %dma_wait3A] : memref<16x640xf32, #tpu.memory_space<vmem>> -> memref<1x640xf32, #tpu.memory_space<vmem>>
      %dma_wait3A_100 = tpu.memref_squeeze %dma_wait3A_99 : memref<1x640xf32, #tpu.memory_space<vmem>> -> memref<640xf32, #tpu.memory_space<vmem>>
      %dma_wait3A_101 = tpu.memref_slice %arg7[%run_scoped3A_70, %mul3A_69] : memref<16x10240xf32, #tpu.memory_space<vmem_shared>> -> memref<1x640xf32, #tpu.memory_space<vmem_shared>>
      %dma_wait3A_102 = tpu.memref_squeeze %dma_wait3A_101 : memref<1x640xf32, #tpu.memory_space<vmem_shared>> -> memref<640xf32, #tpu.memory_space<vmem_shared>>
      %dma_wait3A_103 = arith.constant 0 : i32
      %dma_wait3A_104 = tpu.memref_slice %arg6[%run_scoped3A_71, %dma_wait3A_103] : memref<16x640xf32, #tpu.memory_space<vmem>> -> memref<1x640xf32, #tpu.memory_space<vmem>>
      %dma_wait3A_105 = tpu.memref_squeeze %dma_wait3A_104 : memref<1x640xf32, #tpu.memory_space<vmem>> -> memref<640xf32, #tpu.memory_space<vmem>>
      %dma_wait3A_106 = tpu.memref_slice %arg7[%run_scoped3A_70, %mul3A_69] : memref<16x10240xf32, #tpu.memory_space<vmem_shared>> -> memref<1x640xf32, #tpu.memory_space<vmem_shared>>
      %dma_wait3A_107 = tpu.memref_squeeze %dma_wait3A_106 : memref<1x640xf32, #tpu.memory_space<vmem_shared>> -> memref<640xf32, #tpu.memory_space<vmem_shared>>
      tpu.wait_dma2 semaphore(%run_scoped3A_89 : memref<!tpu.dma_semaphore, #tpu.memory_space<semaphore_mem>>) src(%dma_wait3A_107 : memref<640xf32, #tpu.memory_space<vmem_shared>>) dst(%dma_wait3A_105 : memref<640xf32, #tpu.memory_space<vmem>>)
      tpu.yield
    }) : () -> ()
    %mul3A_72 = arith.constant 640 : i32
    %mul3A_73 = arith.muli %arg1, %mul3A_72 : i32
    %run_scoped3A_74 = arith.constant 15 : i32
    %run_scoped3A_75 = arith.constant 15 : i32
    "tpu.region"() ({
      %run_scoped3A_89 = tpu.sem_alloc : memref<!tpu.dma_semaphore, #tpu.memory_space<semaphore_mem>>
      %dma_start3A = arith.constant 0 : i32
      %dma_start3A_90 = tpu.memref_slice %arg6[%run_scoped3A_75, %dma_start3A] : memref<16x640xf32, #tpu.memory_space<vmem>> -> memref<1x640xf32, #tpu.memory_space<vmem>>
      %dma_start3A_91 = tpu.memref_squeeze %dma_start3A_90 : memref<1x640xf32, #tpu.memory_space<vmem>> -> memref<640xf32, #tpu.memory_space<vmem>>
      %dma_start3A_92 = tpu.memref_slice %arg7[%run_scoped3A_74, %mul3A_73] : memref<16x10240xf32, #tpu.memory_space<vmem_shared>> -> memref<1x640xf32, #tpu.memory_space<vmem_shared>>
      %dma_start3A_93 = tpu.memref_squeeze %dma_start3A_92 : memref<1x640xf32, #tpu.memory_space<vmem_shared>> -> memref<640xf32, #tpu.memory_space<vmem_shared>>
      %dma_start3A_94 = arith.constant 0 : i32
      %dma_start3A_95 = tpu.memref_slice %arg6[%run_scoped3A_75, %dma_start3A_94] : memref<16x640xf32, #tpu.memory_space<vmem>> -> memref<1x640xf32, #tpu.memory_space<vmem>>
      %dma_start3A_96 = tpu.memref_squeeze %dma_start3A_95 : memref<1x640xf32, #tpu.memory_space<vmem>> -> memref<640xf32, #tpu.memory_space<vmem>>
      %dma_start3A_97 = tpu.memref_slice %arg7[%run_scoped3A_74, %mul3A_73] : memref<16x10240xf32, #tpu.memory_space<vmem_shared>> -> memref<1x640xf32, #tpu.memory_space<vmem_shared>>
      %dma_start3A_98 = tpu.memref_squeeze %dma_start3A_97 : memref<1x640xf32, #tpu.memory_space<vmem_shared>> -> memref<640xf32, #tpu.memory_space<vmem_shared>>
      tpu.enqueue_dma source(%dma_start3A_98 : memref<640xf32, #tpu.memory_space<vmem_shared>>) target(%dma_start3A_96 : memref<640xf32, #tpu.memory_space<vmem>>) target_semaphore(%run_scoped3A_89 : memref<!tpu.dma_semaphore, #tpu.memory_space<semaphore_mem>>)
      %dma_wait3A = arith.constant 0 : i32
      %dma_wait3A_99 = tpu.memref_slice %arg6[%run_scoped3A_75, %dma_wait3A] : memref<16x640xf32, #tpu.memory_space<vmem>> -> memref<1x640xf32, #tpu.memory_space<vmem>>
      %dma_wait3A_100 = tpu.memref_squeeze %dma_wait3A_99 : memref<1x640xf32, #tpu.memory_space<vmem>> -> memref<640xf32, #tpu.memory_space<vmem>>
      %dma_wait3A_101 = tpu.memref_slice %arg7[%run_scoped3A_74, %mul3A_73] : memref<16x10240xf32, #tpu.memory_space<vmem_shared>> -> memref<1x640xf32, #tpu.memory_space<vmem_shared>>
      %dma_wait3A_102 = tpu.memref_squeeze %dma_wait3A_101 : memref<1x640xf32, #tpu.memory_space<vmem_shared>> -> memref<640xf32, #tpu.memory_space<vmem_shared>>
      %dma_wait3A_103 = arith.constant 0 : i32
      %dma_wait3A_104 = tpu.memref_slice %arg6[%run_scoped3A_75, %dma_wait3A_103] : memref<16x640xf32, #tpu.memory_space<vmem>> -> memref<1x640xf32, #tpu.memory_space<vmem>>
      %dma_wait3A_105 = tpu.memref_squeeze %dma_wait3A_104 : memref<1x640xf32, #tpu.memory_space<vmem>> -> memref<640xf32, #tpu.memory_space<vmem>>
      %dma_wait3A_106 = tpu.memref_slice %arg7[%run_scoped3A_74, %mul3A_73] : memref<16x10240xf32, #tpu.memory_space<vmem_shared>> -> memref<1x640xf32, #tpu.memory_space<vmem_shared>>
      %dma_wait3A_107 = tpu.memref_squeeze %dma_wait3A_106 : memref<1x640xf32, #tpu.memory_space<vmem_shared>> -> memref<640xf32, #tpu.memory_space<vmem_shared>>
      tpu.wait_dma2 semaphore(%run_scoped3A_89 : memref<!tpu.dma_semaphore, #tpu.memory_space<semaphore_mem>>) src(%dma_wait3A_107 : memref<640xf32, #tpu.memory_space<vmem_shared>>) dst(%dma_wait3A_105 : memref<640xf32, #tpu.memory_space<vmem>>)
      tpu.yield
    }) : () -> ()
    %scan3A_76 = arith.constant 0 : i32
    %scan3A_77 = arith.constant 0 : i32
    %scan3A_78 = arith.constant 40 : i32
    %scan3A_79 = arith.addi %scan3A_77, %scan3A_78 : i32
    %scan3A_80 = arith.constant 1 : i32
    %scan3A_81 = scf.for %scan3A_89 = %scan3A_77 to %scan3A_79 step %scan3A_80 iter_args(%scan3A_90 = %scan3A_76) -> (i32)  : i32 {
      %mul3A_91 = arith.constant 16 : i32
      %mul3A_92 = arith.muli %scan3A_89, %mul3A_91 : i32
      %get3A = arith.constant 0 : i32
      %get3A_93 = arith.index_cast %get3A : i32 to index
      %get3A_94 = arith.index_cast %mul3A_92 : i32 to index
      %get3A_95 = tpu.vector_load %arg6[%get3A_93, %get3A_94] {strides = array<i32>} : memref<16x640xf32, #tpu.memory_space<vmem>>, vector<16xf32>,
      %mul3A_96 = arith.constant 16 : i32
      %mul3A_97 = arith.muli %scan3A_89, %mul3A_96 : i32
      %get3A_98 = arith.constant 1 : i32
      %get3A_99 = arith.index_cast %get3A_98 : i32 to index
      %get3A_100 = arith.index_cast %mul3A_97 : i32 to index
      %get3A_101 = tpu.vector_load %arg6[%get3A_99, %get3A_100] {strides = array<i32>} : memref<16x640xf32, #tpu.memory_space<vmem>>, vector<16xf32>,
      %add3A = arith.addf %get3A_95, %get3A_101 : vector<16xf32>
      %mul3A_102 = arith.constant 16 : i32
      %mul3A_103 = arith.muli %scan3A_89, %mul3A_102 : i32
      %get3A_104 = arith.constant 2 : i32
      %get3A_105 = arith.index_cast %get3A_104 : i32 to index
      %get3A_106 = arith.index_cast %mul3A_103 : i32 to index
      %get3A_107 = tpu.vector_load %arg6[%get3A_105, %get3A_106] {strides = array<i32>} : memref<16x640xf32, #tpu.memory_space<vmem>>, vector<16xf32>,
      %add3A_108 = arith.addf %add3A, %get3A_107 : vector<16xf32>
      %mul3A_109 = arith.constant 16 : i32
      %mul3A_110 = arith.muli %scan3A_89, %mul3A_109 : i32
      %get3A_111 = arith.constant 3 : i32
      %get3A_112 = arith.index_cast %get3A_111 : i32 to index
      %get3A_113 = arith.index_cast %mul3A_110 : i32 to index
      %get3A_114 = tpu.vector_load %arg6[%get3A_112, %get3A_113] {strides = array<i32>} : memref<16x640xf32, #tpu.memory_space<vmem>>, vector<16xf32>,
      %add3A_115 = arith.addf %add3A_108, %get3A_114 : vector<16xf32>
      %mul3A_116 = arith.constant 16 : i32
      %mul3A_117 = arith.muli %scan3A_89, %mul3A_116 : i32
      %get3A_118 = arith.constant 4 : i32
      %get3A_119 = arith.index_cast %get3A_118 : i32 to index
      %get3A_120 = arith.index_cast %mul3A_117 : i32 to index
      %get3A_121 = tpu.vector_load %arg6[%get3A_119, %get3A_120] {strides = array<i32>} : memref<16x640xf32, #tpu.memory_space<vmem>>, vector<16xf32>,
      %add3A_122 = arith.addf %add3A_115, %get3A_121 : vector<16xf32>
      %mul3A_123 = arith.constant 16 : i32
      %mul3A_124 = arith.muli %scan3A_89, %mul3A_123 : i32
      %get3A_125 = arith.constant 5 : i32
      %get3A_126 = arith.index_cast %get3A_125 : i32 to index
      %get3A_127 = arith.index_cast %mul3A_124 : i32 to index
      %get3A_128 = tpu.vector_load %arg6[%get3A_126, %get3A_127] {strides = array<i32>} : memref<16x640xf32, #tpu.memory_space<vmem>>, vector<16xf32>,
      %add3A_129 = arith.addf %add3A_122, %get3A_128 : vector<16xf32>
      %mul3A_130 = arith.constant 16 : i32
      %mul3A_131 = arith.muli %scan3A_89, %mul3A_130 : i32
      %get3A_132 = arith.constant 6 : i32
      %get3A_133 = arith.index_cast %get3A_132 : i32 to index
      %get3A_134 = arith.index_cast %mul3A_131 : i32 to index
      %get3A_135 = tpu.vector_load %arg6[%get3A_133, %get3A_134] {strides = array<i32>} : memref<16x640xf32, #tpu.memory_space<vmem>>, vector<16xf32>,
      %add3A_136 = arith.addf %add3A_129, %get3A_135 : vector<16xf32>
      %mul3A_137 = arith.constant 16 : i32
      %mul3A_138 = arith.muli %scan3A_89, %mul3A_137 : i32
      %get3A_139 = arith.constant 7 : i32
      %get3A_140 = arith.index_cast %get3A_139 : i32 to index
      %get3A_141 = arith.index_cast %mul3A_138 : i32 to index
      %get3A_142 = tpu.vector_load %arg6[%get3A_140, %get3A_141] {strides = array<i32>} : memref<16x640xf32, #tpu.memory_space<vmem>>, vector<16xf32>,
      %add3A_143 = arith.addf %add3A_136, %get3A_142 : vector<16xf32>
      %mul3A_144 = arith.constant 16 : i32
      %mul3A_145 = arith.muli %scan3A_89, %mul3A_144 : i32
      %get3A_146 = arith.constant 8 : i32
      %get3A_147 = arith.index_cast %get3A_146 : i32 to index
      %get3A_148 = arith.index_cast %mul3A_145 : i32 to index
      %get3A_149 = tpu.vector_load %arg6[%get3A_147, %get3A_148] {strides = array<i32>} : memref<16x640xf32, #tpu.memory_space<vmem>>, vector<16xf32>,
      %add3A_150 = arith.addf %add3A_143, %get3A_149 : vector<16xf32>
      %mul3A_151 = arith.constant 16 : i32
      %mul3A_152 = arith.muli %scan3A_89, %mul3A_151 : i32
      %get3A_153 = arith.constant 9 : i32
      %get3A_154 = arith.index_cast %get3A_153 : i32 to index
      %get3A_155 = arith.index_cast %mul3A_152 : i32 to index
      %get3A_156 = tpu.vector_load %arg6[%get3A_154, %get3A_155] {strides = array<i32>} : memref<16x640xf32, #tpu.memory_space<vmem>>, vector<16xf32>,
      %add3A_157 = arith.addf %add3A_150, %get3A_156 : vector<16xf32>
      %mul3A_158 = arith.constant 16 : i32
      %mul3A_159 = arith.muli %scan3A_89, %mul3A_158 : i32
      %get3A_160 = arith.constant 10 : i32
      %get3A_161 = arith.index_cast %get3A_160 : i32 to index
      %get3A_162 = arith.index_cast %mul3A_159 : i32 to index
      %get3A_163 = tpu.vector_load %arg6[%get3A_161, %get3A_162] {strides = array<i32>} : memref<16x640xf32, #tpu.memory_space<vmem>>, vector<16xf32>,
      %add3A_164 = arith.addf %add3A_157, %get3A_163 : vector<16xf32>
      %mul3A_165 = arith.constant 16 : i32
      %mul3A_166 = arith.muli %scan3A_89, %mul3A_165 : i32
      %get3A_167 = arith.constant 11 : i32
      %get3A_168 = arith.index_cast %get3A_167 : i32 to index
      %get3A_169 = arith.index_cast %mul3A_166 : i32 to index
      %get3A_170 = tpu.vector_load %arg6[%get3A_168, %get3A_169] {strides = array<i32>} : memref<16x640xf32, #tpu.memory_space<vmem>>, vector<16xf32>,
      %add3A_171 = arith.addf %add3A_164, %get3A_170 : vector<16xf32>
      %mul3A_172 = arith.constant 16 : i32
      %mul3A_173 = arith.muli %scan3A_89, %mul3A_172 : i32
      %get3A_174 = arith.constant 12 : i32
      %get3A_175 = arith.index_cast %get3A_174 : i32 to index
      %get3A_176 = arith.index_cast %mul3A_173 : i32 to index
      %get3A_177 = tpu.vector_load %arg6[%get3A_175, %get3A_176] {strides = array<i32>} : memref<16x640xf32, #tpu.memory_space<vmem>>, vector<16xf32>,
      %add3A_178 = arith.addf %add3A_171, %get3A_177 : vector<16xf32>
      %mul3A_179 = arith.constant 16 : i32
      %mul3A_180 = arith.muli %scan3A_89, %mul3A_179 : i32
      %get3A_181 = arith.constant 13 : i32
      %get3A_182 = arith.index_cast %get3A_181 : i32 to index
      %get3A_183 = arith.index_cast %mul3A_180 : i32 to index
      %get3A_184 = tpu.vector_load %arg6[%get3A_182, %get3A_183] {strides = array<i32>} : memref<16x640xf32, #tpu.memory_space<vmem>>, vector<16xf32>,
      %add3A_185 = arith.addf %add3A_178, %get3A_184 : vector<16xf32>
      %mul3A_186 = arith.constant 16 : i32
      %mul3A_187 = arith.muli %scan3A_89, %mul3A_186 : i32
      %get3A_188 = arith.constant 14 : i32
      %get3A_189 = arith.index_cast %get3A_188 : i32 to index
      %get3A_190 = arith.index_cast %mul3A_187 : i32 to index
      %get3A_191 = tpu.vector_load %arg6[%get3A_189, %get3A_190] {strides = array<i32>} : memref<16x640xf32, #tpu.memory_space<vmem>>, vector<16xf32>,
      %add3A_192 = arith.addf %add3A_185, %get3A_191 : vector<16xf32>
      %mul3A_193 = arith.constant 16 : i32
      %mul3A_194 = arith.muli %scan3A_89, %mul3A_193 : i32
      %get3A_195 = arith.constant 15 : i32
      %get3A_196 = arith.index_cast %get3A_195 : i32 to index
      %get3A_197 = arith.index_cast %mul3A_194 : i32 to index
      %get3A_198 = tpu.vector_load %arg6[%get3A_196, %get3A_197] {strides = array<i32>} : memref<16x640xf32, #tpu.memory_space<vmem>>, vector<16xf32>,
      %add3A_199 = arith.addf %add3A_192, %get3A_198 : vector<16xf32>
      %mul3A_200 = arith.constant 16 : i32
      %mul3A_201 = arith.muli %scan3A_89, %mul3A_200 : i32
      %swap3A = arith.index_cast %mul3A_201 : i32 to index
      %swap3A_202 = tpu.vector_load %arg5[%swap3A] {strides = array<i32>} : memref<10240xf32, #tpu.memory_space<vmem>>, vector<16xf32>,
      tpu.vector_store %arg5[%swap3A], %add3A_199 {strides = array<i32>} : memref<10240xf32, #tpu.memory_space<vmem>>, vector<16xf32>,
      %scan3A_203 = arith.constant 0 : i32
      scf.yield %scan3A_203 : i32
    }
    %scan3A_82 = arith.constant 40 : i32
    %lt3A = arith.constant 15 : i32
    %lt3A_83 = arith.cmpi slt, %arg1, %lt3A : i32
    %convert_element_type3A = arith.extui %lt3A_83 : i1 to i32
    %cond3A = arith.constant 0 : i32
    %cond3A_84 = arith.cmpi ne, %convert_element_type3A, %cond3A : i32
    scf.if %cond3A_84 {
      %mul3A_89 = arith.constant 10000 : i32
      %mul3A_90 = arith.muli %arg0, %mul3A_89 : i32
      %mul3A_91 = arith.constant 640 : i32
      %mul3A_92 = arith.muli %arg1, %mul3A_91 : i32
      %add3A = arith.addi %mul3A_90, %mul3A_92 : i32
      "tpu.region"() ({
        %run_scoped3A_93 = tpu.sem_alloc : memref<!tpu.dma_semaphore, #tpu.memory_space<semaphore_mem>>
        %dma_start3A = arith.constant 0 : i32
        %dma_start3A_94 = tpu.memref_slice %arg5[%dma_start3A] : memref<10240xf32, #tpu.memory_space<vmem>> -> memref<640xf32, #tpu.memory_space<vmem>>
        %dma_start3A_95 = tpu.memref_slice %arg3[%add3A] : memref<20000xf32, #tpu.memory_space<hbm>> -> memref<640xf32, #tpu.memory_space<hbm>>
        %dma_start3A_96 = tpu.memref_slice %arg3[%add3A] : memref<20000xf32, #tpu.memory_space<hbm>> -> memref<640xf32, #tpu.memory_space<hbm>>
        %dma_start3A_97 = arith.constant 0 : i32
        %dma_start3A_98 = tpu.memref_slice %arg5[%dma_start3A_97] : memref<10240xf32, #tpu.memory_space<vmem>> -> memref<640xf32, #tpu.memory_space<vmem>>
        tpu.enqueue_dma source(%dma_start3A_98 : memref<640xf32, #tpu.memory_space<vmem>>) target(%dma_start3A_96 : memref<640xf32, #tpu.memory_space<hbm>>) target_semaphore(%run_scoped3A_93 : memref<!tpu.dma_semaphore, #tpu.memory_space<semaphore_mem>>)
        %dma_wait3A = arith.constant 0 : i32
        %dma_wait3A_99 = tpu.memref_slice %arg5[%dma_wait3A] : memref<10240xf32, #tpu.memory_space<vmem>> -> memref<640xf32, #tpu.memory_space<vmem>>
        %dma_wait3A_100 = tpu.memref_slice %arg3[%add3A] : memref<20000xf32, #tpu.memory_space<hbm>> -> memref<640xf32, #tpu.memory_space<hbm>>
        %dma_wait3A_101 = tpu.memref_slice %arg3[%add3A] : memref<20000xf32, #tpu.memory_space<hbm>> -> memref<640xf32, #tpu.memory_space<hbm>>
        %dma_wait3A_102 = arith.constant 0 : i32
        %dma_wait3A_103 = tpu.memref_slice %arg5[%dma_wait3A_102] : memref<10240xf32, #tpu.memory_space<vmem>> -> memref<640xf32, #tpu.memory_space<vmem>>
        tpu.wait_dma2 semaphore(%run_scoped3A_93 : memref<!tpu.dma_semaphore, #tpu.memory_space<semaphore_mem>>) src(%dma_wait3A_103 : memref<640xf32, #tpu.memory_space<vmem>>) dst(%dma_wait3A_101 : memref<640xf32, #tpu.memory_space<hbm>>)
        tpu.yield
      }) : () -> ()
    } else {
    }
    %eq3A = arith.constant 15 : i32
    %eq3A_85 = arith.cmpi eq, %arg1, %eq3A : i32
    %convert_element_type3A_86 = arith.extui %eq3A_85 : i1 to i32
    %cond3A_87 = arith.constant 0 : i32
    %cond3A_88 = arith.cmpi ne, %convert_element_type3A_86, %cond3A_87 : i32
    scf.if %cond3A_88 {
      %mul3A_89 = arith.constant 10000 : i32
      %mul3A_90 = arith.muli %arg0, %mul3A_89 : i32
      %add3A = arith.constant 9600 : i32
      %add3A_91 = arith.addi %mul3A_90, %add3A : i32
      "tpu.region"() ({
        %run_scoped3A_92 = tpu.sem_alloc : memref<!tpu.dma_semaphore, #tpu.memory_space<semaphore_mem>>
        %dma_start3A = arith.constant 0 : i32
        %dma_start3A_93 = tpu.memref_slice %arg5[%dma_start3A] : memref<10240xf32, #tpu.memory_space<vmem>> -> memref<400xf32, #tpu.memory_space<vmem>>
        %dma_start3A_94 = tpu.memref_slice %arg3[%add3A_91] : memref<20000xf32, #tpu.memory_space<hbm>> -> memref<400xf32, #tpu.memory_space<hbm>>
        %dma_start3A_95 = tpu.memref_slice %arg3[%add3A_91] : memref<20000xf32, #tpu.memory_space<hbm>> -> memref<400xf32, #tpu.memory_space<hbm>>
        %dma_start3A_96 = arith.constant 0 : i32
        %dma_start3A_97 = tpu.memref_slice %arg5[%dma_start3A_96] : memref<10240xf32, #tpu.memory_space<vmem>> -> memref<400xf32, #tpu.memory_space<vmem>>
        tpu.enqueue_dma source(%dma_start3A_97 : memref<400xf32, #tpu.memory_space<vmem>>) target(%dma_start3A_95 : memref<400xf32, #tpu.memory_space<hbm>>) target_semaphore(%run_scoped3A_92 : memref<!tpu.dma_semaphore, #tpu.memory_space<semaphore_mem>>)
        %dma_wait3A = arith.constant 0 : i32
        %dma_wait3A_98 = tpu.memref_slice %arg5[%dma_wait3A] : memref<10240xf32, #tpu.memory_space<vmem>> -> memref<400xf32, #tpu.memory_space<vmem>>
        %dma_wait3A_99 = tpu.memref_slice %arg3[%add3A_91] : memref<20000xf32, #tpu.memory_space<hbm>> -> memref<400xf32, #tpu.memory_space<hbm>>
        %dma_wait3A_100 = tpu.memref_slice %arg3[%add3A_91] : memref<20000xf32, #tpu.memory_space<hbm>> -> memref<400xf32, #tpu.memory_space<hbm>>
        %dma_wait3A_101 = arith.constant 0 : i32
        %dma_wait3A_102 = tpu.memref_slice %arg5[%dma_wait3A_101] : memref<10240xf32, #tpu.memory_space<vmem>> -> memref<400xf32, #tpu.memory_space<vmem>>
        tpu.wait_dma2 semaphore(%run_scoped3A_92 : memref<!tpu.dma_semaphore, #tpu.memory_space<semaphore_mem>>) src(%dma_wait3A_102 : memref<400xf32, #tpu.memory_space<vmem>>) dst(%dma_wait3A_100 : memref<400xf32, #tpu.memory_space<hbm>>)
        tpu.yield
      }) : () -> ()
    } else {
    }
    return
  }
}

module attributes {stable_mosaic.version = 14 : i64} {
  func.func @body(%arg0: i32, %arg1: memref<1000x256xf32, #tpu.memory_space<vmem>>, %arg2: memref<256x256xf32, #tpu.memory_space<vmem>>, %arg3: memref<1000x1xf32, #tpu.memory_space<vmem>>, %arg4: memref<1000x1xf32, #tpu.memory_space<vmem>>, %arg5: memref<1000x256xf32, #tpu.memory_space<vmem>>, %arg6: memref<1000x1xf32, #tpu.memory_space<vmem>>) attributes {dimension_semantics = [#tpu.dimension_semantics<arbitrary>], iteration_bounds = array<i64: 10>, scalar_prefetch = 0 : i64, scratch_operands = 0 : i64, tpu.core_type = #tpu.core_type<tc>, window_params = [{transform_indices = @transform_0, window_bounds = array<i64: 1000, 256>}, {pipeline_mode = #tpu.pipeline_mode<synchronous>, transform_indices = @transform_1, window_bounds = array<i64: 256, 256>}, {transform_indices = @transform_2, window_bounds = array<i64: 1000, 1>}, {transform_indices = @transform_3, window_bounds = array<i64: 1000, 1>}, {transform_indices = @transform_4, window_bounds = array<i64: 1000, 256>}, {transform_indices = @transform_5, window_bounds = array<i64: 1000, 1>}]} {
    %get3A = arith.constant 0 : index
    %get3A_0 = arith.constant 0 : index
    %get3A_1 = vector.load %arg1[%get3A, %get3A_0] : memref<1000x256xf32, #tpu.memory_space<vmem>>, vector<1000x256xf32>
    %get3A_2 = arith.constant 0 : index
    %get3A_3 = arith.constant 0 : index
    %get3A_4 = vector.load %arg2[%get3A_2, %get3A_3] : memref<256x256xf32, #tpu.memory_space<vmem>>, vector<256x256xf32>
    %dot_general3A = arith.constant dense<0.000000e+00> : vector<1000x256xf32>
    %dot_general3A_5 = tpu.matmul %get3A_1, %get3A_4, %dot_general3A {dimension_numbers = #tpu.dot_dimension_numbers<[1], [0], [0], [1], [0, 0, 1, 1], [], []>, transpose_lhs_hint = false} : vector<1000x256xf32>, vector<256x256xf32>, vector<1000x256xf32> -> vector<1000x256xf32>
    %get3A_6 = arith.constant 0 : index
    %get3A_7 = arith.constant 0 : index
    %get3A_8 = vector.load %arg3[%get3A_6, %get3A_7] : memref<1000x1xf32, #tpu.memory_space<vmem>>, vector<1000x1xf32>
    %get3A_9 = arith.constant 0 : index
    %get3A_10 = arith.constant 0 : index
    %get3A_11 = vector.load %arg4[%get3A_9, %get3A_10] : memref<1000x1xf32, #tpu.memory_space<vmem>>, vector<1000x1xf32>
    %add3A = arith.addf %get3A_8, %get3A_11 : vector<1000x1xf32>
    %add3A_12 = arith.constant 1.000000e+00 : f32
    %add3A_13 = vector.broadcast %add3A_12 : f32 to vector<1000x1xf32>
    %add3A_14 = arith.addf %add3A, %add3A_13 : vector<1000x1xf32>
    %rsqrt3A = math.rsqrt %add3A_14 : vector<1000x1xf32>
    %mul3A = vector.broadcast %rsqrt3A : vector<1000x1xf32> to vector<1000x256xf32>
    %mul3A_15 = arith.mulf %dot_general3A_5, %mul3A : vector<1000x256xf32>
    %swap3A = arith.constant 0 : index
    %swap3A_16 = arith.constant 0 : index
    %swap3A_17 = vector.load %arg5[%swap3A, %swap3A_16] : memref<1000x256xf32, #tpu.memory_space<vmem>>, vector<1000x256xf32>
    tpu.vector_store %arg5[%swap3A, %swap3A_16], %mul3A_15 {strides = array<i32>} : memref<1000x256xf32, #tpu.memory_space<vmem>>, vector<1000x256xf32>,
    %swap3A_18 = arith.constant 0 : index
    %swap3A_19 = arith.constant 0 : index
    %swap3A_20 = vector.load %arg6[%swap3A_18, %swap3A_19] : memref<1000x1xf32, #tpu.memory_space<vmem>>, vector<1000x1xf32>
    tpu.vector_store %arg6[%swap3A_18, %swap3A_19], %rsqrt3A {strides = array<i32>} : memref<1000x1xf32, #tpu.memory_space<vmem>>, vector<1000x1xf32>,
    return
  }
  func.func @transform_0(%arg0: i32) -> (i32, i32) {
    %c0_i32 = arith.constant 0 : i32
    %c0_i32_0 = arith.constant 0 : i32
    return %arg0, %c0_i32 : i32, i32
  }
  func.func @transform_1(%arg0: i32) -> (i32, i32) {
    %c0_i32 = arith.constant 0 : i32
    %c0_i32_0 = arith.constant 0 : i32
    %c0_i32_1 = arith.constant 0 : i32
    return %c0_i32, %c0_i32_0 : i32, i32
  }
  func.func @transform_2(%arg0: i32) -> (i32, i32) {
    %c0_i32 = arith.constant 0 : i32
    %c0_i32_0 = arith.constant 0 : i32
    return %arg0, %c0_i32 : i32, i32
  }
  func.func @transform_3(%arg0: i32) -> (i32, i32) {
    %add3A = arith.constant 10 : i32
    %add3A_0 = arith.addi %arg0, %add3A : i32
    %c0_i32 = arith.constant 0 : i32
    %c0_i32_1 = arith.constant 0 : i32
    return %add3A_0, %c0_i32 : i32, i32
  }
  func.func @transform_4(%arg0: i32) -> (i32, i32) {
    %c0_i32 = arith.constant 0 : i32
    %c0_i32_0 = arith.constant 0 : i32
    return %arg0, %c0_i32 : i32, i32
  }
  func.func @transform_5(%arg0: i32) -> (i32, i32) {
    %c0_i32 = arith.constant 0 : i32
    %c0_i32_0 = arith.constant 0 : i32
    return %arg0, %c0_i32 : i32, i32
  }
}

module attributes {stable_mosaic.version = 14 : i64} {
  func.func @body(%arg0: i32, %arg1: memref<1000x256xf32, #tpu.memory_space<vmem>>, %arg2: memref<1000x256xf32, #tpu.memory_space<vmem>>, %arg3: memref<1000x1xf32, #tpu.memory_space<vmem>>, %arg4: memref<1x256xf32, #tpu.memory_space<vmem>>, %arg5: memref<1000x256xf32, #tpu.memory_space<vmem>>) attributes {dimension_semantics = [#tpu.dimension_semantics<arbitrary>], iteration_bounds = array<i64: 10>, scalar_prefetch = 0 : i64, scratch_operands = 0 : i64, tpu.core_type = #tpu.core_type<tc>, window_params = [{transform_indices = @transform_0, window_bounds = array<i64: 1000, 256>}, {transform_indices = @transform_1, window_bounds = array<i64: 1000, 256>}, {transform_indices = @transform_2, window_bounds = array<i64: 1000, 1>}, {pipeline_mode = #tpu.pipeline_mode<synchronous>, transform_indices = @transform_3, window_bounds = array<i64: 1, 256>}, {transform_indices = @transform_4, window_bounds = array<i64: 1000, 256>}]} {
    %get3A = arith.constant 0 : index
    %get3A_0 = arith.constant 0 : index
    %get3A_1 = vector.load %arg3[%get3A, %get3A_0] : memref<1000x1xf32, #tpu.memory_space<vmem>>, vector<1000x1xf32>
    %get3A_2 = arith.constant 0 : index
    %get3A_3 = arith.constant 0 : index
    %get3A_4 = vector.load %arg1[%get3A_2, %get3A_3] : memref<1000x256xf32, #tpu.memory_space<vmem>>, vector<1000x256xf32>
    %get3A_5 = arith.constant 0 : index
    %get3A_6 = arith.constant 0 : index
    %get3A_7 = vector.load %arg2[%get3A_5, %get3A_6] : memref<1000x256xf32, #tpu.memory_space<vmem>>, vector<1000x256xf32>
    %add3A = arith.addf %get3A_4, %get3A_7 : vector<1000x256xf32>
    %mul3A = vector.broadcast %get3A_1 : vector<1000x1xf32> to vector<1000x256xf32>
    %mul3A_8 = arith.mulf %mul3A, %add3A : vector<1000x256xf32>
    %get3A_9 = arith.constant 0 : index
    %get3A_10 = arith.constant 0 : index
    %get3A_11 = vector.load %arg4[%get3A_9, %get3A_10] : memref<1x256xf32, #tpu.memory_space<vmem>>, vector<1x256xf32>
    %add3A_12 = vector.broadcast %get3A_11 : vector<1x256xf32> to vector<1000x256xf32>
    %add3A_13 = arith.addf %mul3A_8, %add3A_12 : vector<1000x256xf32>
    %swap3A = arith.constant 0 : index
    %swap3A_14 = arith.constant 0 : index
    %swap3A_15 = vector.load %arg5[%swap3A, %swap3A_14] : memref<1000x256xf32, #tpu.memory_space<vmem>>, vector<1000x256xf32>
    tpu.vector_store %arg5[%swap3A, %swap3A_14], %add3A_13 {strides = array<i32>} : memref<1000x256xf32, #tpu.memory_space<vmem>>, vector<1000x256xf32>,
    return
  }
  func.func @transform_0(%arg0: i32) -> (i32, i32) {
    %c0_i32 = arith.constant 0 : i32
    %c0_i32_0 = arith.constant 0 : i32
    return %arg0, %c0_i32 : i32, i32
  }
  func.func @transform_1(%arg0: i32) -> (i32, i32) {
    %c0_i32 = arith.constant 0 : i32
    %c0_i32_0 = arith.constant 0 : i32
    return %arg0, %c0_i32 : i32, i32
  }
  func.func @transform_2(%arg0: i32) -> (i32, i32) {
    %c0_i32 = arith.constant 0 : i32
    %c0_i32_0 = arith.constant 0 : i32
    return %arg0, %c0_i32 : i32, i32
  }
  func.func @transform_3(%arg0: i32) -> (i32, i32) {
    %c0_i32 = arith.constant 0 : i32
    %c0_i32_0 = arith.constant 0 : i32
    %c0_i32_1 = arith.constant 0 : i32
    return %c0_i32, %c0_i32_0 : i32, i32
  }
  func.func @transform_4(%arg0: i32) -> (i32, i32) {
    %c0_i32 = arith.constant 0 : i32
    %c0_i32_0 = arith.constant 0 : i32
    return %arg0, %c0_i32 : i32, i32
  }
}

</mosaic_0001>

<sc_bundles>
// kernel: kernel.6.cloned.1.call-start
scs
__scs_entry_jumppad:
0x0: {  	(pc) =	sbr.rel $0x88, $3  }
0x1: {  	(tag) =	ssettag $0x0;
	lr =	simm.s32 $0x1  }
0x2: {  	[smem:$0x3F9D] =	sst lr;
	_ =	strace $0xD0000000  }
0x3: {  	_ = 	snop  }
0x4: {  	_ = 	snop  }
0x5: {  	_ = 	snop  }
0x6: {  	_ = 	snop  }
0x7: {  	_ = 	snop  }
__scs_overlays_trampoline_lowered:
0x8: {  	[smem:$0x3FAC] =	sst s0  }
0x9: {  	[smem:$0x3FAD] =	sst s1  }
0xa: {  	[smem:$0x3FAE] =	sst s2  }
0xb: {  	[smem:$0x3FAF] =	sst s3  }
0xc: {  	[smem:$0x3FB0] =	sst s4  }
0xd: {  	[smem:$0x3FB1] =	sst s5  }
0xe: {  	[smem:$0x3FB2] =	sst s6  }
0xf: {  	[smem:$0x3FB3] =	sst s7  }
0x10: {  	[smem:$0x3FB4] =	sst s8  }
0x11: {  	[smem:$0x3FB5] =	sst s9;
	s0 =	simm.s32 @!p0 $0x0  }
0x12: {  	s1 =	sld [smem:$0x3F9B];
	s0 =	simm.s32 @p0 $0x1  }
0x13: {  	[smem:$0x3FB6] =	sst s0;
	s0 =	simm.s32 @!p1 $0x0  }
0x14: {  	s2 =	sld [smem:$0x3F9A];
	s0 =	simm.s32 @p1 $0x1  }
0x15: {  	[smem:$0x3FB7] =	sst s0;
	s0 =	simm.s32 @!p2 $0x0  }
0x16: {  	s3 =	sld [smem:$0x3FDB];
	s0 =	simm.s32 @p2 $0x1  }
0x17: {  	s4 =	simm.s32 $0x1BF5;
	[smem:$0x3FB9] =	sst s0  }
0x18: {  	s0 =	sld [smem:$0x3F9C];
	_ =	swait.ge [sflag:s4], $0x0  }
0x19: {  	s7 =	sld [smem:$0x3F9D]  }
0x1a: {  	s8 =	sadd.s32 $0xFFFFE003, lr  }
0x1b: {  	s9 =	sadd.s32 $0xFFFFFEF7, lr;
	s5 =	simm.s32 $0xFFFFFFFF;
	p2 =	slt.u32 s8, $0xFFFFF086  }
0x1c: {  	p1 =	slt.u32 s9, $0xF7A;
	s5 =	simm.s32 @!p2 $0x0  }
0x1d: {  	s5 =	simm.s32 @p1 $0x1;
	p0 =	seq.s32 s7, s2  }
0x1e: {  	s7 =	smul.u32 @!p0 $0xF7A, s2;
	p2 =	seq.s32 @!p0 s5, $0x0  }
0x1f: {  	s9 =	smul.u32 $0xF7A, s1;
	s8 =	simm.s32 @!p0 $0x1BF5;
	p2 =	por !p2, p0  }
0x20: {  	[sflag:s8] =	ssyncset.s32 @!p0 $0xFFFFF086;
	s6 =	sadd.s32 @!p0 s3, s7;
	s7 =	simm.s32 @!p0 $0x108  }
0x21: {  	s3 =	sadd.s32 s3, s9;
	s6 =	sadd.s32 @!p0 $0x88, s6;
	s7 =	simm.s32 @p2 $0x1082  }
0x22: {  	[simem:s7], [sflag:s8] =	dma.local @!p0 [hbm:s6], $0xF7A  }
0x23: {  	s9 =	sor.u32 $0xD0000000, s2;
	s6 =	simm.s32 $0x108;
	_ =	swait.ge @!p0 [sflag:s8], $0x0  }
0x24: {  	s3 =	sadd.s32 $0x88, s3;
	s6 =	simm.s32 @!p1 $0x1082;
	[sflag:s4] =	ssyncset.s32 $0xFFFFF086  }
0x25: {  	[simem:s6], [sflag:s4] =	dma.local [hbm:s3], $0xF7A  }
0x26: {  	[smem:$0x3F9D] =	sst s1;
	(tag) =	ssettag s2;
	_ =	strace s9  }
0x27: {  	s1 =	sld [smem:$0x3FAD]  }
0x28: {  	s2 =	sld [smem:$0x3FAE]  }
0x29: {  	s4 =	sld [smem:$0x3FB0]  }
0x2a: {  	p0 =	seq.s32 s5, $0x0;
	s5 =	sld [smem:$0x3FB1]  }
0x2b: {  	s6 =	sld [smem:$0x3FB2]  }
0x2c: {  	s7 =	sld [smem:$0x3FB3]  }
0x2d: {  	s3 =	simm.s32 $0x108;
	s8 =	sld [smem:$0x3FB4]  }
0x2e: {  	s3 =	simm.s32 @!p0 $0x1082;
	s9 =	sld [smem:$0x3FB5]  }
0x2f: {  	lr =	sadd.s32 s0, s3;
	s0 =	sld [smem:$0x3FAC]  }
0x30: {  	s3 =	sld [smem:$0x3FAF]  }
0x31: {  	[smem:$0x3FB8] =	sst s10  }
0x32: {  	s10 =	sld [smem:$0x3FB6];
	_ =	sdelay $0x3  }
0x33: {  	p0 =	seq.s32 s10, $0x1;
	s10 =	sld [smem:$0x3FB8];
	_ =	sdelay $0x3  }
0x34: {  	[smem:$0x3FB8] =	sst s10  }
0x35: {  	s10 =	sld [smem:$0x3FB7];
	_ =	sdelay $0x3  }
0x36: {  	p1 =	seq.s32 s10, $0x1;
	s10 =	sld [smem:$0x3FB8];
	_ =	sdelay $0x3  }
0x37: {  	[smem:$0x3FB8] =	sst s10  }
0x38: {  	s10 =	sld [smem:$0x3FB9]  }
0x39: {  	_ = 	snop;
	(pc) =	sbr.ind lr, $3  }
0x3a: {  	_ = 	snop  }
0x3b: {  	_ = 	snop  }
0x3c: {  	p2 =	seq.s32 s10, $0x1;
	s10 =	sld [smem:$0x3FB8]  }
0x3d: {  	_ =	shalt  }
0x3e: {  	_ =	shalt  }
0x3f: {  	_ =	shalt  }
0x40: {  	_ =	shalt  }
0x41: {  	_ =	shalt  }
0x42: {  	_ =	shalt  }
0x43: {  	_ =	shalt  }
0x44: {  	_ =	shalt  }
0x45: {  	_ =	shalt  }
0x46: {  	_ =	shalt  }
0x47: {  	_ =	shalt  }
0x48: {  	_ =	shalt  }
0x49: {  	_ =	shalt  }
0x4a: {  	_ =	shalt  }
0x4b: {  	_ =	shalt  }
0x4c: {  	_ =	shalt  }
0x4d: {  	_ =	shalt  }
0x4e: {  	_ =	shalt  }
0x4f: {  	_ =	shalt  }
0x50: {  	_ =	shalt  }
0x51: {  	_ =	shalt  }
0x52: {  	_ =	shalt  }
0x53: {  	_ =	shalt  }
0x54: {  	_ =	shalt  }
0x55: {  	_ =	shalt  }
0x56: {  	_ =	shalt  }
0x57: {  	_ =	shalt  }
0x58: {  	_ =	shalt  }
0x59: {  	_ =	shalt  }
0x5a: {  	_ =	shalt  }
0x5b: {  	_ =	shalt  }
0x5c: {  	_ =	shalt  }
0x5d: {  	_ =	shalt  }
0x5e: {  	_ =	shalt  }
0x5f: {  	_ =	shalt  }
0x60: {  	_ =	shalt  }
0x61: {  	_ =	shalt  }
0x62: {  	_ =	shalt  }
0x63: {  	_ =	shalt  }
0x64: {  	_ =	shalt  }
0x65: {  	_ =	shalt  }
0x66: {  	_ =	shalt  }
0x67: {  	_ =	shalt  }
0x68: {  	_ =	shalt  }
0x69: {  	_ =	shalt  }
0x6a: {  	_ =	shalt  }
0x6b: {  	_ =	shalt  }
0x6c: {  	_ =	shalt  }
0x6d: {  	_ =	shalt  }
0x6e: {  	_ =	shalt  }
0x6f: {  	_ =	shalt  }
0x70: {  	_ =	shalt  }
0x71: {  	_ =	shalt  }
0x72: {  	_ =	shalt  }
0x73: {  	_ =	shalt  }
0x74: {  	_ =	shalt  }
0x75: {  	_ =	shalt  }
0x76: {  	_ =	shalt  }
0x77: {  	_ =	shalt  }
0x78: {  	_ =	shalt  }
0x79: {  	_ =	shalt  }
0x7a: {  	_ =	shalt  }
0x7b: {  	_ =	shalt  }
0x7c: {  	_ =	shalt  }
0x7d: {  	_ =	shalt  }
0x7e: {  	_ =	shalt  }
0x7f: {  	_ =	shalt  }
0x80: {  	_ =	shalt  }
0x81: {  	_ =	shalt  }
0x82: {  	_ =	shalt  }
0x83: {  	_ =	shalt  }
0x84: {  	_ =	shalt  }
0x85: {  	_ =	shalt  }
0x86: {  	_ =	shalt  }
0x87: {  	_ =	shalt  }
.Lfunc_end0:
.L_simem_size_0:
called_computation_lowered:
.L_overlay_start_0:
0x88: {  	s2 =	sld [smem:$0x3FD9]  }
0x89: {  	s3 =	sld [smem:$0x3FFE];
	_ =	sdelay $0x1  }
0x8a: {  	s1 =	srdreg.scid  }
0x8b: {  	s0 =	sand.u32 $0x1, s1  }
0x8c: {  	s16 =	sshll.u32 s0, $0xA;
	s2 =	sadd.s32 s3, s2  }
0x8d: {  	s2 =	sadd.s32 s2, s16  }
0x8e: {  	[smem:$0x3FC4] =	sst s2  }
0x8f: {  	_ = 	snop  }
0x90: {  	(tm) =	ssettm $0x1  }
0x91: {  	s17 =	sld [smem:$0x3FFB];
	_ =	sdelay $0x3  }
0x92: {  	_ =	strace s17  }
0x93: {  	s2 =	sld [smem:$0x3FFC];
	_ =	sdelay $0x3  }
0x94: {  	_ =	strace s2  }
0x95: {  	s2 =	sld [smem:$0x3FFD];
	_ =	sdelay $0x3  }
0x96: {  	_ =	strace s2  }
0x97: {  	_ =	strace $0x8FFFFFFF  }
0x98: {  	s18 =	sld [smem:$0x3FDB];
	_ =	sdelay $0x1  }
0x99: {  	s19 =	simm.s32 $_scs_section_size  }
0x9a: {  	s4 =	simm.s32 $_size__tile_overlayer_lowered;
	s5 =	simm.s32 $_tile_overlayer_lowered  }
0x9b: {  	s22 =	simm.s32 $0x1BFF;
	s21 =	sshll.u32 s5, $0x1;
	s2 =	sadd.s32 s19, s18  }
0x9c: {  	s6 =	simm.s32 $0x0;
	s20 =	sshll.u32 s4, $0x1;
	s4 =	sadd.s32 s21, s2  }
0x9d: {  	[timem:s6], [sflag:s22] =	dma.local [hbm:s4], s20  }
0x9e: {  	_ =	swait.ge [sflag:s22], s20  }
0x9f: {  	s3 =	ssub.s32 $0x0, s20;
	[sflag:s22] =	ssyncset.done $0x0  }
0xa0: {  	[sflag:s22] =	ssyncadd.s32 s3;
	_ =	sdelay $0x1  }
0xa1: {  	s23 =	simm.s32 $0x1B8B  }
0xa2: {  	_ =	swait.ge [sflag:s23], $0x1  }
0xa3: {  	[sflag:s23] =	ssyncset.done $0x0  }
0xa4: {  	s25 =	simm.s32 $0x1B8E;
	s24 =	sld [smem:$0x3FFE];
	[sflag:s23] =	ssyncadd.s32 $0xFFFFFFFF  }
0xa5: {  	s26 =	simm.s32 $execute0_lowered;
	[smem:$0x3FD2] =	sst s25  }
0xa6: {  	s4 =	sshll.u32 s26, $0x1;
	_ =	strace $0x80000046;
	[dreg:$0x1] =	wrdreg $0xFFFFFFFF  }
0xa7: {  	s28 =	simm.s32 $_size_execute0_lowered;
	s2 =	sadd.s32 s2, s4;
	[dreg:$0x0] =	wrdreg $0x0  }
0xa8: {  	s4 =	sshll.u32 s28, $0x1;
	[dreg:$0x2] =	wrdreg s2  }
0xa9: {  	[dreg:$0x3] =	wrdreg s4  }
0xaa: {  	[dreg:$0x4] =	wrdreg $0xC0  }
0xab: {  	_ =	task [dreg:s6], $0x5FFFF  }
0xac: {  	[dreg:$0x1] =	wrdreg $0xFFFFFFFF  }
0xad: {  	[dreg:$0x0] =	wrdreg $0x60  }
0xae: {  	[dreg:$0x2] =	wrdreg s24  }
0xaf: {  	[dreg:$0x3] =	wrdreg $0x54000  }
0xb0: {  	[dreg:$0x4] =	wrdreg $0x9  }
0xb1: {  	_ =	task.clear_ibuf [dreg:s6], $0x5FFFF;
	_ =	strace $0x90000046  }
0xb2: {  	s29 =	simm.s32 $0x9;
	_ =	strace $0x80000048  }
0xb3: {  	_ =	swait.ge [sflag:s29], $0x1  }
0xb4: {  	[sflag:s29] =	ssyncadd.s32 $0xFFFFFFFF  }
0xb5: {  	_ =	strace $0x90000048  }
0xb6: {  	_ =	sfence  }
0xb7: {  	s30 =	sld [smem:$0x0];
	_ =	sdelay $0x2  }
0xb8: {  	s31 =	sshll.u32 s1, $0xD;
	s1 =	sshrl.u32 s1, $0x2  }
0xb9: {  	s3 =	sand.u32 $0x4000, s31;
	s1 =	sadd.s32 s1, s30  }
0xba: {  	s0 =	sor.u32 s3, s0;
	s1 =	sshll.u32 s1, $0x11  }
0xbb: {  	s0 =	sor.u32 s1, s0  }
0xbc: {  	s0 =	sadd.s32 $0x8F2B, s0  }
0xbd: {  	[sflag:s0] =	ssyncadd.remote.s32 $0x1  }
0xbe: {  	_ =	sfence.sel $0xFFFF  }
0xbf: {  	[dreg:$0x0] =	wrdreg $0xFFFFFFFF;
	(pc) =	sbr.abs _section_cstart, $3  }
0xc0: {  	[dreg:$0x1] =	wrdreg $0xFFFFFFFF  }
0xc1: {  	_ =	task.clear_ibuf [dreg:s6], $0x2FFFF;
	_ =	strace $0x9FFFFFFF  }
0xc2: {  	(tm) =	ssettm $0x7FFFFFFF  }
0xc3: {  	_ =	shalt  }
tec
execute0_lowered:
.L_overlay_start_1:
0x0: {  	(tag) =	ssettag $0x1  }
0x1: {  	s0 =	rddreg [dreg:$0x0]  }
0x2: {  	s1 =	rddreg [dreg:$0x1]  }
0x3: {  	s2 =	srdreg.scid;
	s26 =	stileid.u32  }
0x4: {  	s29 =	simm.s32 $0x1;
	s30 =	simm.s32 $0x400;
	s17 =	smul.u32 $0x280, s26  }
0x5: {  	s4 =	sand.u32 $0x1, s2;
	s2 =	simm.s32 $0x0;
	s6 =	smul.u32 $0xA000, s26  }
0x6: {  	p0 =	seq.s32 s26, $0xF;
	s3 =	smul.u32 $0x2800, s4;
	[smem:$0x7FF] =	sst s2  }
0x7: {  	s5 =	ssub.s32 $0x2, s4;
	s31 =	smul.u32 $0x2710, s4;
	_ =	strace $0x80000047  }
0x8: {  	s22 =	sshrl.u32 s5, $0x1;
	s23 =	sshrl.u32 s6, $0x2;
	s3 =	sadd.s32 s17, s3  }
0x9: {  	s21 =	ssub.s32 s5, s22;
	s5 =	sadd.s32 s23, s1;
	s4 =	sadd.s32 s17, s31  }
0xa: {  	s25 =	sadd.s32 s3, s0;
	s0 =	sadd.s32 $0x5800, s0;
	s3 =	sadd.s32 s17, s1  }
0xb: {  	s4 =	sshrl.u32 s4, $0x3;
	s1 =	sshrl.u32 s31, $0x3;
	s21 =	smax.u32 s21, $0x1  }
0xc: {  	s24 =	sadd.s32 $0x800, s25;
	s6 =	sadd.s32 $0x2800, s3;
	s7 =	sadd.s32 $0x5000, s3  }
0xd: {  	s8 =	sadd.s32 $0x7800, s3;
	s9 =	sadd.s32 $0xA000, s3;
	s10 =	sadd.s32 $0xC800, s3  }
0xe: {  	s11 =	sadd.s32 $0xF000, s3;
	s12 =	sadd.s32 $0x11800, s3;
	s13 =	sadd.s32 $0x14000, s3  }
0xf: {  	s14 =	sadd.s32 $0x16800, s3;
	s15 =	sadd.s32 $0x19000, s3;
	s16 =	sadd.s32 $0x1B800, s3  }
0x10: {  	s17 =	sadd.s32 $0x1E000, s3;
	s18 =	sadd.s32 $0x20800, s3;
	s19 =	sadd.s32 s0, s4  }
0x11: {  	s0 =	sadd.s32 s0, s1;
	s22 =	sadd.s32 $0x880, s25;
	s23 =	sadd.s32 $0x900, s25  }
0x12: {  	s26 =	sadd.s32 $0x23000, s3;
	s28 =	sadd.s32 $0x25800, s3;
	[dreg:$0x3] =	wrdreg s24  }
0x13: {  	v0 =	vimm.f32 $0.0e+00;
	v1 =	vimm.f32 $1.000000000e+00;
	s20 =	sadd.s32 $0x4B0, s0;
	s24 =	sadd.s32 $0x980, s25;
	s25 =	sadd.s32 $0xA00, s25  }
.LBB2_1:
0x14: {  	s0 =	simm.s32 $0x40;
	s1 =	simm.s32 $0x0  }
.LBB2_2:
0x15: {  	p1 =	sne.s32 s0, $0x9FC0;
	[tilespmem:s1+$0x400] =	vst v0;
	s1 =	smov.u32 s0;
	s0 =	sadd.s32 $0x40, s0  }
.Ltmp0:
0x16: {  	(pc) =	sbr.rel @p1 .LBB2_2-.Ltmp0, $2  }
0x17: {  	_ =	sdelay $0x2  }
0x18: {  	s1 =	sshra.s32 s1, $0x2  }
0x19: {  	[tilespmem:s1+$0x400] =	vst v0;
	s0 =	simm.s32 $0x0;
	s4 =	rddreg [dreg:$0x3]  }
0x1a: {  	[tilespmem:s0], [sflag:$0x1] =	stream.linear.gather [hbm4b:s4+s0], $0x400, $0x38;
	[tilespmem:$0x7C00] =	vst v63  }
0x1b: {  	s31 =	sand.u32 $0xE00, s0;
	_ =	swait.ge [sflag:s29], $0x400  }
0x1c: {  	s0 =	sand.u32 $0x70, s0;
	s1 =	sshrl.u32 s31, $0x2;
	[sflag:s29] =	ssyncset.done $0x0  }
0x1d: {  	s0 =	sor.u32 s0, s1;
	[sflag:s29] =	ssyncadd.s32 $0xFFFFFC00  }
0x1e: {  	v2 =	vld [tilespmem:s0+$0x0];
	_ =	sdelay $0x4  }
0x1f: {  	s4 =	simm.s32 $0x40  }
0x20: {  	s4 =	sand.u32 $0xE00, s4;
	s1 =	simm.s32 $0x80;
	s0 =	simm.s32 $0x10  }
.LBB2_4:
0x21: {  	p1 =	sne.s32 s1, $0xFC0;
	s31 =	sand.u32 $0x70, s0;
	s4 =	sshrl.u32 s4, $0x2  }
0x22: {  	s4 =	sor.u32 s31, s4;
	[tilespmem:v2+s30+$0x0] =	vst.idx.add.f32.msk $0xffff, v1  }
0x23: {  	v2 =	vld [tilespmem:s4+$0x0];
	_ =	sdelay $0x1  }
.Ltmp1:
0x24: {  	(pc) =	sbr.rel @p1 .LBB2_4-.Ltmp1, $2  }
0x25: {  	_ =	sdelay $0x2  }
0x26: {  	s0 =	sadd.s32 $0x10, s0;
	s4 =	sand.u32 $0xE00, s1;
	s1 =	sadd.s32 $0x40, s1  }
0x27: {  	_ =	sdelay $0x2  }
0x28: {  	s0 =	sand.u32 $0x70, s0;
	s1 =	sshrl.u32 s4, $0x2  }
0x29: {  	[tilespmem:v2+s30+$0x0] =	vst.idx.add.f32.msk $0xffff, v1;
	s0 =	sor.u32 s0, s1  }
0x2a: {  	v2 =	vld [tilespmem:s0+$0x0];
	_ =	sdelay $0x7  }
0x2b: {  	s1 =	simm.s32 $0x0;
	[tilespmem:v2+s30+$0x0] =	vst.idx.add.f32.msk $0xffff, v1  }
0x2c: {  	[tilespmem:s1], [sflag:$0x1] =	stream.linear.gather [hbm4b:s22+s1], $0x400, $0x38;
	[tilespmem:$0x7C00] =	vst v63  }
0x2d: {  	s4 =	sand.u32 $0xE00, s1;
	_ =	swait.ge [sflag:s29], $0x400  }
0x2e: {  	s0 =	sand.u32 $0x70, s1;
	s1 =	sshrl.u32 s4, $0x2;
	[sflag:s29] =	ssyncset.done $0x0  }
0x2f: {  	s1 =	sor.u32 s0, s1;
	[sflag:s29] =	ssyncadd.s32 $0xFFFFFC00  }
0x30: {  	v2 =	vld [tilespmem:s1+$0x0];
	_ =	sdelay $0x4  }
0x31: {  	s0 =	simm.s32 $0x40  }
0x32: {  	s4 =	simm.s32 $0x10;
	s31 =	sand.u32 $0xE00, s0;
	s1 =	simm.s32 $0x20  }
.LBB2_6:
0x33: {  	p1 =	sne.s32 s1, $0x3F0;
	s4 =	sand.u32 $0x70, s4;
	s31 =	sshrl.u32 s31, $0x2  }
0x34: {  	s31 =	sor.u32 s4, s31;
	[tilespmem:v2+s30+$0x0] =	vst.idx.add.f32.msk $0xffff, v1;
	s4 =	smov.u32 s1  }
0x35: {  	v2 =	vld [tilespmem:s31+$0x0];
	_ =	sdelay $0x1  }
.Ltmp2:
0x36: {  	(pc) =	sbr.rel @p1 .LBB2_6-.Ltmp2, $3  }
0x37: {  	_ =	sdelay $0x1  }
0x38: {  	s0 =	sadd.s32 $0x40, s0  }
0x39: {  	s1 =	sadd.s32 $0x10, s1;
	s31 =	sand.u32 $0xE00, s0  }
0x3a: {  	_ =	sdelay $0x2  }
0x3b: {  	s0 =	sand.u32 $0x70, s4;
	s1 =	sshrl.u32 s31, $0x2  }
0x3c: {  	[tilespmem:v2+s30+$0x0] =	vst.idx.add.f32.msk $0xffff, v1;
	s0 =	sor.u32 s0, s1  }
0x3d: {  	v2 =	vld [tilespmem:s0+$0x0];
	_ =	sdelay $0x7  }
0x3e: {  	s1 =	simm.s32 $0x0;
	[tilespmem:v2+s30+$0x0] =	vst.idx.add.f32.msk $0xffff, v1  }
0x3f: {  	[tilespmem:s1], [sflag:$0x1] =	stream.linear.gather [hbm4b:s23+s1], $0x400, $0x38;
	[tilespmem:$0x7C00] =	vst v63  }
0x40: {  	s4 =	sand.u32 $0xE00, s1;
	_ =	swait.ge [sflag:s29], $0x400  }
0x41: {  	s0 =	sand.u32 $0x70, s1;
	s1 =	sshrl.u32 s4, $0x2;
	[sflag:s29] =	ssyncset.done $0x0  }
0x42: {  	s1 =	sor.u32 s0, s1;
	[sflag:s29] =	ssyncadd.s32 $0xFFFFFC00  }
0x43: {  	v2 =	vld [tilespmem:s1+$0x0];
	_ =	sdelay $0x4  }
0x44: {  	s0 =	simm.s32 $0x40  }
0x45: {  	s4 =	simm.s32 $0x10;
	s31 =	sand.u32 $0xE00, s0;
	s1 =	simm.s32 $0x20  }
.LBB2_8:
0x46: {  	p1 =	sne.s32 s1, $0x3F0;
	s4 =	sand.u32 $0x70, s4;
	s31 =	sshrl.u32 s31, $0x2  }
0x47: {  	s31 =	sor.u32 s4, s31;
	[tilespmem:v2+s30+$0x0] =	vst.idx.add.f32.msk $0xffff, v1;
	s4 =	smov.u32 s1  }
0x48: {  	v2 =	vld [tilespmem:s31+$0x0];
	_ =	sdelay $0x1  }
.Ltmp3:
0x49: {  	(pc) =	sbr.rel @p1 .LBB2_8-.Ltmp3, $3  }
0x4a: {  	_ =	sdelay $0x1  }
0x4b: {  	s0 =	sadd.s32 $0x40, s0  }
0x4c: {  	s1 =	sadd.s32 $0x10, s1;
	s31 =	sand.u32 $0xE00, s0  }
0x4d: {  	_ =	sdelay $0x2  }
0x4e: {  	s0 =	sand.u32 $0x70, s4;
	s1 =	sshrl.u32 s31, $0x2  }
0x4f: {  	[tilespmem:v2+s30+$0x0] =	vst.idx.add.f32.msk $0xffff, v1;
	s0 =	sor.u32 s0, s1  }
0x50: {  	v2 =	vld [tilespmem:s0+$0x0];
	_ =	sdelay $0x7  }
0x51: {  	s1 =	simm.s32 $0x0;
	[tilespmem:v2+s30+$0x0] =	vst.idx.add.f32.msk $0xffff, v1  }
0x52: {  	[tilespmem:s1], [sflag:$0x1] =	stream.linear.gather [hbm4b:s24+s1], $0x400, $0x38;
	[tilespmem:$0x7C00] =	vst v63  }
0x53: {  	s4 =	sand.u32 $0xE00, s1;
	_ =	swait.ge [sflag:s29], $0x400  }
0x54: {  	s0 =	sand.u32 $0x70, s1;
	s1 =	sshrl.u32 s4, $0x2;
	[sflag:s29] =	ssyncset.done $0x0  }
0x55: {  	s1 =	sor.u32 s0, s1;
	[sflag:s29] =	ssyncadd.s32 $0xFFFFFC00  }
0x56: {  	v2 =	vld [tilespmem:s1+$0x0];
	_ =	sdelay $0x4  }
0x57: {  	s0 =	simm.s32 $0x40  }
0x58: {  	s4 =	simm.s32 $0x10;
	s31 =	sand.u32 $0xE00, s0;
	s1 =	simm.s32 $0x20  }
.LBB2_10:
0x59: {  	p1 =	sne.s32 s1, $0x3F0;
	s4 =	sand.u32 $0x70, s4;
	s31 =	sshrl.u32 s31, $0x2  }
0x5a: {  	s31 =	sor.u32 s4, s31;
	[tilespmem:v2+s30+$0x0] =	vst.idx.add.f32.msk $0xffff, v1;
	s4 =	smov.u32 s1  }
0x5b: {  	v2 =	vld [tilespmem:s31+$0x0];
	_ =	sdelay $0x1  }
.Ltmp4:
0x5c: {  	(pc) =	sbr.rel @p1 .LBB2_10-.Ltmp4, $3  }
0x5d: {  	_ =	sdelay $0x1  }
0x5e: {  	s0 =	sadd.s32 $0x40, s0  }
0x5f: {  	s1 =	sadd.s32 $0x10, s1;
	s31 =	sand.u32 $0xE00, s0  }
0x60: {  	_ =	sdelay $0x2  }
0x61: {  	s0 =	sand.u32 $0x70, s4;
	s1 =	sshrl.u32 s31, $0x2  }
0x62: {  	[tilespmem:v2+s30+$0x0] =	vst.idx.add.f32.msk $0xffff, v1;
	s0 =	sor.u32 s0, s1  }
0x63: {  	v2 =	vld [tilespmem:s0+$0x0];
	_ =	sdelay $0x7  }
0x64: {  	s1 =	simm.s32 $0x0;
	[tilespmem:v2+s30+$0x0] =	vst.idx.add.f32.msk $0xffff, v1  }
0x65: {  	[tilespmem:s1], [sflag:$0x1] =	stream.linear.gather [hbm4b:s25+s1], $0x400, $0x38;
	[tilespmem:$0x7C00] =	vst v63  }
0x66: {  	s4 =	sand.u32 $0xE00, s1;
	_ =	swait.ge [sflag:s29], $0x400  }
0x67: {  	s0 =	sand.u32 $0x70, s1;
	s1 =	sshrl.u32 s4, $0x2;
	[sflag:s29] =	ssyncset.done $0x0  }
0x68: {  	s1 =	sor.u32 s0, s1;
	[sflag:s29] =	ssyncadd.s32 $0xFFFFFC00  }
0x69: {  	v2 =	vld [tilespmem:s1+$0x0];
	_ =	sdelay $0x4  }
0x6a: {  	s0 =	simm.s32 $0x40  }
0x6b: {  	s4 =	simm.s32 $0x10;
	s31 =	sand.u32 $0xE00, s0;
	s1 =	simm.s32 $0x20  }
.LBB2_12:
0x6c: {  	p1 =	sne.s32 s1, $0x3F0;
	s4 =	sand.u32 $0x70, s4;
	s31 =	sshrl.u32 s31, $0x2  }
0x6d: {  	s31 =	sor.u32 s4, s31;
	[tilespmem:v2+s30+$0x0] =	vst.idx.add.f32.msk $0xffff, v1;
	s4 =	smov.u32 s1  }
0x6e: {  	v2 =	vld [tilespmem:s31+$0x0];
	_ =	sdelay $0x1  }
.Ltmp5:
0x6f: {  	(pc) =	sbr.rel @p1 .LBB2_12-.Ltmp5, $3  }
0x70: {  	_ =	sdelay $0x1  }
0x71: {  	s0 =	sadd.s32 $0x40, s0  }
0x72: {  	s1 =	sadd.s32 $0x10, s1;
	s31 =	sand.u32 $0xE00, s0  }
0x73: {  	_ =	sdelay $0x2  }
0x74: {  	s0 =	sand.u32 $0x70, s4;
	s1 =	sshrl.u32 s31, $0x2  }
0x75: {  	[tilespmem:v2+s30+$0x0] =	vst.idx.add.f32.msk $0xffff, v1;
	s0 =	sor.u32 s0, s1  }
0x76: {  	v2 =	vld [tilespmem:s0+$0x0];
	_ =	sdelay $0x7  }
0x77: {  	[tilespmem:v2+s30+$0x0] =	vst.idx.add.f32.msk $0xffff, v1  }
0x78: {  	[spmem:s5] =	stream.linear.scatter [tilespmem:s30], [sflag:$0x1], $0x2800, $0x38;
	[tilespmem:$0x7C00] =	vst v63  }
0x79: {  	_ =	swait.ge [sflag:s29], $0x2800  }
0x7a: {  	[sflag:s29] =	ssyncset.done $0x0  }
0x7b: {  	[sflag:s29] =	ssyncadd.s32 $0xFFFFD800  }
0x7c: {  	s1 =	simm.s32 $0x2C00;
	[bflag:$0x0] =	sbarrier.arrive $0xFFFF  }
0x7d: {  	[tilespmem:s1], [sflag:$0x1] =	stream.linear.gather [spmem:s3], $0x280, $0x38;
	[tilespmem:$0x7C00] =	vst v63  }
0x7e: {  	_ =	swait.ge [sflag:s29], $0x280  }
0x7f: {  	[sflag:s29] =	ssyncset.done $0x0  }
0x80: {  	s4 =	simm.s32 $0x2E80;
	[sflag:s29] =	ssyncadd.s32 $0xFFFFFD80  }
0x81: {  	[tilespmem:s4], [sflag:$0x1] =	stream.linear.gather [spmem:s6], $0x280, $0x38;
	[tilespmem:$0x7C00] =	vst v63  }
0x82: {  	_ =	swait.ge [sflag:s29], $0x280  }
0x83: {  	[sflag:s29] =	ssyncset.done $0x0  }
0x84: {  	s1 =	simm.s32 $0x3100;
	[sflag:s29] =	ssyncadd.s32 $0xFFFFFD80  }
0x85: {  	[tilespmem:s1], [sflag:$0x1] =	stream.linear.gather [spmem:s7], $0x280, $0x38;
	[tilespmem:$0x7C00] =	vst v63  }
0x86: {  	_ =	swait.ge [sflag:s29], $0x280  }
0x87: {  	[sflag:s29] =	ssyncset.done $0x0  }
0x88: {  	s4 =	simm.s32 $0x3380;
	[sflag:s29] =	ssyncadd.s32 $0xFFFFFD80  }
0x89: {  	[tilespmem:s4], [sflag:$0x1] =	stream.linear.gather [spmem:s8], $0x280, $0x38;
	[tilespmem:$0x7C00] =	vst v63  }
0x8a: {  	_ =	swait.ge [sflag:s29], $0x280  }
0x8b: {  	[sflag:s29] =	ssyncset.done $0x0  }
0x8c: {  	s1 =	simm.s32 $0x3600;
	[sflag:s29] =	ssyncadd.s32 $0xFFFFFD80  }
0x8d: {  	[tilespmem:s1], [sflag:$0x1] =	stream.linear.gather [spmem:s9], $0x280, $0x38;
	[tilespmem:$0x7C00] =	vst v63  }
0x8e: {  	_ =	swait.ge [sflag:s29], $0x280  }
0x8f: {  	[sflag:s29] =	ssyncset.done $0x0  }
0x90: {  	s4 =	simm.s32 $0x3880;
	[sflag:s29] =	ssyncadd.s32 $0xFFFFFD80  }
0x91: {  	[tilespmem:s4], [sflag:$0x1] =	stream.linear.gather [spmem:s10], $0x280, $0x38;
	[tilespmem:$0x7C00] =	vst v63  }
0x92: {  	_ =	swait.ge [sflag:s29], $0x280  }
0x93: {  	[sflag:s29] =	ssyncset.done $0x0  }
0x94: {  	s1 =	simm.s32 $0x3B00;
	[sflag:s29] =	ssyncadd.s32 $0xFFFFFD80  }
0x95: {  	[tilespmem:s1], [sflag:$0x1] =	stream.linear.gather [spmem:s11], $0x280, $0x38;
	[tilespmem:$0x7C00] =	vst v63  }
0x96: {  	_ =	swait.ge [sflag:s29], $0x280  }
0x97: {  	[sflag:s29] =	ssyncset.done $0x0  }
0x98: {  	s4 =	simm.s32 $0x3D80;
	[sflag:s29] =	ssyncadd.s32 $0xFFFFFD80  }
0x99: {  	[tilespmem:s4], [sflag:$0x1] =	stream.linear.gather [spmem:s12], $0x280, $0x38;
	[tilespmem:$0x7C00] =	vst v63  }
0x9a: {  	_ =	swait.ge [sflag:s29], $0x280  }
0x9b: {  	[sflag:s29] =	ssyncset.done $0x0  }
0x9c: {  	s1 =	simm.s32 $0x4000;
	[sflag:s29] =	ssyncadd.s32 $0xFFFFFD80  }
0x9d: {  	[tilespmem:s1], [sflag:$0x1] =	stream.linear.gather [spmem:s13], $0x280, $0x38;
	[tilespmem:$0x7C00] =	vst v63  }
0x9e: {  	_ =	swait.ge [sflag:s29], $0x280  }
0x9f: {  	[sflag:s29] =	ssyncset.done $0x0  }
0xa0: {  	s4 =	simm.s32 $0x4280;
	[sflag:s29] =	ssyncadd.s32 $0xFFFFFD80  }
0xa1: {  	[tilespmem:s4], [sflag:$0x1] =	stream.linear.gather [spmem:s14], $0x280, $0x38;
	[tilespmem:$0x7C00] =	vst v63  }
0xa2: {  	_ =	swait.ge [sflag:s29], $0x280  }
0xa3: {  	[sflag:s29] =	ssyncset.done $0x0  }
0xa4: {  	s1 =	simm.s32 $0x4500;
	[sflag:s29] =	ssyncadd.s32 $0xFFFFFD80  }
0xa5: {  	[tilespmem:s1], [sflag:$0x1] =	stream.linear.gather [spmem:s15], $0x280, $0x38;
	[tilespmem:$0x7C00] =	vst v63  }
0xa6: {  	_ =	swait.ge [sflag:s29], $0x280  }
0xa7: {  	[sflag:s29] =	ssyncset.done $0x0  }
0xa8: {  	s4 =	simm.s32 $0x4780;
	[sflag:s29] =	ssyncadd.s32 $0xFFFFFD80  }
0xa9: {  	[tilespmem:s4], [sflag:$0x1] =	stream.linear.gather [spmem:s16], $0x280, $0x38;
	[tilespmem:$0x7C00] =	vst v63  }
0xaa: {  	_ =	swait.ge [sflag:s29], $0x280  }
0xab: {  	[sflag:s29] =	ssyncset.done $0x0  }
0xac: {  	s1 =	simm.s32 $0x4A00;
	[sflag:s29] =	ssyncadd.s32 $0xFFFFFD80  }
0xad: {  	[tilespmem:s1], [sflag:$0x1] =	stream.linear.gather [spmem:s17], $0x280, $0x38;
	[tilespmem:$0x7C00] =	vst v63  }
0xae: {  	_ =	swait.ge [sflag:s29], $0x280  }
0xaf: {  	[sflag:s29] =	ssyncset.done $0x0  }
0xb0: {  	s4 =	simm.s32 $0x4C80;
	[sflag:s29] =	ssyncadd.s32 $0xFFFFFD80  }
0xb1: {  	[tilespmem:s4], [sflag:$0x1] =	stream.linear.gather [spmem:s18], $0x280, $0x38;
	[tilespmem:$0x7C00] =	vst v63  }
0xb2: {  	_ =	swait.ge [sflag:s29], $0x280  }
0xb3: {  	[sflag:s29] =	ssyncset.done $0x0  }
0xb4: {  	s1 =	simm.s32 $0x4F00;
	[sflag:s29] =	ssyncadd.s32 $0xFFFFFD80  }
0xb5: {  	[tilespmem:s1], [sflag:$0x1] =	stream.linear.gather [spmem:s26], $0x280, $0x38;
	[tilespmem:$0x7C00] =	vst v63  }
0xb6: {  	_ =	swait.ge [sflag:s29], $0x280  }
0xb7: {  	[sflag:s29] =	ssyncset.done $0x0  }
0xb8: {  	s4 =	simm.s32 $0x5180;
	[sflag:s29] =	ssyncadd.s32 $0xFFFFFD80  }
0xb9: {  	[tilespmem:s4], [sflag:$0x1] =	stream.linear.gather [spmem:s28], $0x280, $0x38;
	[tilespmem:$0x7C00] =	vst v63  }
0xba: {  	_ =	swait.ge [sflag:s29], $0x280  }
0xbb: {  	[sflag:s29] =	ssyncset.done $0x0  }
0xbc: {  	s1 =	simm.s32 $0x0;
	[sflag:s29] =	ssyncadd.s32 $0xFFFFFD80  }
0xbd: {  	v2 =	vld [tilespmem:s1+$0x2C00]  }
0xbe: {  	v3 =	vld [tilespmem:s1+$0x2E80];
	_ =	sdelay $0x1  }
0xbf: {  	v4 =	vld [tilespmem:s1+$0x3100];
	_ =	sdelay $0x1  }
0xc0: {  	v5 =	vld [tilespmem:s1+$0x3380]  }
0xc1: {  	v2 =	vadd.f32 v3, v2  }
0xc2: {  	v3 =	vld [tilespmem:s1+$0x3600]  }
0xc3: {  	v2 =	vadd.f32 v4, v2  }
0xc4: {  	v4 =	vld [tilespmem:s1+$0x3880]  }
0xc5: {  	v2 =	vadd.f32 v5, v2  }
0xc6: {  	v5 =	vld [tilespmem:s1+$0x3B00]  }
0xc7: {  	v2 =	vadd.f32 v3, v2  }
0xc8: {  	v3 =	vld [tilespmem:s1+$0x3D80]  }
0xc9: {  	s0 =	simm.s32 $0x10;
	v6 =	vld [tilespmem:s1+$0x4000];
	v2 =	vadd.f32 v4, v2  }
0xca: {  	v7 =	vld [tilespmem:s0+$0x2C00]  }
0xcb: {  	v4 =	vld [tilespmem:s1+$0x4280];
	v2 =	vadd.f32 v5, v2  }
0xcc: {  	v5 =	vld [tilespmem:s0+$0x2E80]  }
0xcd: {  	v8 =	vld [tilespmem:s0+$0x3100];
	v2 =	vadd.f32 v3, v2  }
0xce: {  	v3 =	vld [tilespmem:s1+$0x4500]  }
0xcf: {  	v9 =	vld [tilespmem:s0+$0x3380];
	v2 =	vadd.f32 v6, v2  }
0xd0: {  	v6 =	vld [tilespmem:s1+$0x4780]  }
0xd1: {  	v5 =	vadd.f32 v5, v7;
	v7 =	vld [tilespmem:s0+$0x3600];
	v2 =	vadd.f32 v4, v2  }
0xd2: {  	v4 =	vld [tilespmem:s1+$0x4A00]  }
0xd3: {  	v5 =	vadd.f32 v8, v5;
	v8 =	vld [tilespmem:s0+$0x3880];
	v2 =	vadd.f32 v3, v2  }
0xd4: {  	v3 =	vld [tilespmem:s1+$0x4C80]  }
0xd5: {  	v10 =	vld [tilespmem:s0+$0x3B00];
	v5 =	vadd.f32 v9, v5;
	v2 =	vadd.f32 v6, v2  }
0xd6: {  	v9 =	vld [tilespmem:s1+$0x4F00]  }
0xd7: {  	v6 =	vadd.f32 v7, v5;
	v5 =	vld [tilespmem:s0+$0x3D80];
	v7 =	vadd.f32 v4, v2  }
0xd8: {  	v4 =	vld [tilespmem:s1+$0x5180]  }
0xd9: {  	v2 =	vld [tilespmem:s0+$0x4280];
	v8 =	vadd.f32 v8, v6;
	v11 =	vadd.f32 v3, v7  }
0xda: {  	s31 =	simm.s32 $0x20;
	v6 =	vld [tilespmem:s0+$0x4000]  }
0xdb: {  	s4 =	simm.s32 $0xC0;
	v3 =	vld [tilespmem:s31+$0x2C00];
	v7 =	vadd.f32 v10, v8;
	v8 =	vadd.f32 v9, v11  }
.LBB2_14:
0xdc: {  	p1 =	sne.s32 s4, $0x9C0;
	v9 =	vld [tilespmem:s31+$0x2E80]  }
0xdd: {  	v5 =	vadd.f32 v5, v7;
	v7 =	vld [tilespmem:s0+$0x4500];
	v4 =	vadd.f32 v4, v8  }
0xde: {  	v8 =	vld [tilespmem:s31+$0x3100]  }
0xdf: {  	v5 =	vadd.f32 v6, v5;
	v6 =	vld [tilespmem:s0+$0x4780];
	[tilespmem:s1+$0x400] =	vst v4;
	s1 =	smov.u32 s0;
	s0 =	smov.u32 s31  }
0xe0: {  	v4 =	vld [tilespmem:s0+$0x3380]  }
0xe1: {  	v3 =	vadd.f32 v9, v3;
	v2 =	vadd.f32 v2, v5;
	v5 =	vld [tilespmem:s1+$0x4A00]  }
0xe2: {  	v9 =	vld [tilespmem:s0+$0x3600]  }
0xe3: {  	v3 =	vadd.f32 v8, v3;
	v2 =	vadd.f32 v7, v2;
	v7 =	vld [tilespmem:s1+$0x4C80]  }
0xe4: {  	v8 =	vld [tilespmem:s0+$0x3880]  }
0xe5: {  	v3 =	vadd.f32 v4, v3;
	v2 =	vadd.f32 v6, v2;
	v10 =	vld [tilespmem:s1+$0x4F00]  }
0xe6: {  	v11 =	vld [tilespmem:s0+$0x3B00]  }
.Ltmp6:
0xe7: {  	v3 =	vadd.f32 v9, v3;
	v6 =	vadd.f32 v5, v2;
	v4 =	vld [tilespmem:s1+$0x5180];
	(pc) =	sbr.rel @p1 .LBB2_14-.Ltmp6, $4  }
0xe8: {  	v5 =	vld [tilespmem:s0+$0x3D80]  }
0xe9: {  	v8 =	vadd.f32 v8, v3;
	v2 =	vld [tilespmem:s0+$0x4280];
	v9 =	vadd.f32 v7, v6  }
0xea: {  	s31 =	sshra.s32 s4, $0x2;
	v6 =	vld [tilespmem:s0+$0x4000]  }
0xeb: {  	s4 =	sadd.s32 $0x40, s4;
	v3 =	vld [tilespmem:s31+$0x2C00];
	v7 =	vadd.f32 v11, v8;
	v8 =	vadd.f32 v10, v9  }
0xec: {  	v9 =	vld [tilespmem:s31+$0x2E80]  }
0xed: {  	v10 =	vld [tilespmem:s0+$0x4500];
	v4 =	vadd.f32 v4, v8  }
0xee: {  	v49 =	vld [tilespmem:s31+$0x3100]  }
0xef: {  	v11 =	vld [tilespmem:s0+$0x4780];
	v5 =	vadd.f32 v5, v7;
	[tilespmem:s1+$0x400] =	vst v4  }
0xf0: {  	v4 =	vld [tilespmem:s31+$0x3380]  }
0xf1: {  	v5 =	vadd.f32 v6, v5;
	v3 =	vadd.f32 v9, v3  }
0xf2: {  	v50 =	vld [tilespmem:s31+$0x3600]  }
0xf3: {  	v51 =	vld [tilespmem:s0+$0x4A00];
	v2 =	vadd.f32 v2, v5;
	v3 =	vadd.f32 v49, v3  }
0xf4: {  	v52 =	vld [tilespmem:s31+$0x3880]  }
0xf5: {  	v53 =	vld [tilespmem:s0+$0x4C80];
	v2 =	vadd.f32 v10, v2;
	v3 =	vadd.f32 v4, v3  }
0xf6: {  	v54 =	vld [tilespmem:s31+$0x3B00]  }
0xf7: {  	v55 =	vld [tilespmem:s0+$0x4F00];
	v2 =	vadd.f32 v11, v2;
	v3 =	vadd.f32 v50, v3  }
0xf8: {  	v56 =	vld [tilespmem:s31+$0x3D80]  }
0xf9: {  	v57 =	vld [tilespmem:s0+$0x5180];
	v2 =	vadd.f32 v51, v2;
	v3 =	vadd.f32 v52, v3  }
0xfa: {  	v58 =	vld [tilespmem:s31+$0x4000]  }
0xfb: {  	v2 =	vadd.f32 v53, v2;
	v3 =	vadd.f32 v54, v3  }
0xfc: {  	v59 =	vld [tilespmem:s31+$0x4280]  }
0xfd: {  	v2 =	vadd.f32 v55, v2;
	v3 =	vadd.f32 v56, v3  }
0xfe: {  	v60 =	vld [tilespmem:s31+$0x4500]  }
0xff: {  	v2 =	vadd.f32 v57, v2;
	v3 =	vadd.f32 v58, v3  }
0x100: {  	v61 =	vld [tilespmem:s31+$0x4780]  }
0x101: {  	[tilespmem:s0+$0x400] =	vst v2;
	v2 =	vadd.f32 v59, v3  }
0x102: {  	v3 =	vld [tilespmem:s31+$0x4A00]  }
0x103: {  	v2 =	vadd.f32 v60, v2  }
0x104: {  	v62 =	vld [tilespmem:s31+$0x4C80]  }
0x105: {  	v2 =	vadd.f32 v61, v2  }
0x106: {  	v63 =	vld [tilespmem:s31+$0x4F00]  }
0x107: {  	v2 =	vadd.f32 v3, v2  }
0x108: {  	v3 =	vld [tilespmem:s31+$0x5180]  }
0x109: {  	v2 =	vadd.f32 v62, v2;
	_ =	sdelay $0x1  }
0x10a: {  	v2 =	vadd.f32 v63, v2;
	_ =	sdelay $0x1  }
0x10b: {  	v2 =	vadd.f32 v3, v2;
	_ =	sdelay $0x1  }
0x10c: {  	s1 =	simm.s32 @p0 $0x400;
	s0 =	simm.s32 @p0 $0x0;
	[tilespmem:s31+$0x400] =	vst v2  }
0x10d: {  	[hbm4b:s20+s0] =	stream.linear.scatter @p0 [tilespmem:s1], [sflag:$0x1], $0x190, $0x38;
	[tilespmem:$0x7C00] =	vst v63  }
0x10e: {  	s0 =	simm.s32 @p0 $0x1  }
0x10f: {  	s2 =	sadd.s32 $0x1, s2;
	_ =	swait.ge @p0 [sflag:s0], $0x190  }
0x110: {  	p1 =	sne.s32 s2, s21;
	[sflag:s0] =	ssyncset.done @p0 $0x0  }
0x111: {  	s1 =	simm.s32 @!p0 $0x400;
	[sflag:s0] =	ssyncadd.s32 @p0 $0xFFFFFE70;
	s0 =	simm.s32 @!p0 $0x0  }
0x112: {  	[hbm4b:s19+s0] =	stream.linear.scatter @!p0 [tilespmem:s1], [sflag:$0x1], $0x280, $0x38;
	[tilespmem:$0x7C00] =	vst v63  }
.Ltmp7:
0x113: {  	_ = 	snop;
	(pc) =	sbr.rel @p1 .LBB2_1-.Ltmp7, $4  }
0x114: {  	s0 =	simm.s32 @!p0 $0x1  }
0x115: {  	_ =	swait.ge @!p0 [sflag:s0], $0x280  }
0x116: {  	[sflag:s0] =	ssyncset.done @!p0 $0x0  }
0x117: {  	[sflag:s0] =	ssyncadd.s32 @!p0 $0xFFFFFD80  }
0x118: {  	_ =	sfence.sel $0x180000  }
0x119: {  	[bflag:$0x0] =	sbarrier.arrive $0xFFFF  }
0x11a: {  	_ =	strace $0x90000047  }
0x11b: {  	s0 =	stileid.u32;
	[bflag:$0x2] =	sbarrier.arrive $0xFFFF  }
0x11c: {  	p0 =	sne.s32 s0, $0x0;
	s0 =	rddreg [dreg:$0x2]  }
0x11d: {  	s0 =	sadd.s32 @!p0 $0x100000, s0  }
0x11e: {  	[sflag:s0] =	ssyncadd.tile.s32 @!p0 $0x1;
	_ =	shalt  }
.Lfunc_end2:
_tile_overlayer_lowered:
.L_overlay_start_2:
0x11f: {  	(tag) =	ssettag $0x2  }
0x120: {  	s0 =	rddreg [dreg:$0x0];
	s2 =	stileid.u32  }
0x121: {  	s1 =	rddreg [dreg:$0x1];
	p0 =	sne.s32 s2, $0x0  }
0x122: {  	s3 =	rddreg [dreg:$0x2];
	[bflag:$0x3] =	sbarrier.arrive $0xFFFF;
	s2 =	simm.s32 @!p0 $0x1C01  }
0x123: {  	[timem:s3], [sflag:s2] =	dma.local @!p0 [hbm:s0], s1  }
0x124: {  	s0 =	simm.s32 @!p0 $0x1  }
0x125: {  	_ =	swait.ge @!p0 [sflag:s0], s1  }
0x126: {  	s1 =	ssub.s32 @!p0 $0x0, s1;
	[sflag:s0] =	ssyncset.done @!p0 $0x0  }
0x127: {  	[sflag:s0] =	ssyncadd.s32 @!p0 s1  }
0x128: {  	[bflag:$0x3] =	sbarrier.arrive $0xFFFF  }
0x129: {  	_ =	shalt  }

// kernel: kernel.9.cloned.1.call-start
scs
__scs_entry_jumppad:
0x0: {  	(pc) =	sbr.rel $0x88, $3  }
0x1: {  	(tag) =	ssettag $0x0;
	lr =	simm.s32 $0x1  }
0x2: {  	[smem:$0x3F9D] =	sst lr;
	_ =	strace $0xD0000000  }
0x3: {  	_ = 	snop  }
0x4: {  	_ = 	snop  }
0x5: {  	_ = 	snop  }
0x6: {  	_ = 	snop  }
0x7: {  	_ = 	snop  }
__scs_overlays_trampoline_lowered:
0x8: {  	[smem:$0x3FAC] =	sst s0  }
0x9: {  	[smem:$0x3FAD] =	sst s1  }
0xa: {  	[smem:$0x3FAE] =	sst s2  }
0xb: {  	[smem:$0x3FAF] =	sst s3  }
0xc: {  	[smem:$0x3FB0] =	sst s4  }
0xd: {  	[smem:$0x3FB1] =	sst s5  }
0xe: {  	[smem:$0x3FB2] =	sst s6  }
0xf: {  	[smem:$0x3FB3] =	sst s7  }
0x10: {  	[smem:$0x3FB4] =	sst s8  }
0x11: {  	[smem:$0x3FB5] =	sst s9;
	s0 =	simm.s32 @!p0 $0x0  }
0x12: {  	s1 =	sld [smem:$0x3F9B];
	s0 =	simm.s32 @p0 $0x1  }
0x13: {  	[smem:$0x3FB6] =	sst s0;
	s0 =	simm.s32 @!p1 $0x0  }
0x14: {  	s2 =	sld [smem:$0x3F9A];
	s0 =	simm.s32 @p1 $0x1  }
0x15: {  	[smem:$0x3FB7] =	sst s0;
	s0 =	simm.s32 @!p2 $0x0  }
0x16: {  	s3 =	sld [smem:$0x3FDB];
	s0 =	simm.s32 @p2 $0x1  }
0x17: {  	s4 =	simm.s32 $0x1BF5;
	[smem:$0x3FB9] =	sst s0  }
0x18: {  	s0 =	sld [smem:$0x3F9C];
	_ =	swait.ge [sflag:s4], $0x0  }
0x19: {  	s7 =	sld [smem:$0x3F9D]  }
0x1a: {  	s8 =	sadd.s32 $0xFFFFE003, lr  }
0x1b: {  	s9 =	sadd.s32 $0xFFFFFEF7, lr;
	s5 =	simm.s32 $0xFFFFFFFF;
	p2 =	slt.u32 s8, $0xFFFFF086  }
0x1c: {  	p1 =	slt.u32 s9, $0xF7A;
	s5 =	simm.s32 @!p2 $0x0  }
0x1d: {  	s5 =	simm.s32 @p1 $0x1;
	p0 =	seq.s32 s7, s2  }
0x1e: {  	s7 =	smul.u32 @!p0 $0xF7A, s2;
	p2 =	seq.s32 @!p0 s5, $0x0  }
0x1f: {  	s9 =	smul.u32 $0xF7A, s1;
	s8 =	simm.s32 @!p0 $0x1BF5;
	p2 =	por !p2, p0  }
0x20: {  	[sflag:s8] =	ssyncset.s32 @!p0 $0xFFFFF086;
	s6 =	sadd.s32 @!p0 s3, s7;
	s7 =	simm.s32 @!p0 $0x108  }
0x21: {  	s3 =	sadd.s32 s3, s9;
	s6 =	sadd.s32 @!p0 $0x88, s6;
	s7 =	simm.s32 @p2 $0x1082  }
0x22: {  	[simem:s7], [sflag:s8] =	dma.local @!p0 [hbm:s6], $0xF7A  }
0x23: {  	s9 =	sor.u32 $0xD0000000, s2;
	s6 =	simm.s32 $0x108;
	_ =	swait.ge @!p0 [sflag:s8], $0x0  }
0x24: {  	s3 =	sadd.s32 $0x88, s3;
	s6 =	simm.s32 @!p1 $0x1082;
	[sflag:s4] =	ssyncset.s32 $0xFFFFF086  }
0x25: {  	[simem:s6], [sflag:s4] =	dma.local [hbm:s3], $0xF7A  }
0x26: {  	[smem:$0x3F9D] =	sst s1;
	(tag) =	ssettag s2;
	_ =	strace s9  }
0x27: {  	s1 =	sld [smem:$0x3FAD]  }
0x28: {  	s2 =	sld [smem:$0x3FAE]  }
0x29: {  	s4 =	sld [smem:$0x3FB0]  }
0x2a: {  	p0 =	seq.s32 s5, $0x0;
	s5 =	sld [smem:$0x3FB1]  }
0x2b: {  	s6 =	sld [smem:$0x3FB2]  }
0x2c: {  	s7 =	sld [smem:$0x3FB3]  }
0x2d: {  	s3 =	simm.s32 $0x108;
	s8 =	sld [smem:$0x3FB4]  }
0x2e: {  	s3 =	simm.s32 @!p0 $0x1082;
	s9 =	sld [smem:$0x3FB5]  }
0x2f: {  	lr =	sadd.s32 s0, s3;
	s0 =	sld [smem:$0x3FAC]  }
0x30: {  	s3 =	sld [smem:$0x3FAF]  }
0x31: {  	[smem:$0x3FB8] =	sst s10  }
0x32: {  	s10 =	sld [smem:$0x3FB6];
	_ =	sdelay $0x3  }
0x33: {  	p0 =	seq.s32 s10, $0x1;
	s10 =	sld [smem:$0x3FB8];
	_ =	sdelay $0x3  }
0x34: {  	[smem:$0x3FB8] =	sst s10  }
0x35: {  	s10 =	sld [smem:$0x3FB7];
	_ =	sdelay $0x3  }
0x36: {  	p1 =	seq.s32 s10, $0x1;
	s10 =	sld [smem:$0x3FB8];
	_ =	sdelay $0x3  }
0x37: {  	[smem:$0x3FB8] =	sst s10  }
0x38: {  	s10 =	sld [smem:$0x3FB9]  }
0x39: {  	_ = 	snop;
	(pc) =	sbr.ind lr, $3  }
0x3a: {  	_ = 	snop  }
0x3b: {  	_ = 	snop  }
0x3c: {  	p2 =	seq.s32 s10, $0x1;
	s10 =	sld [smem:$0x3FB8]  }
0x3d: {  	_ =	shalt  }
0x3e: {  	_ =	shalt  }
0x3f: {  	_ =	shalt  }
0x40: {  	_ =	shalt  }
0x41: {  	_ =	shalt  }
0x42: {  	_ =	shalt  }
0x43: {  	_ =	shalt  }
0x44: {  	_ =	shalt  }
0x45: {  	_ =	shalt  }
0x46: {  	_ =	shalt  }
0x47: {  	_ =	shalt  }
0x48: {  	_ =	shalt  }
0x49: {  	_ =	shalt  }
0x4a: {  	_ =	shalt  }
0x4b: {  	_ =	shalt  }
0x4c: {  	_ =	shalt  }
0x4d: {  	_ =	shalt  }
0x4e: {  	_ =	shalt  }
0x4f: {  	_ =	shalt  }
0x50: {  	_ =	shalt  }
0x51: {  	_ =	shalt  }
0x52: {  	_ =	shalt  }
0x53: {  	_ =	shalt  }
0x54: {  	_ =	shalt  }
0x55: {  	_ =	shalt  }
0x56: {  	_ =	shalt  }
0x57: {  	_ =	shalt  }
0x58: {  	_ =	shalt  }
0x59: {  	_ =	shalt  }
0x5a: {  	_ =	shalt  }
0x5b: {  	_ =	shalt  }
0x5c: {  	_ =	shalt  }
0x5d: {  	_ =	shalt  }
0x5e: {  	_ =	shalt  }
0x5f: {  	_ =	shalt  }
0x60: {  	_ =	shalt  }
0x61: {  	_ =	shalt  }
0x62: {  	_ =	shalt  }
0x63: {  	_ =	shalt  }
0x64: {  	_ =	shalt  }
0x65: {  	_ =	shalt  }
0x66: {  	_ =	shalt  }
0x67: {  	_ =	shalt  }
0x68: {  	_ =	shalt  }
0x69: {  	_ =	shalt  }
0x6a: {  	_ =	shalt  }
0x6b: {  	_ =	shalt  }
0x6c: {  	_ =	shalt  }
0x6d: {  	_ =	shalt  }
0x6e: {  	_ =	shalt  }
0x6f: {  	_ =	shalt  }
0x70: {  	_ =	shalt  }
0x71: {  	_ =	shalt  }
0x72: {  	_ =	shalt  }
0x73: {  	_ =	shalt  }
0x74: {  	_ =	shalt  }
0x75: {  	_ =	shalt  }
0x76: {  	_ =	shalt  }
0x77: {  	_ =	shalt  }
0x78: {  	_ =	shalt  }
0x79: {  	_ =	shalt  }
0x7a: {  	_ =	shalt  }
0x7b: {  	_ =	shalt  }
0x7c: {  	_ =	shalt  }
0x7d: {  	_ =	shalt  }
0x7e: {  	_ =	shalt  }
0x7f: {  	_ =	shalt  }
0x80: {  	_ =	shalt  }
0x81: {  	_ =	shalt  }
0x82: {  	_ =	shalt  }
0x83: {  	_ =	shalt  }
0x84: {  	_ =	shalt  }
0x85: {  	_ =	shalt  }
0x86: {  	_ =	shalt  }
0x87: {  	_ =	shalt  }
.Lfunc_end0:
.L_simem_size_0:
called_computation.1_lowered:
.L_overlay_start_0:
0x88: {  	s2 =	sld [smem:$0x3FD9]  }
0x89: {  	s3 =	sld [smem:$0x3FFE];
	_ =	sdelay $0x1  }
0x8a: {  	s1 =	srdreg.scid  }
0x8b: {  	s0 =	sand.u32 $0x1, s1  }
0x8c: {  	s17 =	sshll.u32 s0, $0xA;
	s2 =	sadd.s32 s3, s2  }
0x8d: {  	s2 =	sadd.s32 s2, s17  }
0x8e: {  	[smem:$0x3FC4] =	sst s2  }
0x8f: {  	_ = 	snop  }
0x90: {  	s2 =	sld [smem:$0x3FD0];
	(tm) =	ssettm $0x1  }
0x91: {  	s18 =	sld [smem:$0x3FFB];
	_ =	sdelay $0x3  }
0x92: {  	_ =	strace s18  }
0x93: {  	s3 =	sld [smem:$0x3FFC];
	_ =	sdelay $0x3  }
0x94: {  	_ =	strace s3  }
0x95: {  	s3 =	sld [smem:$0x3FFD];
	_ =	sdelay $0x3  }
0x96: {  	_ =	strace s3  }
0x97: {  	_ =	strace $0x8FFFFFFF  }
0x98: {  	s19 =	sld [smem:$0x3FDB];
	_ =	sdelay $0x1  }
0x99: {  	s4 =	simm.s32 $_scs_section_size  }
0x9a: {  	s5 =	simm.s32 $_size__tile_overlayer_lowered;
	s6 =	simm.s32 $_tile_overlayer_lowered  }
0x9b: {  	s22 =	simm.s32 $0x1BFF;
	s21 =	sshll.u32 s6, $0x1;
	s3 =	sadd.s32 s4, s19  }
0x9c: {  	s7 =	simm.s32 $0x0;
	s20 =	sshll.u32 s5, $0x1;
	s5 =	sadd.s32 s21, s3  }
0x9d: {  	[timem:s7], [sflag:s22] =	dma.local [hbm:s5], s20  }
0x9e: {  	_ =	swait.ge [sflag:s22], s20  }
0x9f: {  	s4 =	ssub.s32 $0x0, s20;
	[sflag:s22] =	ssyncset.done $0x0  }
0xa0: {  	[sflag:s22] =	ssyncadd.s32 s4;
	_ =	sdelay $0x1  }
0xa1: {  	s23 =	simm.s32 $0x1B8B  }
0xa2: {  	_ =	swait.ge [sflag:s23], $0x1  }
0xa3: {  	[sflag:s23] =	ssyncset.done $0x0  }
0xa4: {  	s25 =	simm.s32 $0x1B8E;
	s24 =	sld [smem:$0x3FFE];
	[sflag:s23] =	ssyncadd.s32 $0xFFFFFFFF  }
0xa5: {  	s26 =	simm.s32 $execute0_lowered;
	[smem:$0x3FD2] =	sst s25  }
0xa6: {  	s5 =	sshll.u32 s26, $0x1;
	_ =	strace $0x80000049;
	[dreg:$0x1] =	wrdreg $0xFFFFFFFF  }
0xa7: {  	s28 =	simm.s32 $_size_execute0_lowered;
	s3 =	sadd.s32 s3, s5;
	[dreg:$0x0] =	wrdreg $0x0  }
0xa8: {  	s5 =	sshll.u32 s28, $0x1;
	[dreg:$0x2] =	wrdreg s3  }
0xa9: {  	[dreg:$0x3] =	wrdreg s5  }
0xaa: {  	[dreg:$0x4] =	wrdreg $0xC0  }
0xab: {  	_ =	task [dreg:s7], $0x5FFFF  }
0xac: {  	[dreg:$0x1] =	wrdreg $0xFFFFFFFF  }
0xad: {  	[dreg:$0x0] =	wrdreg $0x60  }
0xae: {  	[dreg:$0x2] =	wrdreg s24  }
0xaf: {  	[dreg:$0x3] =	wrdreg s2  }
0xb0: {  	[dreg:$0x4] =	wrdreg $0xB2200  }
0xb1: {  	[dreg:$0x5] =	wrdreg $0x9  }
0xb2: {  	_ =	task.clear_ibuf [dreg:s7], $0x6FFFF;
	_ =	strace $0x90000049  }
0xb3: {  	s29 =	simm.s32 $0x9;
	_ =	strace $0x8000004B  }
0xb4: {  	_ =	swait.ge [sflag:s29], $0x1  }
0xb5: {  	[sflag:s29] =	ssyncadd.s32 $0xFFFFFFFF  }
0xb6: {  	_ =	strace $0x9000004B  }
0xb7: {  	_ =	sfence  }
0xb8: {  	s30 =	sld [smem:$0x0];
	_ =	sdelay $0x2  }
0xb9: {  	s31 =	sshll.u32 s1, $0xD;
	s1 =	sshrl.u32 s1, $0x2  }
0xba: {  	s3 =	sand.u32 $0x4000, s31;
	s1 =	sadd.s32 s1, s30  }
0xbb: {  	s0 =	sor.u32 s3, s0;
	s1 =	sshll.u32 s1, $0x11  }
0xbc: {  	s0 =	sor.u32 s1, s0  }
0xbd: {  	s0 =	sadd.s32 $0x8F2B, s0  }
0xbe: {  	[sflag:s0] =	ssyncadd.remote.s32 $0x1  }
0xbf: {  	_ =	sfence.sel $0xFFFF  }
0xc0: {  	[dreg:$0x0] =	wrdreg $0xFFFFFFFF;
	(pc) =	sbr.abs _section_cstart, $3  }
0xc1: {  	[dreg:$0x1] =	wrdreg $0xFFFFFFFF  }
0xc2: {  	_ =	task.clear_ibuf [dreg:s7], $0x2FFFF;
	_ =	strace $0x9FFFFFFF  }
0xc3: {  	(tm) =	ssettm $0x7FFFFFFF  }
tec
execute0_lowered:
.L_overlay_start_1:
0x0: {  	(tag) =	ssettag $0x1  }
0x1: {  	s0 =	rddreg [dreg:$0x0]  }
0x2: {  	s1 =	rddreg [dreg:$0x1]  }
0x3: {  	s2 =	rddreg [dreg:$0x2]  }
0x4: {  	s3 =	srdreg.scid;
	s10 =	stileid.u32  }
0x5: {  	s4 =	simm.s32 $0x0;
	s3 =	sand.u32 $0x1, s3;
	s7 =	smul.u32 $0x138, s10  }
0x6: {  	[smem:$0x7FF] =	sst s4;
	s12 =	smul.u32 $0x1388, s3  }
0x7: {  	s5 =	sadd.s32 $0x6200, s0;
	s8 =	smul.u32 $0x4E400, s10;
	s3 =	ssub.s32 $0x2, s3  }
0x8: {  	s6 =	sadd.s32 $0x800, s0;
	s9 =	sshrl.u32 s3, $0x1;
	s7 =	sadd.s32 s7, s12  }
0x9: {  	s8 =	sshrl.u32 s8, $0x2;
	s3 =	ssub.s32 s3, s9;
	s7 =	sshll.u32 s7, $0x5  }
0xa: {  	s23 =	smax.u32 s3, $0x1;
	s0 =	sadd.s32 s7, s0;
	s7 =	sadd.s32 s8, s2  }
0xb: {  	_ =	strace $0x8000004A;
	[dreg:$0x10] =	wrdreg s23;
	s8 =	sadd.s32 $0x1000, s7  }
0xc: {  	s31 =	sadd.s32 $0x2000, s7;
	[dreg:$0x4] =	wrdreg s8  }
0xd: {  	s9 =	sadd.s32 $0x3000, s7;
	[dreg:$0x5] =	wrdreg s31  }
0xe: {  	s11 =	sadd.s32 $0x4000, s7;
	[dreg:$0x6] =	wrdreg s9  }
0xf: {  	s14 =	sadd.s32 $0x5000, s7;
	[dreg:$0x7] =	wrdreg s11  }
0x10: {  	s16 =	sadd.s32 $0x6000, s7;
	[dreg:$0x8] =	wrdreg s14  }
0x11: {  	s17 =	sadd.s32 $0x7000, s7;
	[dreg:$0x9] =	wrdreg s16  }
0x12: {  	s18 =	sadd.s32 $0x8000, s7;
	[dreg:$0xa] =	wrdreg s17  }
0x13: {  	s13 =	smul.u32 $0x4E000, s10;
	s19 =	sadd.s32 $0x9000, s7;
	[dreg:$0xb] =	wrdreg s18  }
0x14: {  	p0 =	seq.s32 s10, $0xF;
	s20 =	sadd.s32 $0xA000, s7;
	[dreg:$0xc] =	wrdreg s19  }
0x15: {  	s28 =	smul.u32 $0x2800, s10;
	s21 =	sadd.s32 $0xB000, s7;
	[dreg:$0xd] =	wrdreg s20  }
0x16: {  	s15 =	sadd.s32 $0x1388, s12;
	s22 =	sadd.s32 $0x59400, s0;
	[dreg:$0xe] =	wrdreg s21  }
0x17: {  	v0 =	vmov s12;
	s12 =	sadd.s32 $0x134800, s2;
	s24 =	sadd.s32 $0xC000, s7;
	[dreg:$0xf] =	wrdreg s22  }
0x18: {  	v1 =	vmov s15;
	s15 =	simm.s32 $0x400;
	s25 =	sadd.s32 $0xD000, s7;
	[dreg:$0x11] =	wrdreg s24  }
0x19: {  	s23 =	simm.s32 $0x0;
	s26 =	sadd.s32 $0xE000, s7;
	[dreg:$0x12] =	wrdreg s25  }
0x1a: {  	s29 =	sadd.s32 $0xF000, s7;
	s30 =	sadd.s32 $0x10000, s7;
	[dreg:$0x13] =	wrdreg s26  }
0x1b: {  	s3 =	sadd.s32 $0x13000, s7;
	s8 =	sshrl.u32 s13, $0x2;
	[dreg:$0x14] =	wrdreg s29  }
0x1c: {  	s21 =	sadd.s32 $0x5A400, s0;
	s22 =	sadd.s32 $0x5B400, s0;
	[dreg:$0x15] =	wrdreg s30  }
.Ltmp0:
0x1d: {  	s31 =	sadd.s32 $0x11000, s7;
	s0 =	sadd.s32 $0x12000, s7;
	(pc) =	sbr.rel .LBB2_1-.Ltmp0, $4  }
0x1e: {  	s11 =	sadd.s32 $0x12C800, s2;
	s13 =	simm.s32 $0x3220;
	s14 =	simm.s32 $0x2  }
0x1f: {  	s16 =	simm.s32 $0x800;
	s17 =	simm.s32 $0x1D10;
	s18 =	simm.s32 $0x1  }
0x20: {  	v2 =	vimm.f32 $0.0e+00;
	v4 =	vlaneseq.u32;
	s20 =	simm.s32 $0x80;
	s19 =	sadd.s32 s8, s2;
	[dreg:$0x16] =	wrdreg s31  }
0x21: {  	v3 =	vimm.s32 $0x0;
	v5 =	vimm.s32 $0x1388;
	v4 =	vor.u32 $0x1500, v4;
	s8 =	sadd.s32 $0x1400, s28;
	s9 =	sadd.s32 $0x8000, s19;
	s10 =	sadd.s32 $0x10000, s19  }
.LBB2_18:
0x22: {  	[sflag:s14] =	ssyncadd.s32 $0xFFFF8000  }
.LBB2_19:
0x23: {  	[bflag:$0x0] =	sbarrier.arrive $0xFFFF  }
0x24: {  	[tilespmem:s13], [sflag:$0x2] =	stream.linear.gather [spmem:s19], $0x8000, $0x38;
	[tilespmem:$0x1EB20] =	vst v63  }
0x25: {  	_ =	swait.ge [sflag:s14], $0x8000  }
0x26: {  	[sflag:s14] =	ssyncset.done $0x0  }
0x27: {  	s24 =	rddreg [dreg:$0xf];
	[sflag:s14] =	ssyncadd.s32 $0xFFFF8000  }
0x28: {  	[hbm4b:s24+s4] =	stream.linear.scatter [tilespmem:s13], [sflag:$0x2], $0x8000, $0x38;
	[tilespmem:$0x1EB20] =	vst v63  }
0x29: {  	_ =	swait.ge [sflag:s14], $0x8000  }
0x2a: {  	[sflag:s14] =	ssyncset.done $0x0  }
0x2b: {  	s25 =	simm.s32 @p0 $0x2;
	s24 =	simm.s32 @p0 $0x3220;
	[sflag:s14] =	ssyncadd.s32 $0xFFFF8000  }
0x2c: {  	[tilespmem:s24], [sflag:$0x2] =	stream.linear.gather @p0 [spmem:s11], $0x8000, $0x38;
	[tilespmem:$0x1EB20] =	vst v63  }
0x2d: {  	_ =	swait.ge @p0 [sflag:s25], $0x8000  }
0x2e: {  	[sflag:s25] =	ssyncset.done @p0 $0x0  }
0x2f: {  	s26 =	simm.s32 @p0 $0x0;
	[sflag:s25] =	ssyncadd.s32 @p0 $0xFFFF8000  }
0x30: {  	[hbm4b:s21+s26] =	stream.linear.scatter @p0 [tilespmem:s24], [sflag:$0x2], $0x8000, $0x38;
	[tilespmem:$0x1EB20] =	vst v63  }
0x31: {  	_ =	swait.ge @p0 [sflag:s25], $0x8000  }
0x32: {  	[sflag:s25] =	ssyncset.done @p0 $0x0  }
0x33: {  	[sflag:s25] =	ssyncadd.s32 @p0 $0xFFFF8000  }
0x34: {  	[tilespmem:s24], [sflag:$0x2] =	stream.linear.gather @p0 [spmem:s12], $0x4000, $0x38;
	[tilespmem:$0x1EB20] =	vst v63  }
0x35: {  	_ =	swait.ge @p0 [sflag:s25], $0x4000  }
0x36: {  	[sflag:s25] =	ssyncset.done @p0 $0x0  }
0x37: {  	[sflag:s25] =	ssyncadd.s32 @p0 $0xFFFFC000  }
0x38: {  	[hbm4b:s22+s26] =	stream.linear.scatter @p0 [tilespmem:s24], [sflag:$0x2], $0x4000, $0x38;
	[tilespmem:$0x1EB20] =	vst v63  }
0x39: {  	_ =	swait.ge @p0 [sflag:s25], $0x4000  }
0x3a: {  	[sflag:s25] =	ssyncset.done @p0 $0x0  }
0x3b: {  	s24 =	simm.s32 @!p0 $0x3220;
	[sflag:s25] =	ssyncadd.s32 @p0 $0xFFFFC000;
	s25 =	simm.s32 @!p0 $0x2  }
0x3c: {  	[tilespmem:s24], [sflag:$0x2] =	stream.linear.gather @!p0 [spmem:s9], $0x8000, $0x38;
	[tilespmem:$0x1EB20] =	vst v63  }
0x3d: {  	_ =	swait.ge @!p0 [sflag:s25], $0x8000  }
0x3e: {  	[sflag:s25] =	ssyncset.done @!p0 $0x0  }
0x3f: {  	s26 =	simm.s32 @!p0 $0x0;
	[sflag:s25] =	ssyncadd.s32 @!p0 $0xFFFF8000  }
0x40: {  	[hbm4b:s21+s26] =	stream.linear.scatter @!p0 [tilespmem:s24], [sflag:$0x2], $0x8000, $0x38;
	[tilespmem:$0x1EB20] =	vst v63  }
0x41: {  	_ =	swait.ge @!p0 [sflag:s25], $0x8000  }
0x42: {  	[sflag:s25] =	ssyncset.done @!p0 $0x0  }
0x43: {  	[sflag:s25] =	ssyncadd.s32 @!p0 $0xFFFF8000  }
0x44: {  	[tilespmem:s24], [sflag:$0x2] =	stream.linear.gather @!p0 [spmem:s10], $0x3800, $0x38;
	[tilespmem:$0x1EB20] =	vst v63  }
0x45: {  	_ =	swait.ge @!p0 [sflag:s25], $0x3800  }
0x46: {  	[sflag:s25] =	ssyncset.done @!p0 $0x0  }
0x47: {  	[sflag:s25] =	ssyncadd.s32 @!p0 $0xFFFFC800  }
0x48: {  	[hbm4b:s22+s26] =	stream.linear.scatter @!p0 [tilespmem:s24], [sflag:$0x2], $0x3800, $0x38;
	[tilespmem:$0x1EB20] =	vst v63  }
0x49: {  	_ =	swait.ge @!p0 [sflag:s25], $0x3800  }
0x4a: {  	s23 =	sadd.s32 $0x1, s23;
	s31 =	rddreg [dreg:$0x10]  }
0x4b: {  	p1 =	sne.s32 s23, s31  }
.Ltmp1:
0x4c: {  	_ = 	snop;
	(pc) =	sbr.rel @!p1 .LBB2_20-.Ltmp1, $3  }
0x4d: {  	_ =	sdelay $0x1  }
0x4e: {  	[sflag:s25] =	ssyncset.done @!p0 $0x0  }
0x4f: {  	[sflag:s25] =	ssyncadd.s32 @!p0 $0xFFFFC800  }
.LBB2_1:
0x50: {  	s24 =	sand.u32 $0x3C00, s4  }
0x51: {  	s25 =	sand.u32 $0xF0, s4;
	s26 =	sshrl.u32 s24, $0x2  }
0x52: {  	s24 =	simm.s32 $0x40;
	s26 =	sor.u32 s25, s26;
	s25 =	simm.s32 $0x0  }
.LBB2_2:
0x53: {  	p1 =	sne.s32 s24, $0x3FC0  }
0x54: {  	[tilespmem:s26+$0x3220] =	vst v2;
	s25 =	sadd.s32 $0x10, s25;
	s26 =	smov.u32 s24;
	s24 =	sadd.s32 $0x40, s24  }
.Ltmp2:
0x55: {  	(pc) =	sbr.rel @p1 .LBB2_2-.Ltmp2, $4  }
0x56: {  	_ = 	snop  }
0x57: {  	s26 =	sand.u32 $0x3C00, s26  }
0x58: {  	s29 =	sand.u32 $0xF0, s25;
	s26 =	sshrl.u32 s26, $0x2  }
0x59: {  	s26 =	sor.u32 s29, s26  }
0x5a: {  	[tilespmem:s26+$0x3220] =	vst v2  }
0x5b: {  	[spmem:s7] =	stream.linear.scatter [tilespmem:s13], [sflag:$0x2], $0x1000, $0x38;
	[tilespmem:$0x1EB20] =	vst v63  }
0x5c: {  	_ =	swait.ge [sflag:s14], $0x1000  }
0x5d: {  	[sflag:s14] =	ssyncset.done $0x0  }
0x5e: {  	s24 =	rddreg [dreg:$0x4];
	[sflag:s14] =	ssyncadd.s32 $0xFFFFF000  }
0x5f: {  	[spmem:s24] =	stream.linear.scatter [tilespmem:s13], [sflag:$0x2], $0x1000, $0x38;
	[tilespmem:$0x1EB20] =	vst v63  }
0x60: {  	_ =	swait.ge [sflag:s14], $0x1000  }
0x61: {  	[sflag:s14] =	ssyncset.done $0x0  }
0x62: {  	s31 =	rddreg [dreg:$0x5];
	[sflag:s14] =	ssyncadd.s32 $0xFFFFF000  }
0x63: {  	[spmem:s31] =	stream.linear.scatter [tilespmem:s13], [sflag:$0x2], $0x1000, $0x38;
	[tilespmem:$0x1EB20] =	vst v63  }
0x64: {  	_ =	swait.ge [sflag:s14], $0x1000  }
0x65: {  	[sflag:s14] =	ssyncset.done $0x0  }
0x66: {  	s25 =	rddreg [dreg:$0x6];
	[sflag:s14] =	ssyncadd.s32 $0xFFFFF000  }
0x67: {  	[spmem:s25] =	stream.linear.scatter [tilespmem:s13], [sflag:$0x2], $0x1000, $0x38;
	[tilespmem:$0x1EB20] =	vst v63  }
0x68: {  	_ =	swait.ge [sflag:s14], $0x1000  }
0x69: {  	[sflag:s14] =	ssyncset.done $0x0  }
0x6a: {  	s26 =	rddreg [dreg:$0x7];
	[sflag:s14] =	ssyncadd.s32 $0xFFFFF000  }
0x6b: {  	[spmem:s26] =	stream.linear.scatter [tilespmem:s13], [sflag:$0x2], $0x1000, $0x38;
	[tilespmem:$0x1EB20] =	vst v63  }
0x6c: {  	_ =	swait.ge [sflag:s14], $0x1000  }
0x6d: {  	[sflag:s14] =	ssyncset.done $0x0  }
0x6e: {  	s29 =	rddreg [dreg:$0x8];
	[sflag:s14] =	ssyncadd.s32 $0xFFFFF000  }
0x6f: {  	[spmem:s29] =	stream.linear.scatter [tilespmem:s13], [sflag:$0x2], $0x1000, $0x38;
	[tilespmem:$0x1EB20] =	vst v63  }
0x70: {  	_ =	swait.ge [sflag:s14], $0x1000  }
0x71: {  	[sflag:s14] =	ssyncset.done $0x0  }
0x72: {  	s30 =	rddreg [dreg:$0x9];
	[sflag:s14] =	ssyncadd.s32 $0xFFFFF000  }
0x73: {  	[spmem:s30] =	stream.linear.scatter [tilespmem:s13], [sflag:$0x2], $0x1000, $0x38;
	[tilespmem:$0x1EB20] =	vst v63  }
0x74: {  	_ =	swait.ge [sflag:s14], $0x1000  }
0x75: {  	[sflag:s14] =	ssyncset.done $0x0  }
0x76: {  	s31 =	rddreg [dreg:$0xa];
	[sflag:s14] =	ssyncadd.s32 $0xFFFFF000  }
0x77: {  	[spmem:s31] =	stream.linear.scatter [tilespmem:s13], [sflag:$0x2], $0x1000, $0x38;
	[tilespmem:$0x1EB20] =	vst v63  }
0x78: {  	_ =	swait.ge [sflag:s14], $0x1000  }
0x79: {  	[sflag:s14] =	ssyncset.done $0x0  }
0x7a: {  	s25 =	rddreg [dreg:$0xb];
	[sflag:s14] =	ssyncadd.s32 $0xFFFFF000  }
0x7b: {  	[spmem:s25] =	stream.linear.scatter [tilespmem:s13], [sflag:$0x2], $0x1000, $0x38;
	[tilespmem:$0x1EB20] =	vst v63  }
0x7c: {  	_ =	swait.ge [sflag:s14], $0x1000  }
0x7d: {  	[sflag:s14] =	ssyncset.done $0x0  }
0x7e: {  	s26 =	rddreg [dreg:$0xc];
	[sflag:s14] =	ssyncadd.s32 $0xFFFFF000  }
0x7f: {  	[spmem:s26] =	stream.linear.scatter [tilespmem:s13], [sflag:$0x2], $0x1000, $0x38;
	[tilespmem:$0x1EB20] =	vst v63  }
0x80: {  	_ =	swait.ge [sflag:s14], $0x1000  }
0x81: {  	[sflag:s14] =	ssyncset.done $0x0  }
0x82: {  	s29 =	rddreg [dreg:$0xd];
	[sflag:s14] =	ssyncadd.s32 $0xFFFFF000  }
0x83: {  	[spmem:s29] =	stream.linear.scatter [tilespmem:s13], [sflag:$0x2], $0x1000, $0x38;
	[tilespmem:$0x1EB20] =	vst v63  }
0x84: {  	_ =	swait.ge [sflag:s14], $0x1000  }
0x85: {  	[sflag:s14] =	ssyncset.done $0x0  }
0x86: {  	s30 =	rddreg [dreg:$0xe];
	[sflag:s14] =	ssyncadd.s32 $0xFFFFF000  }
0x87: {  	[spmem:s30] =	stream.linear.scatter [tilespmem:s13], [sflag:$0x2], $0x1000, $0x38;
	[tilespmem:$0x1EB20] =	vst v63  }
0x88: {  	_ =	swait.ge [sflag:s14], $0x1000  }
0x89: {  	[sflag:s14] =	ssyncset.done $0x0  }
0x8a: {  	s31 =	rddreg [dreg:$0x11];
	[sflag:s14] =	ssyncadd.s32 $0xFFFFF000  }
0x8b: {  	[spmem:s31] =	stream.linear.scatter [tilespmem:s13], [sflag:$0x2], $0x1000, $0x38;
	[tilespmem:$0x1EB20] =	vst v63  }
0x8c: {  	_ =	swait.ge [sflag:s14], $0x1000  }
0x8d: {  	[sflag:s14] =	ssyncset.done $0x0  }
0x8e: {  	s25 =	rddreg [dreg:$0x12];
	[sflag:s14] =	ssyncadd.s32 $0xFFFFF000  }
0x8f: {  	[spmem:s25] =	stream.linear.scatter [tilespmem:s13], [sflag:$0x2], $0x1000, $0x38;
	[tilespmem:$0x1EB20] =	vst v63  }
0x90: {  	_ =	swait.ge [sflag:s14], $0x1000  }
0x91: {  	[sflag:s14] =	ssyncset.done $0x0  }
0x92: {  	s26 =	rddreg [dreg:$0x13];
	[sflag:s14] =	ssyncadd.s32 $0xFFFFF000  }
0x93: {  	[spmem:s26] =	stream.linear.scatter [tilespmem:s13], [sflag:$0x2], $0x1000, $0x38;
	[tilespmem:$0x1EB20] =	vst v63  }
0x94: {  	_ =	swait.ge [sflag:s14], $0x1000  }
0x95: {  	[sflag:s14] =	ssyncset.done $0x0  }
0x96: {  	s29 =	rddreg [dreg:$0x14];
	[sflag:s14] =	ssyncadd.s32 $0xFFFFF000  }
0x97: {  	[spmem:s29] =	stream.linear.scatter [tilespmem:s13], [sflag:$0x2], $0x1000, $0x38;
	[tilespmem:$0x1EB20] =	vst v63  }
0x98: {  	_ =	swait.ge [sflag:s14], $0x1000  }
0x99: {  	[sflag:s14] =	ssyncset.done $0x0  }
0x9a: {  	s30 =	rddreg [dreg:$0x15];
	[sflag:s14] =	ssyncadd.s32 $0xFFFFF000  }
0x9b: {  	[spmem:s30] =	stream.linear.scatter [tilespmem:s13], [sflag:$0x2], $0x1000, $0x38;
	[tilespmem:$0x1EB20] =	vst v63  }
0x9c: {  	_ =	swait.ge [sflag:s14], $0x1000  }
0x9d: {  	[sflag:s14] =	ssyncset.done $0x0  }
0x9e: {  	s31 =	rddreg [dreg:$0x16];
	[sflag:s14] =	ssyncadd.s32 $0xFFFFF000  }
0x9f: {  	[spmem:s31] =	stream.linear.scatter [tilespmem:s13], [sflag:$0x2], $0x1000, $0x38;
	[tilespmem:$0x1EB20] =	vst v63  }
0xa0: {  	_ =	swait.ge [sflag:s14], $0x1000  }
0xa1: {  	[sflag:s14] =	ssyncset.done $0x0  }
0xa2: {  	[sflag:s14] =	ssyncadd.s32 $0xFFFFF000  }
0xa3: {  	[spmem:s0] =	stream.linear.scatter [tilespmem:s13], [sflag:$0x2], $0x1000, $0x38;
	[tilespmem:$0x1EB20] =	vst v63  }
0xa4: {  	_ =	swait.ge [sflag:s14], $0x1000  }
0xa5: {  	[sflag:s14] =	ssyncset.done $0x0  }
0xa6: {  	[sflag:s14] =	ssyncadd.s32 $0xFFFFF000  }
0xa7: {  	[spmem:s3] =	stream.linear.scatter [tilespmem:s13], [sflag:$0x2], $0x900, $0x38;
	[tilespmem:$0x1EB20] =	vst v63  }
0xa8: {  	_ =	swait.ge [sflag:s14], $0x900  }
0xa9: {  	[sflag:s14] =	ssyncset.done $0x0  }
0xaa: {  	s24 =	simm.s32 $0x0;
	[sflag:s14] =	ssyncadd.s32 $0xFFFFF700  }
0xab: {  	s25 =	simm.s32 $0x0;
	s26 =	simm.s32 $0x0;
	[bflag:$0x0] =	sbarrier.arrive $0xFFFF  }
.LBB2_4:
0xac: {  	s29 =	sshll.u32 s26, $0xA  }
0xad: {  	s29 =	sadd.s32 s28, s29  }
0xae: {  	s29 =	sshrl.u32 s29, $0x3  }
0xaf: {  	s30 =	sadd.s32 s5, s29  }
0xb0: {  	[tilespmem:s25], [sflag:$0x2] =	stream.linear.gather [hbm4b:s30+s25], $0x400, $0x38;
	[tilespmem:$0x1EB20] =	vst v63  }
0xb1: {  	_ =	swait.ge [sflag:s14], $0x400  }
0xb2: {  	[sflag:s14] =	ssyncset.done $0x0  }
0xb3: {  	s29 =	sadd.s32 s6, s29;
	[sflag:s14] =	ssyncadd.s32 $0xFFFFFC00  }
0xb4: {  	[tilespmem:s15], [sflag:$0x2] =	stream.linear.gather [hbm4b:s29+s25], $0x400, $0x38;
	[tilespmem:$0x1EB20] =	vst v63  }
0xb5: {  	_ =	swait.ge [sflag:s14], $0x400  }
0xb6: {  	[sflag:s14] =	ssyncset.done $0x0  }
0xb7: {  	s29 =	simm.s32 $0x0;
	[sflag:s14] =	ssyncadd.s32 $0xFFFFFC00  }
0xb8: {  	v6 =	vld [tilespmem:s29+$0x400];
	_ =	sdelay $0x4  }
0xb9: {  	vm0 =	vge.s32 v6, v0;
	vm1 =	vlt.s32 v6, v1  }
0xba: {  	vm0 =	vmand vm0, vm1  }
0xbb: {  	v7 =	vsel vm0, $0x1, v3  }
0xbc: {  	(xrf0) =	vadd.scan.msk.s32 $0xffff, v7;
	_ =	sdelay $0x2  }
0xbd: {  	v7 =	vmov s24  }
0xbe: {  	v7 =	vadd.s32 $0xFFFFFFFF, v7  }
0xbf: {  	v7 =	vbroadcast v7, $0x0  }
0xc0: {  	v8, _, _ =	vpop (xrf0)  }
0xc1: {  	v7 =	vadd.s32 v8, v7;
	(v2sf) =	vpush v8, $0xF  }
0xc2: {  	v9 =	vld [tilespmem:s29+$0x0];
	v7 =	vsel vm0, v7, v4;
	_ =	sdelay $0x4  }
0xc3: {  	v6 =	vsub.s32 v6, v0;
	[tilespmem:v7+s16+$0x0] =	vst.idx.msk $0xffff, v9  }
0xc4: {  	s30 =	simm.s32 $0x80;
	s29 =	simm.s32 $0x10;
	[tilespmem:v7+s17+$0x0] =	vst.idx.msk $0xffff, v6  }
.LBB2_5:
0xc5: {  	p1 =	sne.s32 s30, $0xFC0;
	v6 =	vld [tilespmem:s29+$0x400];
	_ =	sdelay $0x4  }
0xc6: {  	vm0 =	vge.s32 v6, v0;
	vm1 =	vlt.s32 v6, v1;
	v6 =	vsub.s32 v6, v0  }
0xc7: {  	vm0 =	vmand vm0, vm1  }
0xc8: {  	v7 =	vsel vm0, $0x1, v3;
	s31 =	spop (v2sf)  }
0xc9: {  	(xrf0) =	vadd.scan.msk.s32 $0xffff, v7;
	s24 =	sadd.s32 s24, s31  }
0xca: {  	v7 =	vmov s24  }
0xcb: {  	v7 =	vadd.s32 $0xFFFFFFFF, v7  }
0xcc: {  	v7 =	vbroadcast v7, $0x0;
	_ =	sdelay $0x2  }
0xcd: {  	v8, _, _ =	vpop (xrf0)  }
0xce: {  	v7 =	vadd.s32 v8, v7;
	(v2sf) =	vpush v8, $0xF  }
0xcf: {  	v8 =	vld [tilespmem:s29+$0x0];
	v7 =	vsel vm0, v7, v4;
	_ =	sdelay $0x1  }
.Ltmp3:
0xd0: {  	(pc) =	sbr.rel @p1 .LBB2_5-.Ltmp3, $3  }
0xd1: {  	_ =	sdelay $0x1  }
0xd2: {  	[tilespmem:v7+s16+$0x0] =	vst.idx.msk $0xffff, v8  }
0xd3: {  	s29 =	sshra.s32 s30, $0x2;
	s30 =	sadd.s32 $0x40, s30;
	[tilespmem:v7+s17+$0x0] =	vst.idx.msk $0xffff, v6  }
0xd4: {  	v6 =	vld [tilespmem:s29+$0x400];
	_ =	sdelay $0x4  }
0xd5: {  	vm0 =	vge.s32 v6, v0;
	vm1 =	vlt.s32 v6, v1  }
0xd6: {  	vm0 =	vmand vm0, vm1  }
0xd7: {  	v7 =	vsel vm0, $0x1, v3  }
0xd8: {  	(xrf0) =	vadd.scan.msk.s32 $0xffff, v7;
	_ =	sdelay $0x5  }
0xd9: {  	v7, _, _ =	vpop (xrf0)  }
0xda: {  	(v2sf) =	vpush v7, $0xF;
	_ =	sdelay $0x2  }
0xdb: {  	s30 =	spop (v2sf)  }
0xdc: {  	s24 =	sadd.s32 s24, s30  }
0xdd: {  	v8 =	vmov s24  }
0xde: {  	v8 =	vadd.s32 $0xFFFFFFFF, v8  }
0xdf: {  	v8 =	vbroadcast v8, $0x0;
	_ =	sdelay $0x1  }
0xe0: {  	v7 =	vadd.s32 v7, v8  }
0xe1: {  	v63 =	vld [tilespmem:s29+$0x0];
	s26 =	sadd.s32 $0x1, s26;
	v7 =	vsel vm0, v7, v4  }
0xe2: {  	p1 =	sne.s32 s26, $0x5  }
.Ltmp4:
0xe3: {  	_ = 	snop;
	(pc) =	sbr.rel @p1 .LBB2_4-.Ltmp4, $3  }
0xe4: {  	_ =	sdelay $0x1  }
0xe5: {  	v6 =	vsub.s32 v6, v0;
	[tilespmem:v7+s16+$0x0] =	vst.idx.msk $0xffff, v63;
	s31 =	spop (v2sf)  }
0xe6: {  	[tilespmem:v7+s17+$0x0] =	vst.idx.msk $0xffff, v6;
	s24 =	sadd.s32 s24, s31  }
0xe7: {  	[tilespmem:s24+$0x800] =	vst v3  }
0xe8: {  	[tilespmem:s24+$0x1D10] =	vst v5  }
0xe9: {  	[tilespmem:s24+$0x810] =	vst v3  }
0xea: {  	[tilespmem:s24+$0x1D20] =	vst v5;
	s25 =	sadd.s32 $0x7F, s24  }
0xeb: {  	[tilespmem:s24+$0x820] =	vst v3;
	s26 =	sand.u32 $0x7F, s25  }
0xec: {  	[tilespmem:s24+$0x1D30] =	vst v5;
	s31 =	sshra.s32 s25, $0x1F;
	p2 =	slt.s32 s25, $0x1;
	p1 =	sne.s32 s26, $0x0  }
0xed: {  	[tilespmem:s24+$0x830] =	vst v3;
	s26 =	sshrl.u32 s31, $0x19;
	p1 =	por !p2, !p1  }
0xee: {  	[tilespmem:s24+$0x1D40] =	vst v5;
	s25 =	sadd.s32 s26, s25;
	s26 =	simm.s32 $0x1;
	p1 =	por !p1, !p1  }
0xef: {  	[tilespmem:s24+$0x840] =	vst v3;
	s25 =	sshra.s32 s25, $0x7;
	s26 =	simm.s32 @!p1 $0x0  }
0xf0: {  	[tilespmem:s24+$0x1D50] =	vst v5;
	s26 =	ssub.s32 s25, s26  }
0xf1: {  	[tilespmem:s24+$0x850] =	vst v3;
	p1 =	slt.s32 s26, $0x1  }
.Ltmp5:
0xf2: {  	[tilespmem:s24+$0x1D60] =	vst v5;
	(pc) =	sbr.rel @p1 .LBB2_11-.Ltmp5, $4  }
0xf3: {  	[tilespmem:s24+$0x860] =	vst v3  }
0xf4: {  	[tilespmem:s24+$0x1D70] =	vst v5  }
0xf5: {  	[tilespmem:s24+$0x870] =	vst v3  }
0xf6: {  	[tilespmem:s24+$0x1D80] =	vst v5  }
0xf7: {  	s24 =	simm.s32 $0x800  }
0xf8: {  	[tilespmem:s13], [sflag:$0x1] =	stream.indirect.gather [hbm4b:s1+s20], $0x100, s24, s20, $0xb8;
	[tilespmem:$0x1EB20] =	vst v63  }
0xf9: {  	p1 =	sne.s32 s26, $0x1;
	_ =	swait.ge [sflag:s18], $0x8000  }
.Ltmp6:
0xfa: {  	[sflag:s18] =	ssyncset.done $0x0;
	(pc) =	sbr.rel @!p1 .LBB2_10-.Ltmp6, $4  }
0xfb: {  	s25 =	simm.s32 $0x1D10;
	[sflag:s18] =	ssyncadd.s32 $0xFFFF8000  }
0xfc: {  	[spmem:s2] =	stream.indirect.scatter.add.f32 [tilespmem:s13], [sflag:$0x2], $0x100, s25, s20, $0xb8;
	[tilespmem:$0x1EB20] =	vst v63  }
0xfd: {  	_ =	swait.ge [sflag:s14], $0x8000  }
0xfe: {  	s26 =	sadd.s32 $0xFFFFFFFF, s26;
	[sflag:s14] =	ssyncset.done $0x0  }
.LBB2_9:
0xff: {  	[sflag:s14] =	ssyncadd.s32 $0xFFFF8000;
	s24 =	sadd.s32 $0x80, s24;
	s25 =	sadd.s32 $0x80, s25  }
0x100: {  	[tilespmem:s13], [sflag:$0x1] =	stream.indirect.gather [hbm4b:s1+s20], $0x100, s24, s20, $0xb8;
	[tilespmem:$0x1EB20] =	vst v63  }
0x101: {  	p1 =	sne.s32 s26, $0x1;
	s26 =	sadd.s32 $0xFFFFFFFF, s26;
	_ =	swait.ge [sflag:s18], $0x8000  }
.Ltmp7:
0x102: {  	[sflag:s18] =	ssyncset.done $0x0;
	(pc) =	sbr.rel @p1 .LBB2_9-.Ltmp7, $4  }
0x103: {  	[sflag:s18] =	ssyncadd.s32 $0xFFFF8000  }
0x104: {  	[spmem:s2] =	stream.indirect.scatter.add.f32 [tilespmem:s13], [sflag:$0x2], $0x100, s25, s20, $0xb8;
	[tilespmem:$0x1EB20] =	vst v63  }
0x105: {  	_ =	swait.ge [sflag:s14], $0x8000  }
0x106: {  	[sflag:s14] =	ssyncset.done $0x0  }
.LBB2_10:
0x107: {  	[sflag:s14] =	ssyncadd.s32 $0xFFFF8000  }
.LBB2_11:
0x108: {  	s25 =	simm.s32 $0x0;
	s24 =	simm.s32 $0x0;
	s26 =	simm.s32 $0x0  }
.LBB2_12:
0x109: {  	s29 =	sshll.u32 s26, $0xA  }
0x10a: {  	s29 =	sadd.s32 s29, s8  }
0x10b: {  	s29 =	sshrl.u32 s29, $0x3  }
0x10c: {  	s30 =	sadd.s32 s5, s29  }
0x10d: {  	[tilespmem:s25], [sflag:$0x2] =	stream.linear.gather [hbm4b:s30+s25], $0x400, $0x38;
	[tilespmem:$0x1EB20] =	vst v63  }
0x10e: {  	_ =	swait.ge [sflag:s14], $0x400  }
0x10f: {  	[sflag:s14] =	ssyncset.done $0x0  }
0x110: {  	s29 =	sadd.s32 s6, s29;
	[sflag:s14] =	ssyncadd.s32 $0xFFFFFC00  }
0x111: {  	[tilespmem:s15], [sflag:$0x2] =	stream.linear.gather [hbm4b:s29+s25], $0x400, $0x38;
	[tilespmem:$0x1EB20] =	vst v63  }
0x112: {  	_ =	swait.ge [sflag:s14], $0x400  }
0x113: {  	[sflag:s14] =	ssyncset.done $0x0  }
0x114: {  	s29 =	simm.s32 $0x0;
	[sflag:s14] =	ssyncadd.s32 $0xFFFFFC00  }
0x115: {  	v6 =	vld [tilespmem:s29+$0x400];
	_ =	sdelay $0x4  }
0x116: {  	vm0 =	vge.s32 v6, v0;
	vm1 =	vlt.s32 v6, v1  }
0x117: {  	vm0 =	vmand vm0, vm1  }
0x118: {  	v7 =	vsel vm0, $0x1, v3  }
0x119: {  	(xrf0) =	vadd.scan.msk.s32 $0xffff, v7;
	_ =	sdelay $0x2  }
0x11a: {  	v7 =	vmov s24  }
0x11b: {  	v7 =	vadd.s32 $0xFFFFFFFF, v7  }
0x11c: {  	v7 =	vbroadcast v7, $0x0  }
0x11d: {  	v8, _, _ =	vpop (xrf0)  }
0x11e: {  	v7 =	vadd.s32 v8, v7;
	(v2sf) =	vpush v8, $0xF  }
0x11f: {  	v9 =	vld [tilespmem:s29+$0x0];
	v7 =	vsel vm0, v7, v4;
	_ =	sdelay $0x4  }
0x120: {  	v6 =	vsub.s32 v6, v0;
	[tilespmem:v7+s16+$0x0] =	vst.idx.msk $0xffff, v9  }
0x121: {  	s30 =	simm.s32 $0x80;
	s29 =	simm.s32 $0x10;
	[tilespmem:v7+s17+$0x0] =	vst.idx.msk $0xffff, v6  }
.LBB2_13:
0x122: {  	p1 =	sne.s32 s30, $0xFC0;
	v6 =	vld [tilespmem:s29+$0x400];
	_ =	sdelay $0x4  }
0x123: {  	vm0 =	vge.s32 v6, v0;
	vm1 =	vlt.s32 v6, v1;
	v6 =	vsub.s32 v6, v0  }
0x124: {  	vm0 =	vmand vm0, vm1  }
0x125: {  	v7 =	vsel vm0, $0x1, v3;
	s31 =	spop (v2sf)  }
0x126: {  	(xrf0) =	vadd.scan.msk.s32 $0xffff, v7;
	s24 =	sadd.s32 s24, s31  }
0x127: {  	v7 =	vmov s24  }
0x128: {  	v7 =	vadd.s32 $0xFFFFFFFF, v7  }
0x129: {  	v7 =	vbroadcast v7, $0x0;
	_ =	sdelay $0x2  }
0x12a: {  	v8, _, _ =	vpop (xrf0)  }
0x12b: {  	v7 =	vadd.s32 v8, v7;
	(v2sf) =	vpush v8, $0xF  }
0x12c: {  	v8 =	vld [tilespmem:s29+$0x0];
	v7 =	vsel vm0, v7, v4;
	_ =	sdelay $0x1  }
.Ltmp8:
0x12d: {  	(pc) =	sbr.rel @p1 .LBB2_13-.Ltmp8, $3  }
0x12e: {  	_ =	sdelay $0x1  }
0x12f: {  	[tilespmem:v7+s16+$0x0] =	vst.idx.msk $0xffff, v8  }
0x130: {  	s29 =	sshra.s32 s30, $0x2;
	s30 =	sadd.s32 $0x40, s30;
	[tilespmem:v7+s17+$0x0] =	vst.idx.msk $0xffff, v6  }
0x131: {  	v6 =	vld [tilespmem:s29+$0x400];
	_ =	sdelay $0x4  }
0x132: {  	vm0 =	vge.s32 v6, v0;
	vm1 =	vlt.s32 v6, v1  }
0x133: {  	vm0 =	vmand vm0, vm1  }
0x134: {  	v7 =	vsel vm0, $0x1, v3  }
0x135: {  	(xrf0) =	vadd.scan.msk.s32 $0xffff, v7;
	_ =	sdelay $0x5  }
0x136: {  	v7, _, _ =	vpop (xrf0)  }
0x137: {  	(v2sf) =	vpush v7, $0xF;
	_ =	sdelay $0x2  }
0x138: {  	s30 =	spop (v2sf)  }
0x139: {  	s24 =	sadd.s32 s24, s30  }
0x13a: {  	v8 =	vmov s24  }
0x13b: {  	v8 =	vadd.s32 $0xFFFFFFFF, v8  }
0x13c: {  	v8 =	vbroadcast v8, $0x0;
	_ =	sdelay $0x1  }
0x13d: {  	v7 =	vadd.s32 v7, v8  }
0x13e: {  	v63 =	vld [tilespmem:s29+$0x0];
	s26 =	sadd.s32 $0x1, s26;
	v7 =	vsel vm0, v7, v4  }
0x13f: {  	p1 =	sne.s32 s26, $0x5  }
.Ltmp9:
0x140: {  	_ = 	snop;
	(pc) =	sbr.rel @p1 .LBB2_12-.Ltmp9, $3  }
0x141: {  	_ =	sdelay $0x1  }
0x142: {  	v6 =	vsub.s32 v6, v0;
	[tilespmem:v7+s16+$0x0] =	vst.idx.msk $0xffff, v63;
	s31 =	spop (v2sf)  }
0x143: {  	[tilespmem:v7+s17+$0x0] =	vst.idx.msk $0xffff, v6;
	s24 =	sadd.s32 s24, s31  }
0x144: {  	[tilespmem:s24+$0x800] =	vst v3  }
0x145: {  	[tilespmem:s24+$0x1D10] =	vst v5  }
0x146: {  	[tilespmem:s24+$0x810] =	vst v3  }
0x147: {  	[tilespmem:s24+$0x1D20] =	vst v5;
	s25 =	sadd.s32 $0x7F, s24  }
0x148: {  	[tilespmem:s24+$0x820] =	vst v3;
	s26 =	sand.u32 $0x7F, s25  }
0x149: {  	[tilespmem:s24+$0x1D30] =	vst v5;
	s31 =	sshra.s32 s25, $0x1F;
	p2 =	slt.s32 s25, $0x1;
	p1 =	sne.s32 s26, $0x0  }
0x14a: {  	[tilespmem:s24+$0x830] =	vst v3;
	s26 =	sshrl.u32 s31, $0x19;
	p1 =	por !p2, !p1  }
0x14b: {  	[tilespmem:s24+$0x1D40] =	vst v5;
	s25 =	sadd.s32 s26, s25;
	s26 =	simm.s32 $0x1;
	p1 =	por !p1, !p1  }
0x14c: {  	[tilespmem:s24+$0x840] =	vst v3;
	s25 =	sshra.s32 s25, $0x7;
	s26 =	simm.s32 @!p1 $0x0  }
0x14d: {  	[tilespmem:s24+$0x1D50] =	vst v5;
	s26 =	ssub.s32 s25, s26  }
0x14e: {  	[tilespmem:s24+$0x850] =	vst v3;
	p1 =	slt.s32 s26, $0x1  }
.Ltmp10:
0x14f: {  	[tilespmem:s24+$0x1D60] =	vst v5;
	(pc) =	sbr.rel @p1 .LBB2_19-.Ltmp10, $4  }
0x150: {  	[tilespmem:s24+$0x860] =	vst v3  }
0x151: {  	[tilespmem:s24+$0x1D70] =	vst v5  }
0x152: {  	[tilespmem:s24+$0x870] =	vst v3  }
0x153: {  	[tilespmem:s24+$0x1D80] =	vst v5  }
0x154: {  	s24 =	simm.s32 $0x800  }
0x155: {  	[tilespmem:s13], [sflag:$0x1] =	stream.indirect.gather [hbm4b:s1+s20], $0x100, s24, s20, $0xb8;
	[tilespmem:$0x1EB20] =	vst v63  }
0x156: {  	p1 =	sne.s32 s26, $0x1;
	_ =	swait.ge [sflag:s18], $0x8000  }
.Ltmp11:
0x157: {  	[sflag:s18] =	ssyncset.done $0x0;
	(pc) =	sbr.rel @!p1 .LBB2_18-.Ltmp11, $4  }
0x158: {  	s25 =	simm.s32 $0x1D10;
	[sflag:s18] =	ssyncadd.s32 $0xFFFF8000  }
0x159: {  	[spmem:s2] =	stream.indirect.scatter.add.f32 [tilespmem:s13], [sflag:$0x2], $0x100, s25, s20, $0xb8;
	[tilespmem:$0x1EB20] =	vst v63  }
0x15a: {  	_ =	swait.ge [sflag:s14], $0x8000  }
0x15b: {  	s26 =	sadd.s32 $0xFFFFFFFF, s26;
	[sflag:s14] =	ssyncset.done $0x0  }
.LBB2_17:
0x15c: {  	[sflag:s14] =	ssyncadd.s32 $0xFFFF8000;
	s24 =	sadd.s32 $0x80, s24;
	s25 =	sadd.s32 $0x80, s25  }
0x15d: {  	[tilespmem:s13], [sflag:$0x1] =	stream.indirect.gather [hbm4b:s1+s20], $0x100, s24, s20, $0xb8;
	[tilespmem:$0x1EB20] =	vst v63  }
0x15e: {  	p1 =	sne.s32 s26, $0x1;
	s26 =	sadd.s32 $0xFFFFFFFF, s26;
	_ =	swait.ge [sflag:s18], $0x8000  }
.Ltmp12:
0x15f: {  	[sflag:s18] =	ssyncset.done $0x0;
	(pc) =	sbr.rel @p1 .LBB2_17-.Ltmp12, $4  }
0x160: {  	[sflag:s18] =	ssyncadd.s32 $0xFFFF8000  }
0x161: {  	[spmem:s2] =	stream.indirect.scatter.add.f32 [tilespmem:s13], [sflag:$0x2], $0x100, s25, s20, $0xb8;
	[tilespmem:$0x1EB20] =	vst v63  }
0x162: {  	_ =	swait.ge [sflag:s14], $0x8000  }
0x163: {  	[sflag:s14] =	ssyncset.done $0x0  }
.Ltmp13:
0x164: {  	_ = 	snop;
	(pc) =	sbr.rel .LBB2_18-.Ltmp13, $1  }
0x165: {  	_ =	sdelay $0x3  }
.LBB2_20:
0x166: {  	_ =	sfence.sel $0x180000  }
0x167: {  	[bflag:$0x0] =	sbarrier.arrive $0xFFFF  }
0x168: {  	_ =	strace $0x9000004A  }
0x169: {  	s0 =	stileid.u32;
	[bflag:$0x2] =	sbarrier.arrive $0xFFFF  }
0x16a: {  	p0 =	sne.s32 s0, $0x0;
	s0 =	rddreg [dreg:$0x3]  }
0x16b: {  	s0 =	sadd.s32 @!p0 $0x100000, s0  }
0x16c: {  	[sflag:s0] =	ssyncadd.tile.s32 @!p0 $0x1;
	_ =	shalt  }
.Lfunc_end2:
_tile_overlayer_lowered:
.L_overlay_start_2:
0x16d: {  	(tag) =	ssettag $0x2  }
0x16e: {  	s0 =	rddreg [dreg:$0x0];
	s2 =	stileid.u32  }
0x16f: {  	s1 =	rddreg [dreg:$0x1];
	p0 =	sne.s32 s2, $0x0  }
0x170: {  	s3 =	rddreg [dreg:$0x2];
	[bflag:$0x3] =	sbarrier.arrive $0xFFFF;
	s2 =	simm.s32 @!p0 $0x1C02  }
0x171: {  	[timem:s3], [sflag:s2] =	dma.local @!p0 [hbm:s0], s1  }
0x172: {  	s0 =	simm.s32 @!p0 $0x2  }
0x173: {  	_ =	swait.ge @!p0 [sflag:s0], s1  }
0x174: {  	s1 =	ssub.s32 @!p0 $0x0, s1;
	[sflag:s0] =	ssyncset.done @!p0 $0x0  }
0x175: {  	[sflag:s0] =	ssyncadd.s32 @!p0 s1  }
0x176: {  	[bflag:$0x3] =	sbarrier.arrive $0xFFFF  }
0x177: {  	_ =	shalt  }

</sc_bundles>
